<compile_context>
chip_gen: v7x
topology: tpu7x:2x2x1
jax: 0.10.2.dev20260603
libtpu: 0.0.44.dev20260713+nightly
codegen_flags: <defaults>
</compile_context>

<pallas_src>
import functools

import jax
import jax.numpy as jnp
from jax import lax
from jax.experimental import pallas as pl
from jax.experimental.pallas import tpu as pltpu
from jax.experimental.pallas import tpu_sc as plsc

_PW = 0.005
_RGB_W, _INTER_W, _DIST_W, _HASH_W = 1.0, 1.0, 0.01, 0.1
_HSIZE = 4096
_NW = 32
_SC_BLK = 8192



def _ray_body(s_ref, w_ref, ps0_ref, pw0_ref, ps1_ref, pw1_ref,
              pd_ref, gt_ref, out_ref):
    f32 = jnp.float32
    i = pl.program_id(0)

    @pl.when(i == 0)
    def _():
        out_ref[...] = jnp.zeros_like(out_ref)

    s = s_ref[...]
    w = w_ref[...]
    B = s.shape[1]
    zrow = jnp.zeros((1, B), f32)

    rwn = w / (s[1:] - s[:-1] + 1e-8)
    radio = (jnp.concatenate([rwn, zrow], 0)
             - jnp.concatenate([zrow, rwn], 0)) / (2.0 * _PW)
    a = s - _PW
    b = s + _PW
    C = (s[None, :, :] < (s[:, None, :] - 2.0 * _PW)).astype(f32)
    ii = lax.broadcasted_iota(jnp.int32, (33, B), 0).astype(f32)
    ra = ii + jnp.sum(C, axis=1)
    rb = ii + 33.0 - jnp.sum(C, axis=0)
    kk = lax.broadcasted_iota(jnp.int32, (33, 66, B), 1).astype(f32)
    oh_a = (ra[:, None, :] == kk).astype(f32)
    oh_b = (rb[:, None, :] == kk).astype(f32)
    bs = jnp.sum(a[:, None, :] * oh_a + b[:, None, :] * oh_b, axis=0)
    rs = jnp.sum(radio[:, None, :] * (oh_a[:, :65, :] - oh_b[:, :65, :]),
                 axis=0)
    dsd = bs[1:] - bs[:-1]
    lt65 = (lax.broadcasted_iota(jnp.int32, (65, 65), 0)
            >= lax.broadcasted_iota(jnp.int32, (65, 65), 1)).astype(f32)
    dot = functools.partial(jax.lax.dot_general,
                            dimension_numbers=(((1,), (0,)), ((), ())),
                            precision=jax.lax.Precision.HIGHEST,
                            preferred_element_type=f32)
    cr = dot(lt65, rs)
    recover = jnp.maximum(dot(lt65, dsd * cr), 0.0)
    bwf = jnp.concatenate([zrow, recover], 0)
    area = 0.5 * (bwf[1:] + bwf[:-1]) * dsd
    cdf = jnp.concatenate([zrow, dot(lt65, area)], 0)

    inter_p = jnp.zeros((B,), f32)
    for ps_ref, pw_ref in ((ps0_ref, pw0_ref), (ps1_ref, pw1_ref)):
        ps = ps_ref[...]
        pw = pw_ref[...]
        mask = ps[None, :, :] >= bs[:, None, :]
        mm = lax.broadcasted_iota(jnp.int32, (66, 65, B), 0).astype(f32)
        av = jnp.where(mask, cdf[:, None, :], cdf[0][None, None, :])
        x0 = jnp.max(av, axis=0)
        i0 = jnp.min(jnp.where(av == x0[None], mm, 66.0), axis=0)
        bv = jnp.where(mask, cdf[65][None, None, :], cdf[:, None, :])
        x1 = jnp.min(bv, axis=0)
        i1 = jnp.min(jnp.where(bv == x1[None], mm, 66.0), axis=0)
        fpdf0 = jnp.sum(jnp.where(i0[None] == mm, bwf[:, None, :], 0.0), axis=0)
        fpdf1 = jnp.sum(jnp.where(i1[None] == mm, bwf[:, None, :], 0.0), axis=0)
        axp = jnp.where(mask, bs[:, None, :], bs[0][None, None, :])
        xp0 = jnp.max(axp, axis=0)
        bxp = jnp.where(mask, bs[65][None, None, :], bs[:, None, :])
        xp1 = jnp.min(bxp, axis=0)
        z = (ps - xp0) / (xp1 - xp0)
        z = jnp.where(jnp.isnan(z), 0.0, z)
        off = jnp.clip(z, 0.0, 1.0)
        ci = x0 + (ps - xp0) * (fpdf0 + fpdf1 * off + fpdf0 * (1.0 - off)) / 2.0
        w_s = ci[1:] - ci[:-1]
        inter_p = inter_p + jnp.sum(
            jnp.maximum(w_s - pw, 0.0) ** 2 / (pw + 1e-5), axis=0)

    mids = (s[1:] + s[:-1]) / 2.0
    sd = jnp.abs(mids[:, None, :] - mids[None, :, :])
    t1 = jnp.sum(w[None, :, :] * sd, axis=1)
    p1 = jnp.sum(w * t1, axis=0)
    p2 = jnp.sum(w ** 2 * (s[1:] - s[:-1]), axis=0) / 3.0
    dist_p = jnp.abs(p1) + jnp.abs(p2)

    pd = pd_ref[...]
    gt = gt_ref[...]
    rgb_p = jnp.sum((pd - gt) ** 2, axis=0)

    pad = jnp.zeros((5, B), f32)
    out_ref[...] += jnp.concatenate(
        [rgb_p[None], inter_p[None], dist_p[None], pad], 0)


def _ray_losses(sT, wT, ps0T, pw0T, ps1T, pw1T, pdT, gtT):
    Rtot = sT.shape[1]
    BR = 128
    grid = Rtot // BR
    sp = lambda r: pl.BlockSpec((r, BR), lambda i: (0, i))
    return pl.pallas_call(
        _ray_body,
        grid=(grid,),
        in_specs=[sp(33), sp(32), sp(65), sp(64), sp(65), sp(64), sp(3), sp(3)],
        out_specs=pl.BlockSpec((8, 128), lambda i: (0, 0)),
        out_shape=jax.ShapeDtypeStruct((8, 128), jnp.float32),
    )(sT, wT, ps0T, pw0T, ps1T, pw1T, pdT, gtT)



def _hash_partials(e0c0, e0c1, i0, e1c0, e1c1, i1):
    N = i0.shape[0]
    M = N // _NW
    B = _SC_BLK
    nblk = M // B
    mesh = plsc.VectorSubcoreMesh(core_axis_name="c", subcore_axis_name="s")

    @functools.partial(
        pl.kernel, mesh=mesh,
        out_type=[jax.ShapeDtypeStruct((2, 2, _HSIZE), jnp.float32),
                  jax.ShapeDtypeStruct((2, 2, _HSIZE), jnp.float32)],
        scratch_types=[pltpu.VMEM((B,), jnp.int32),
                       pltpu.VMEM((B,), jnp.int32),
                       pltpu.VMEM((B,), jnp.float32),
                       pltpu.VMEM((B,), jnp.float32),
                       pltpu.VMEM((B,), jnp.float32),
                       pltpu.VMEM((B,), jnp.float32),
                       pltpu.VMEM((B,), jnp.float32),
                       pltpu.VMEM((_HSIZE,), jnp.float32),
                       pltpu.VMEM_SHARED((_HSIZE,), jnp.float32),
                       pltpu.VMEM_SHARED((_HSIZE,), jnp.float32),
                       pltpu.SemaphoreType.DMA,
                       pltpu.SemaphoreType.DMA,
                       pltpu.SemaphoreType.DMA,
                       pltpu.SemaphoreType.DMA,
                       pltpu.SemaphoreType.DMA,
                       pltpu.SemaphoreType.DMA],
    )
    def k(e0c0_h, e0c1_h, i0_h, e1c0_h, e1c1_h, i1_h, outS, outC,
          idx_a, idx_b, c0_a, c0_b, c1_a, c1_b, ones_v, zero_v,
          acc_sh, cnt_sh,
          si_a, si_b, s0_a, s0_b, s1_a, s1_b):
        cid = lax.axis_index("c")
        sid = lax.axis_index("s")
        wid = cid * 16 + sid
        base0 = wid * M
        ones16 = jnp.ones((16,), jnp.float32)
        zeros16 = jnp.zeros((16,), jnp.float32)

        def fill(v, _):
            ones_v[pl.ds(v * 16, 16)] = ones16
            return 0
        lax.fori_loop(0, B // 16, fill, 0)

        def fillz(v, _):
            zero_v[pl.ds(v * 16, 16)] = zeros16
            return 0
        lax.fori_loop(0, _HSIZE // 16, fillz, 0)

        idx_bufs = (idx_a, idx_b)
        c0_bufs = (c0_a, c0_b)
        c1_bufs = (c1_a, c1_b)
        si = (si_a, si_b)
        s0 = (s0_a, s0_b)
        s1 = (s1_a, s1_b)

        for t, (ec0_h, ec1_h, i_h) in enumerate(((e0c0_h, e0c1_h, i0_h),
                                                 (e1c0_h, e1c1_h, i1_h))):

            @pl.when(sid == 0)
            def _():
                pltpu.sync_copy(zero_v, acc_sh)
                pltpu.sync_copy(zero_v, cnt_sh)
            plsc.subcore_barrier()

            handles = {}

            def issue(blk, buf):
                st = base0 + blk * B
                handles[(buf, 0)] = pltpu.async_copy(
                    i_h.at[pl.ds(st, B)], idx_bufs[buf], si[buf])
                handles[(buf, 1)] = pltpu.async_copy(
                    ec0_h.at[pl.ds(st, B)], c0_bufs[buf], s0[buf])
                handles[(buf, 2)] = pltpu.async_copy(
                    ec1_h.at[pl.ds(st, B)], c1_bufs[buf], s1[buf])

            issue(0, 0)
            for blk in range(nblk):
                buf = blk % 2
                handles[(buf, 0)].wait()
                handles[(buf, 1)].wait()
                handles[(buf, 2)].wait()
                if blk + 1 < nblk:
                    issue(blk + 1, 1 - buf)
                c0r = c0_bufs[buf]
                c1r = c1_bufs[buf]

                def body(v, _):
                    sl = pl.ds(v * 16, 16)
                    a = c0r[sl]
                    b = c1r[sl]
                    c0r[sl] = a * a + b * b
                    return 0
                lax.fori_loop(0, B // 16, body, 0)

                pltpu.sync_copy(c0r, acc_sh.at[idx_bufs[buf]], add=True)
                pltpu.sync_copy(ones_v, cnt_sh.at[idx_bufs[buf]], add=True)

            plsc.subcore_barrier()

            @pl.when(sid == 0)
            def _():
                pltpu.sync_copy(acc_sh, outS.at[t, cid])
                pltpu.sync_copy(cnt_sh, outC.at[t, cid])
            plsc.subcore_barrier()

    return k(e0c0, e0c1, i0, e1c0, e1c1, i1)



def _hash_combine_body(s_ref, c_ref, o_ref):
    f32 = jnp.float32
    S = jnp.sum(s_ref[...], axis=1)
    C = jnp.sum(c_ref[...], axis=1)
    present = C > 0.0
    mean = jnp.where(present, S / jnp.maximum(C, 1.0), 0.0)
    ssum = jnp.sum(mean, axis=1)
    segid = lax.broadcasted_iota(jnp.int32, (2, _HSIZE), 1).astype(f32) + 1.0
    num_seg = jnp.max(jnp.where(present, segid, 0.0), axis=1)
    lh = jnp.sum(ssum / (num_seg * 2.0))
    o_ref[...] = jnp.full((1, 128), lh, f32)


def _hash_combine(Sp, Cp):
    return pl.pallas_call(
        _hash_combine_body,
        in_specs=[pl.BlockSpec((2, 2, _HSIZE), lambda: (0, 0, 0)),
                  pl.BlockSpec((2, 2, _HSIZE), lambda: (0, 0, 0))],
        out_specs=pl.BlockSpec((1, 128), lambda: (0, 0)),
        out_shape=jax.ShapeDtypeStruct((1, 128), jnp.float32),
    )(Sp, Cp)



def kernel(pd_rgbs, gt_rgbs, render_sdist, render_weights,
           prop_sdist_0, prop_weights_0, prop_sdist_1, prop_weights_1,
           enc_embds_0, enc_idx_0, enc_embds_1, enc_idx_1):
    Rtot = pd_rgbs.shape[0]
    ray_out = _ray_losses(render_sdist.T, render_weights.T,
                          prop_sdist_0.T, prop_weights_0.T,
                          prop_sdist_1.T, prop_weights_1.T,
                          pd_rgbs.T, gt_rgbs.T)
    Sp, Cp = _hash_partials(enc_embds_0[:, 0], enc_embds_0[:, 1],
                            enc_idx_0.astype(jnp.int32),
                            enc_embds_1[:, 0], enc_embds_1[:, 1],
                            enc_idx_1.astype(jnp.int32))
    lh = _hash_combine(Sp, Cp)[0, 0]
    loss_rgb = jnp.sum(ray_out[0]) / (Rtot * 3)
    loss_inter = jnp.sum(ray_out[1]) / (Rtot * 64)
    loss_dist = jnp.sum(ray_out[2]) / Rtot
    return (_RGB_W * loss_rgb + _INTER_W * loss_inter
            + _DIST_W * loss_dist + _HASH_W * lh)

# --- scband reference (transcript-rebuilt; emitter-appended) ---
"""Pipeline reference for scband-loss-dict-50646254354805 (READ-ONLY COPY).

The authoritative reference and input builder live on the scoring server;
editing this copy changes nothing except your own understanding.
"""

import jax, jax.numpy as jnp
import numpy as np

PULSE_WIDTH = (0.005, 0.005)
RGB_W, INTER_W, DIST_W, HASH_W = 1.0, 1.0, 0.01, 0.1
HASH_TABLE_SIZE = 4096


def _make_sdist(key, r, n):
    u = jax.random.uniform(key, (r, n + 1), minval=0.1, maxval=1.0, dtype=jnp.float32)
    s = jnp.cumsum(u, axis=-1)
    return s / s[..., -1:]


def _make_weights(key, r, n):
    w = jax.random.uniform(key, (r, n), dtype=jnp.float32)
    return w / (jnp.sum(w, axis=-1, keepdims=True) + 1e-6) * 0.9


def setup_inputs(seed: int = 0):
    key = jax.random.key(seed)
    ks = jax.random.split(key, 12)
    R = 8192
    N_param = 2097152
    inp = {}
    inp['pd_rgbs'] = jax.random.normal(ks[0], (R, 3), dtype=jnp.float32)
    inp['gt_rgbs'] = jax.random.uniform(ks[1], (R, 3), dtype=jnp.float32)
    inp['render_sdist'] = _make_sdist(ks[2], R, 32)
    inp['render_weights'] = _make_weights(ks[3], R, 32)
    inp['prop_sdist_0'] = _make_sdist(ks[4], R, 64)
    inp['prop_weights_0'] = _make_weights(ks[5], R, 64)
    inp['prop_sdist_1'] = _make_sdist(ks[6], R, 64)
    inp['prop_weights_1'] = _make_weights(ks[7], R, 64)
    inp['enc_embds_0'] = jax.random.normal(ks[8], (N_param, 2), dtype=jnp.float32) * 0.01
    inp['enc_idx_0'] = jnp.sort(jax.random.randint(ks[9], (N_param,), 0, 4096))
    inp['enc_embds_1'] = jax.random.normal(ks[10], (N_param, 2), dtype=jnp.float32) * 0.01
    inp['enc_idx_1'] = jnp.sort(jax.random.randint(ks[11], (N_param,), 0, 4096))
    return inp


def _blur_step_function(render_sdist, render_weights_norm, pulse_width):
    bounds = jnp.concatenate([render_sdist - pulse_width, render_sdist + pulse_width], axis=-1)
    sort_idx = jnp.argsort(bounds, axis=-1)
    bounds_sorted = jnp.take_along_axis(bounds, sort_idx, axis=-1)
    w1 = jnp.concatenate([render_weights_norm, jnp.zeros_like(render_weights_norm[..., :1])], axis=-1)
    w2 = jnp.concatenate([jnp.zeros_like(render_weights_norm[..., :1]), render_weights_norm], axis=-1)
    radio = (w1 - w2) / (2.0 * pulse_width)
    radio_double = jnp.concatenate([radio, -radio], axis=-1)
    radio_sorted = jnp.take_along_axis(radio_double, sort_idx[..., :-1], axis=-1)
    dsdist = bounds_sorted[..., 1:] - bounds_sorted[..., :-1]
    cradio = jnp.cumsum(radio_sorted, axis=-1)
    recover = jnp.maximum(jnp.cumsum(dsdist * cradio, axis=-1), 0.0)
    blur_weights = jnp.concatenate([jnp.zeros_like(recover[..., :1]), recover], axis=-1)
    return bounds_sorted, blur_weights


def _sorted_interp_quad(x, xp, fpdf, fcdf):
    mask = x[..., None, :] >= xp[..., :, None]

    def find_interval(v, return_idx=False):
        a = jnp.where(mask, v[..., None], v[..., :1, None])
        x0 = jnp.max(a, axis=-2)
        x0_idx = jnp.argmax(a, axis=-2)
        b = jnp.where(~mask, v[..., None], v[..., -1:, None])
        x1 = jnp.min(b, axis=-2)
        x1_idx = jnp.argmin(b, axis=-2)
        if return_idx:
            return x0, x1, x0_idx, x1_idx
        return x0, x1

    fcdf0, fcdf1, i0, i1 = find_interval(fcdf, True)
    fpdf0 = jnp.take_along_axis(fpdf, i0, axis=-1)
    fpdf1 = jnp.take_along_axis(fpdf, i1, axis=-1)
    xp0, xp1 = find_interval(xp)
    offset = jnp.clip(jnp.nan_to_num((x - xp0) / (xp1 - xp0), nan=0.0), 0.0, 1.0)
    return fcdf0 + (x - xp0) * (fpdf0 + fpdf1 * offset + fpdf0 * (1.0 - offset)) / 2.0


def _inter_loss(prop_sdist_list, prop_weights_list, render_sdist, render_weights):
    rwn = render_weights / (render_sdist[..., 1:] - render_sdist[..., :-1] + 1e-8)
    loss = 0.0
    for i in range(len(prop_sdist_list)):
        ps = prop_sdist_list[i]
        pw = prop_weights_list[i]
        bounds, bw = _blur_step_function(render_sdist, rwn, PULSE_WIDTH[i])
        area = 0.5 * (bw[..., 1:] + bw[..., :-1]) * (bounds[..., 1:] - bounds[..., :-1])
        cdf = jnp.concatenate([jnp.zeros_like(area[..., :1]), jnp.cumsum(area, axis=-1)], axis=-1)
        cdf_interp = _sorted_interp_quad(ps, bounds, bw, cdf)
        w_s = jnp.diff(cdf_interp, axis=-1)
        loss = loss + jnp.mean(jnp.maximum(w_s - pw, 0.0) ** 2 / (pw + 1e-5))
    return loss


def _dist_loss(render_weights, render_sdist):
    mids = (render_sdist[..., 1:] + render_sdist[..., :-1]) / 2.0
    sd = jnp.abs(mids[..., :, None] - mids[..., None, :])
    p1 = jnp.sum(render_weights * jnp.sum(render_weights[..., None, :] * sd, axis=-1), axis=-1)
    p2 = jnp.sum(render_weights ** 2 * (render_sdist[..., 1:] - render_sdist[..., :-1]), axis=-1) / 3.0
    return jnp.mean(jnp.abs(p1) + jnp.abs(p2))


def _hash_loss(embds_list, idx_list):
    loss = 0.0
    for p, idx in zip(embds_list, idx_list):
        num_seg = jnp.max(idx) + 1
        sums = jax.ops.segment_sum(p ** 2, idx, num_segments=HASH_TABLE_SIZE)
        cnts = jax.ops.segment_sum(jnp.ones((p.shape[0],), dtype=p.dtype), idx, num_segments=HASH_TABLE_SIZE)
        mean_seg = sums / jnp.maximum(cnts, 1.0)[:, None]
        loss = loss + jnp.sum(mean_seg) / (num_seg * p.shape[1]).astype(p.dtype)
    return loss


def reference(pd_rgbs, gt_rgbs, render_sdist, render_weights, prop_sdist_0, prop_weights_0, prop_sdist_1, prop_weights_1, enc_embds_0, enc_idx_0, enc_embds_1, enc_idx_1):
    loss_rgb = jnp.mean((pd_rgbs - gt_rgbs) ** 2)
    loss_inter = _inter_loss([prop_sdist_0, prop_sdist_1], [prop_weights_0, prop_weights_1], render_sdist, render_weights)
    loss_dist = _dist_loss(render_weights, render_sdist)
    loss_hash = _hash_loss([enc_embds_0, enc_embds_1], [enc_idx_0, enc_idx_1])
    return RGB_W * loss_rgb + INTER_W * loss_inter + DIST_W * loss_dist + HASH_W * loss_hash

if __name__ == "__main__":
    import jax
    _d = setup_inputs()
    print(jax.jit(kernel)(*tuple(_d.values())))

</pallas_src>

<mosaic_0001>
#map = affine_map<(d0, d1) -> (0)>
#map1 = affine_map<(d0, d1) -> (0, 0, 0)>
module attributes {stable_mosaic.version = 14 : i64} {
  func.func @k(%arg0: i32, %arg1: i32, %arg2: memref<2097152xf32, #tpu.memory_space<hbm>>, %arg3: memref<2097152xf32, #tpu.memory_space<hbm>>, %arg4: memref<2097152xi32, #tpu.memory_space<hbm>>, %arg5: memref<2097152xf32, #tpu.memory_space<hbm>>, %arg6: memref<2097152xf32, #tpu.memory_space<hbm>>, %arg7: memref<2097152xi32, #tpu.memory_space<hbm>>, %arg8: memref<2x2x4096xf32, #tpu.memory_space<hbm>>, %arg9: memref<2x2x4096xf32, #tpu.memory_space<hbm>>, %arg10: memref<8192xi32, #tpu.memory_space<vmem>>, %arg11: memref<8192xi32, #tpu.memory_space<vmem>>, %arg12: memref<8192xf32, #tpu.memory_space<vmem>>, %arg13: memref<8192xf32, #tpu.memory_space<vmem>>, %arg14: memref<8192xf32, #tpu.memory_space<vmem>>, %arg15: memref<8192xf32, #tpu.memory_space<vmem>>, %arg16: memref<8192xf32, #tpu.memory_space<vmem>>, %arg17: memref<4096xf32, #tpu.memory_space<vmem>>, %arg18: memref<4096xf32, #tpu.memory_space<vmem_shared>>, %arg19: memref<4096xf32, #tpu.memory_space<vmem_shared>>, %arg20: memref<!tpu.dma_semaphore, #tpu.memory_space<semaphore_mem>>, %arg21: memref<!tpu.dma_semaphore, #tpu.memory_space<semaphore_mem>>, %arg22: memref<!tpu.dma_semaphore, #tpu.memory_space<semaphore_mem>>, %arg23: memref<!tpu.dma_semaphore, #tpu.memory_space<semaphore_mem>>, %arg24: memref<!tpu.dma_semaphore, #tpu.memory_space<semaphore_mem>>, %arg25: memref<!tpu.dma_semaphore, #tpu.memory_space<semaphore_mem>>) attributes {dimension_semantics = [#tpu.dimension_semantics<core_parallel>, #tpu.dimension_semantics<subcore_parallel>], iteration_bounds = array<i64: 2, 16>, scalar_prefetch = 0 : i64, scratch_operands = 16 : i64, tpu.core_type = #tpu.core_type<sc_vector_subcore>, window_params = [{transform_indices = #map}, {transform_indices = #map}, {transform_indices = #map}, {transform_indices = #map}, {transform_indices = #map}, {transform_indices = #map}, {transform_indices = #map1}, {transform_indices = #map1}]} {
    %mul3A = arith.constant 16 : i32
    %mul3A_0 = arith.muli %arg0, %mul3A : i32
    %add3A = arith.addi %mul3A_0, %arg1 : i32
    %mul3A_1 = arith.constant 65536 : i32
    %mul3A_2 = arith.muli %add3A, %mul3A_1 : i32
    %broadcast_in_dim3A = arith.constant 1.000000e+00 : f32
    %broadcast_in_dim3A_3 = vector.broadcast %broadcast_in_dim3A : f32 to vector<16xf32>
    %broadcast_in_dim3A_4 = arith.constant 0.000000e+00 : f32
    %broadcast_in_dim3A_5 = vector.broadcast %broadcast_in_dim3A_4 : f32 to vector<16xf32>
    %scan3A = arith.constant 0 : i32
    %scan3A_6 = arith.constant 0 : i32
    %scan3A_7 = arith.constant 512 : i32
    %scan3A_8 = arith.addi %scan3A_6, %scan3A_7 : i32
    %scan3A_9 = arith.constant 1 : i32
    %scan3A_10 = scf.for %scan3A_375 = %scan3A_6 to %scan3A_8 step %scan3A_9 iter_args(%scan3A_376 = %scan3A) -> (i32)  : i32 {
      %mul3A_377 = arith.constant 16 : i32
      %mul3A_378 = arith.muli %scan3A_375, %mul3A_377 : i32
      %swap3A = arith.index_cast %mul3A_378 : i32 to index
      %swap3A_379 = tpu.vector_load %arg16[%swap3A] {strides = array<i32>} : memref<8192xf32, #tpu.memory_space<vmem>>, vector<16xf32>,
      %swap3A_380 = vector.shape_cast %swap3A_379 : vector<16xf32> to vector<16xf32>
      %swap3A_381 = vector.shape_cast %broadcast_in_dim3A_3 : vector<16xf32> to vector<16xf32>
      tpu.vector_store %arg16[%swap3A], %swap3A_381 {strides = array<i32>} : memref<8192xf32, #tpu.memory_space<vmem>>, vector<16xf32>,
      %scan3A_382 = arith.constant 0 : i32
      scf.yield %scan3A_382 : i32
    }
    %scan3A_11 = arith.constant 512 : i32
    %scan3A_12 = arith.constant 0 : i32
    %scan3A_13 = arith.constant 0 : i32
    %scan3A_14 = arith.constant 256 : i32
    %scan3A_15 = arith.addi %scan3A_13, %scan3A_14 : i32
    %scan3A_16 = arith.constant 1 : i32
    %scan3A_17 = scf.for %scan3A_375 = %scan3A_13 to %scan3A_15 step %scan3A_16 iter_args(%scan3A_376 = %scan3A_12) -> (i32)  : i32 {
      %mul3A_377 = arith.constant 16 : i32
      %mul3A_378 = arith.muli %scan3A_375, %mul3A_377 : i32
      %swap3A = arith.index_cast %mul3A_378 : i32 to index
      %swap3A_379 = tpu.vector_load %arg17[%swap3A] {strides = array<i32>} : memref<4096xf32, #tpu.memory_space<vmem>>, vector<16xf32>,
      %swap3A_380 = vector.shape_cast %swap3A_379 : vector<16xf32> to vector<16xf32>
      %swap3A_381 = vector.shape_cast %broadcast_in_dim3A_5 : vector<16xf32> to vector<16xf32>
      tpu.vector_store %arg17[%swap3A], %swap3A_381 {strides = array<i32>} : memref<4096xf32, #tpu.memory_space<vmem>>, vector<16xf32>,
      %scan3A_382 = arith.constant 0 : i32
      scf.yield %scan3A_382 : i32
    }
    %scan3A_18 = arith.constant 256 : i32
    %eq3A = arith.constant 0 : i32
    %eq3A_19 = arith.cmpi eq, %arg1, %eq3A : i32
    %convert_element_type3A = arith.extui %eq3A_19 : i1 to i32
    %cond3A = arith.constant 0 : i32
    %cond3A_20 = arith.cmpi ne, %convert_element_type3A, %cond3A : i32
    scf.if %cond3A_20 {
      "tpu.region"() ({
        %run_scoped3A = tpu.sem_alloc : memref<!tpu.dma_semaphore, #tpu.memory_space<semaphore_mem>>
        tpu.enqueue_dma source(%arg17 : memref<4096xf32, #tpu.memory_space<vmem>>) target(%arg18 : memref<4096xf32, #tpu.memory_space<vmem_shared>>) target_semaphore(%run_scoped3A : memref<!tpu.dma_semaphore, #tpu.memory_space<semaphore_mem>>)
        tpu.wait_dma2 semaphore(%run_scoped3A : memref<!tpu.dma_semaphore, #tpu.memory_space<semaphore_mem>>) src(%arg17 : memref<4096xf32, #tpu.memory_space<vmem>>) dst(%arg18 : memref<4096xf32, #tpu.memory_space<vmem_shared>>)
        tpu.yield
      }) : () -> ()
      "tpu.region"() ({
        %run_scoped3A = tpu.sem_alloc : memref<!tpu.dma_semaphore, #tpu.memory_space<semaphore_mem>>
        tpu.enqueue_dma source(%arg17 : memref<4096xf32, #tpu.memory_space<vmem>>) target(%arg19 : memref<4096xf32, #tpu.memory_space<vmem_shared>>) target_semaphore(%run_scoped3A : memref<!tpu.dma_semaphore, #tpu.memory_space<semaphore_mem>>)
        tpu.wait_dma2 semaphore(%run_scoped3A : memref<!tpu.dma_semaphore, #tpu.memory_space<semaphore_mem>>) src(%arg17 : memref<4096xf32, #tpu.memory_space<vmem>>) dst(%arg19 : memref<4096xf32, #tpu.memory_space<vmem_shared>>)
        tpu.yield
      }) : () -> ()
    } else {
    }
    %barrier3A = arith.constant 0 : index
    tpu.barrier barrier_id(%barrier3A)
    %add3A_21 = arith.constant 0 : i32
    %add3A_22 = arith.addi %mul3A_2, %add3A_21 : i32
    %dma_start3A = tpu.memref_slice %arg4[%add3A_22] : memref<2097152xi32, #tpu.memory_space<hbm>> -> memref<8192xi32, #tpu.memory_space<hbm>>
    %dma_start3A_23 = tpu.memref_slice %arg4[%add3A_22] : memref<2097152xi32, #tpu.memory_space<hbm>> -> memref<8192xi32, #tpu.memory_space<hbm>>
    tpu.enqueue_dma source(%dma_start3A_23 : memref<8192xi32, #tpu.memory_space<hbm>>) target(%arg10 : memref<8192xi32, #tpu.memory_space<vmem>>) target_semaphore(%arg20 : memref<!tpu.dma_semaphore, #tpu.memory_space<semaphore_mem>>)
    %dma_start3A_24 = tpu.memref_slice %arg2[%add3A_22] : memref<2097152xf32, #tpu.memory_space<hbm>> -> memref<8192xf32, #tpu.memory_space<hbm>>
    %dma_start3A_25 = tpu.memref_slice %arg2[%add3A_22] : memref<2097152xf32, #tpu.memory_space<hbm>> -> memref<8192xf32, #tpu.memory_space<hbm>>
    tpu.enqueue_dma source(%dma_start3A_25 : memref<8192xf32, #tpu.memory_space<hbm>>) target(%arg12 : memref<8192xf32, #tpu.memory_space<vmem>>) target_semaphore(%arg22 : memref<!tpu.dma_semaphore, #tpu.memory_space<semaphore_mem>>)
    %dma_start3A_26 = tpu.memref_slice %arg3[%add3A_22] : memref<2097152xf32, #tpu.memory_space<hbm>> -> memref<8192xf32, #tpu.memory_space<hbm>>
    %dma_start3A_27 = tpu.memref_slice %arg3[%add3A_22] : memref<2097152xf32, #tpu.memory_space<hbm>> -> memref<8192xf32, #tpu.memory_space<hbm>>
    tpu.enqueue_dma source(%dma_start3A_27 : memref<8192xf32, #tpu.memory_space<hbm>>) target(%arg14 : memref<8192xf32, #tpu.memory_space<vmem>>) target_semaphore(%arg24 : memref<!tpu.dma_semaphore, #tpu.memory_space<semaphore_mem>>)
    %dma_wait3A = tpu.memref_slice %arg4[%add3A_22] : memref<2097152xi32, #tpu.memory_space<hbm>> -> memref<8192xi32, #tpu.memory_space<hbm>>
    %dma_wait3A_28 = tpu.memref_slice %arg4[%add3A_22] : memref<2097152xi32, #tpu.memory_space<hbm>> -> memref<8192xi32, #tpu.memory_space<hbm>>
    tpu.wait_dma2 semaphore(%arg20 : memref<!tpu.dma_semaphore, #tpu.memory_space<semaphore_mem>>) src(%dma_wait3A_28 : memref<8192xi32, #tpu.memory_space<hbm>>) dst(%arg10 : memref<8192xi32, #tpu.memory_space<vmem>>)
    %dma_wait3A_29 = tpu.memref_slice %arg2[%add3A_22] : memref<2097152xf32, #tpu.memory_space<hbm>> -> memref<8192xf32, #tpu.memory_space<hbm>>
    %dma_wait3A_30 = tpu.memref_slice %arg2[%add3A_22] : memref<2097152xf32, #tpu.memory_space<hbm>> -> memref<8192xf32, #tpu.memory_space<hbm>>
    tpu.wait_dma2 semaphore(%arg22 : memref<!tpu.dma_semaphore, #tpu.memory_space<semaphore_mem>>) src(%dma_wait3A_30 : memref<8192xf32, #tpu.memory_space<hbm>>) dst(%arg12 : memref<8192xf32, #tpu.memory_space<vmem>>)
    %dma_wait3A_31 = tpu.memref_slice %arg3[%add3A_22] : memref<2097152xf32, #tpu.memory_space<hbm>> -> memref<8192xf32, #tpu.memory_space<hbm>>
    %dma_wait3A_32 = tpu.memref_slice %arg3[%add3A_22] : memref<2097152xf32, #tpu.memory_space<hbm>> -> memref<8192xf32, #tpu.memory_space<hbm>>
    tpu.wait_dma2 semaphore(%arg24 : memref<!tpu.dma_semaphore, #tpu.memory_space<semaphore_mem>>) src(%dma_wait3A_32 : memref<8192xf32, #tpu.memory_space<hbm>>) dst(%arg14 : memref<8192xf32, #tpu.memory_space<vmem>>)
    %add3A_33 = arith.constant 8192 : i32
    %add3A_34 = arith.addi %mul3A_2, %add3A_33 : i32
    %dma_start3A_35 = tpu.memref_slice %arg4[%add3A_34] : memref<2097152xi32, #tpu.memory_space<hbm>> -> memref<8192xi32, #tpu.memory_space<hbm>>
    %dma_start3A_36 = tpu.memref_slice %arg4[%add3A_34] : memref<2097152xi32, #tpu.memory_space<hbm>> -> memref<8192xi32, #tpu.memory_space<hbm>>
    tpu.enqueue_dma source(%dma_start3A_36 : memref<8192xi32, #tpu.memory_space<hbm>>) target(%arg11 : memref<8192xi32, #tpu.memory_space<vmem>>) target_semaphore(%arg21 : memref<!tpu.dma_semaphore, #tpu.memory_space<semaphore_mem>>)
    %dma_start3A_37 = tpu.memref_slice %arg2[%add3A_34] : memref<2097152xf32, #tpu.memory_space<hbm>> -> memref<8192xf32, #tpu.memory_space<hbm>>
    %dma_start3A_38 = tpu.memref_slice %arg2[%add3A_34] : memref<2097152xf32, #tpu.memory_space<hbm>> -> memref<8192xf32, #tpu.memory_space<hbm>>
    tpu.enqueue_dma source(%dma_start3A_38 : memref<8192xf32, #tpu.memory_space<hbm>>) target(%arg13 : memref<8192xf32, #tpu.memory_space<vmem>>) target_semaphore(%arg23 : memref<!tpu.dma_semaphore, #tpu.memory_space<semaphore_mem>>)
    %dma_start3A_39 = tpu.memref_slice %arg3[%add3A_34] : memref<2097152xf32, #tpu.memory_space<hbm>> -> memref<8192xf32, #tpu.memory_space<hbm>>
    %dma_start3A_40 = tpu.memref_slice %arg3[%add3A_34] : memref<2097152xf32, #tpu.memory_space<hbm>> -> memref<8192xf32, #tpu.memory_space<hbm>>
    tpu.enqueue_dma source(%dma_start3A_40 : memref<8192xf32, #tpu.memory_space<hbm>>) target(%arg15 : memref<8192xf32, #tpu.memory_space<vmem>>) target_semaphore(%arg25 : memref<!tpu.dma_semaphore, #tpu.memory_space<semaphore_mem>>)
    %scan3A_41 = arith.constant 0 : i32
    %scan3A_42 = arith.constant 0 : i32
    %scan3A_43 = arith.constant 512 : i32
    %scan3A_44 = arith.addi %scan3A_42, %scan3A_43 : i32
    %scan3A_45 = arith.constant 1 : i32
    %scan3A_46 = scf.for %scan3A_375 = %scan3A_42 to %scan3A_44 step %scan3A_45 iter_args(%scan3A_376 = %scan3A_41) -> (i32)  : i32 {
      %mul3A_377 = arith.constant 16 : i32
      %mul3A_378 = arith.muli %scan3A_375, %mul3A_377 : i32
      %get3A = arith.index_cast %mul3A_378 : i32 to index
      %get3A_379 = tpu.vector_load %arg12[%get3A] {strides = array<i32>} : memref<8192xf32, #tpu.memory_space<vmem>>, vector<16xf32>,
      %get3A_380 = vector.shape_cast %get3A_379 : vector<16xf32> to vector<16xf32>
      %get3A_381 = arith.index_cast %mul3A_378 : i32 to index
      %get3A_382 = tpu.vector_load %arg14[%get3A_381] {strides = array<i32>} : memref<8192xf32, #tpu.memory_space<vmem>>, vector<16xf32>,
      %get3A_383 = vector.shape_cast %get3A_382 : vector<16xf32> to vector<16xf32>
      %mul3A_384 = arith.mulf %get3A_380, %get3A_380 : vector<16xf32>
      %mul3A_385 = arith.mulf %get3A_383, %get3A_383 : vector<16xf32>
      %add3A_386 = arith.addf %mul3A_384, %mul3A_385 : vector<16xf32>
      %swap3A = arith.index_cast %mul3A_378 : i32 to index
      %swap3A_387 = tpu.vector_load %arg12[%swap3A] {strides = array<i32>} : memref<8192xf32, #tpu.memory_space<vmem>>, vector<16xf32>,
      %swap3A_388 = vector.shape_cast %swap3A_387 : vector<16xf32> to vector<16xf32>
      %swap3A_389 = vector.shape_cast %add3A_386 : vector<16xf32> to vector<16xf32>
      tpu.vector_store %arg12[%swap3A], %swap3A_389 {strides = array<i32>} : memref<8192xf32, #tpu.memory_space<vmem>>, vector<16xf32>,
      %scan3A_390 = arith.constant 0 : i32
      scf.yield %scan3A_390 : i32
    }
    %scan3A_47 = arith.constant 512 : i32
    "tpu.region"() ({
      %run_scoped3A = tpu.sem_alloc : memref<!tpu.dma_semaphore, #tpu.memory_space<semaphore_mem>>
      %dma_start3A_375 = arith.constant 0 : i32
      %dma_start3A_376 = tpu.memref_slice %arg18[%dma_start3A_375] : memref<4096xf32, #tpu.memory_space<vmem_shared>> -> memref<4096xf32, #tpu.memory_space<vmem_shared>>
      tpu.enqueue_indirect_dma source(%arg12 : memref<8192xf32, #tpu.memory_space<vmem>>) target(%dma_start3A_376 : memref<4096xf32, #tpu.memory_space<vmem_shared>>) offsets(%arg10 : memref<8192xi32, #tpu.memory_space<vmem>>) semaphore(%run_scoped3A : memref<!tpu.dma_semaphore, #tpu.memory_space<semaphore_mem>>) {add = true}
      %dma_wait3A_377 = arith.constant 0 : i32
      %dma_wait3A_378 = tpu.memref_slice %arg18[%dma_wait3A_377] : memref<4096xf32, #tpu.memory_space<vmem_shared>> -> memref<4096xf32, #tpu.memory_space<vmem_shared>>
      tpu.wait_indirect_dma semaphore(%run_scoped3A : memref<!tpu.dma_semaphore, #tpu.memory_space<semaphore_mem>>) src(%arg12 : memref<8192xf32, #tpu.memory_space<vmem>>) dst(%dma_wait3A_378 : memref<4096xf32, #tpu.memory_space<vmem_shared>>)
      tpu.yield
    }) : () -> ()
    "tpu.region"() ({
      %run_scoped3A = tpu.sem_alloc : memref<!tpu.dma_semaphore, #tpu.memory_space<semaphore_mem>>
      %dma_start3A_375 = arith.constant 0 : i32
      %dma_start3A_376 = tpu.memref_slice %arg19[%dma_start3A_375] : memref<4096xf32, #tpu.memory_space<vmem_shared>> -> memref<4096xf32, #tpu.memory_space<vmem_shared>>
      tpu.enqueue_indirect_dma source(%arg16 : memref<8192xf32, #tpu.memory_space<vmem>>) target(%dma_start3A_376 : memref<4096xf32, #tpu.memory_space<vmem_shared>>) offsets(%arg10 : memref<8192xi32, #tpu.memory_space<vmem>>) semaphore(%run_scoped3A : memref<!tpu.dma_semaphore, #tpu.memory_space<semaphore_mem>>) {add = true}
      %dma_wait3A_377 = arith.constant 0 : i32
      %dma_wait3A_378 = tpu.memref_slice %arg19[%dma_wait3A_377] : memref<4096xf32, #tpu.memory_space<vmem_shared>> -> memref<4096xf32, #tpu.memory_space<vmem_shared>>
      tpu.wait_indirect_dma semaphore(%run_scoped3A : memref<!tpu.dma_semaphore, #tpu.memory_space<semaphore_mem>>) src(%arg16 : memref<8192xf32, #tpu.memory_space<vmem>>) dst(%dma_wait3A_378 : memref<4096xf32, #tpu.memory_space<vmem_shared>>)
      tpu.yield
    }) : () -> ()
    %dma_wait3A_48 = tpu.memref_slice %arg4[%add3A_34] : memref<2097152xi32, #tpu.memory_space<hbm>> -> memref<8192xi32, #tpu.memory_space<hbm>>
    %dma_wait3A_49 = tpu.memref_slice %arg4[%add3A_34] : memref<2097152xi32, #tpu.memory_space<hbm>> -> memref<8192xi32, #tpu.memory_space<hbm>>
    tpu.wait_dma2 semaphore(%arg21 : memref<!tpu.dma_semaphore, #tpu.memory_space<semaphore_mem>>) src(%dma_wait3A_49 : memref<8192xi32, #tpu.memory_space<hbm>>) dst(%arg11 : memref<8192xi32, #tpu.memory_space<vmem>>)
    %dma_wait3A_50 = tpu.memref_slice %arg2[%add3A_34] : memref<2097152xf32, #tpu.memory_space<hbm>> -> memref<8192xf32, #tpu.memory_space<hbm>>
    %dma_wait3A_51 = tpu.memref_slice %arg2[%add3A_34] : memref<2097152xf32, #tpu.memory_space<hbm>> -> memref<8192xf32, #tpu.memory_space<hbm>>
    tpu.wait_dma2 semaphore(%arg23 : memref<!tpu.dma_semaphore, #tpu.memory_space<semaphore_mem>>) src(%dma_wait3A_51 : memref<8192xf32, #tpu.memory_space<hbm>>) dst(%arg13 : memref<8192xf32, #tpu.memory_space<vmem>>)
    %dma_wait3A_52 = tpu.memref_slice %arg3[%add3A_34] : memref<2097152xf32, #tpu.memory_space<hbm>> -> memref<8192xf32, #tpu.memory_space<hbm>>
    %dma_wait3A_53 = tpu.memref_slice %arg3[%add3A_34] : memref<2097152xf32, #tpu.memory_space<hbm>> -> memref<8192xf32, #tpu.memory_space<hbm>>
    tpu.wait_dma2 semaphore(%arg25 : memref<!tpu.dma_semaphore, #tpu.memory_space<semaphore_mem>>) src(%dma_wait3A_53 : memref<8192xf32, #tpu.memory_space<hbm>>) dst(%arg15 : memref<8192xf32, #tpu.memory_space<vmem>>)
    %add3A_54 = arith.constant 16384 : i32
    %add3A_55 = arith.addi %mul3A_2, %add3A_54 : i32
    %dma_start3A_56 = tpu.memref_slice %arg4[%add3A_55] : memref<2097152xi32, #tpu.memory_space<hbm>> -> memref<8192xi32, #tpu.memory_space<hbm>>
    %dma_start3A_57 = tpu.memref_slice %arg4[%add3A_55] : memref<2097152xi32, #tpu.memory_space<hbm>> -> memref<8192xi32, #tpu.memory_space<hbm>>
    tpu.enqueue_dma source(%dma_start3A_57 : memref<8192xi32, #tpu.memory_space<hbm>>) target(%arg10 : memref<8192xi32, #tpu.memory_space<vmem>>) target_semaphore(%arg20 : memref<!tpu.dma_semaphore, #tpu.memory_space<semaphore_mem>>)
    %dma_start3A_58 = tpu.memref_slice %arg2[%add3A_55] : memref<2097152xf32, #tpu.memory_space<hbm>> -> memref<8192xf32, #tpu.memory_space<hbm>>
    %dma_start3A_59 = tpu.memref_slice %arg2[%add3A_55] : memref<2097152xf32, #tpu.memory_space<hbm>> -> memref<8192xf32, #tpu.memory_space<hbm>>
    tpu.enqueue_dma source(%dma_start3A_59 : memref<8192xf32, #tpu.memory_space<hbm>>) target(%arg12 : memref<8192xf32, #tpu.memory_space<vmem>>) target_semaphore(%arg22 : memref<!tpu.dma_semaphore, #tpu.memory_space<semaphore_mem>>)
    %dma_start3A_60 = tpu.memref_slice %arg3[%add3A_55] : memref<2097152xf32, #tpu.memory_space<hbm>> -> memref<8192xf32, #tpu.memory_space<hbm>>
    %dma_start3A_61 = tpu.memref_slice %arg3[%add3A_55] : memref<2097152xf32, #tpu.memory_space<hbm>> -> memref<8192xf32, #tpu.memory_space<hbm>>
    tpu.enqueue_dma source(%dma_start3A_61 : memref<8192xf32, #tpu.memory_space<hbm>>) target(%arg14 : memref<8192xf32, #tpu.memory_space<vmem>>) target_semaphore(%arg24 : memref<!tpu.dma_semaphore, #tpu.memory_space<semaphore_mem>>)
    %scan3A_62 = arith.constant 0 : i32
    %scan3A_63 = arith.constant 0 : i32
    %scan3A_64 = arith.constant 512 : i32
    %scan3A_65 = arith.addi %scan3A_63, %scan3A_64 : i32
    %scan3A_66 = arith.constant 1 : i32
    %scan3A_67 = scf.for %scan3A_375 = %scan3A_63 to %scan3A_65 step %scan3A_66 iter_args(%scan3A_376 = %scan3A_62) -> (i32)  : i32 {
      %mul3A_377 = arith.constant 16 : i32
      %mul3A_378 = arith.muli %scan3A_375, %mul3A_377 : i32
      %get3A = arith.index_cast %mul3A_378 : i32 to index
      %get3A_379 = tpu.vector_load %arg13[%get3A] {strides = array<i32>} : memref<8192xf32, #tpu.memory_space<vmem>>, vector<16xf32>,
      %get3A_380 = vector.shape_cast %get3A_379 : vector<16xf32> to vector<16xf32>
      %get3A_381 = arith.index_cast %mul3A_378 : i32 to index
      %get3A_382 = tpu.vector_load %arg15[%get3A_381] {strides = array<i32>} : memref<8192xf32, #tpu.memory_space<vmem>>, vector<16xf32>,
      %get3A_383 = vector.shape_cast %get3A_382 : vector<16xf32> to vector<16xf32>
      %mul3A_384 = arith.mulf %get3A_380, %get3A_380 : vector<16xf32>
      %mul3A_385 = arith.mulf %get3A_383, %get3A_383 : vector<16xf32>
      %add3A_386 = arith.addf %mul3A_384, %mul3A_385 : vector<16xf32>
      %swap3A = arith.index_cast %mul3A_378 : i32 to index
      %swap3A_387 = tpu.vector_load %arg13[%swap3A] {strides = array<i32>} : memref<8192xf32, #tpu.memory_space<vmem>>, vector<16xf32>,
      %swap3A_388 = vector.shape_cast %swap3A_387 : vector<16xf32> to vector<16xf32>
      %swap3A_389 = vector.shape_cast %add3A_386 : vector<16xf32> to vector<16xf32>
      tpu.vector_store %arg13[%swap3A], %swap3A_389 {strides = array<i32>} : memref<8192xf32, #tpu.memory_space<vmem>>, vector<16xf32>,
      %scan3A_390 = arith.constant 0 : i32
      scf.yield %scan3A_390 : i32
    }
    %scan3A_68 = arith.constant 512 : i32
    "tpu.region"() ({
      %run_scoped3A = tpu.sem_alloc : memref<!tpu.dma_semaphore, #tpu.memory_space<semaphore_mem>>
      %dma_start3A_375 = arith.constant 0 : i32
      %dma_start3A_376 = tpu.memref_slice %arg18[%dma_start3A_375] : memref<4096xf32, #tpu.memory_space<vmem_shared>> -> memref<4096xf32, #tpu.memory_space<vmem_shared>>
      tpu.enqueue_indirect_dma source(%arg13 : memref<8192xf32, #tpu.memory_space<vmem>>) target(%dma_start3A_376 : memref<4096xf32, #tpu.memory_space<vmem_shared>>) offsets(%arg11 : memref<8192xi32, #tpu.memory_space<vmem>>) semaphore(%run_scoped3A : memref<!tpu.dma_semaphore, #tpu.memory_space<semaphore_mem>>) {add = true}
      %dma_wait3A_377 = arith.constant 0 : i32
      %dma_wait3A_378 = tpu.memref_slice %arg18[%dma_wait3A_377] : memref<4096xf32, #tpu.memory_space<vmem_shared>> -> memref<4096xf32, #tpu.memory_space<vmem_shared>>
      tpu.wait_indirect_dma semaphore(%run_scoped3A : memref<!tpu.dma_semaphore, #tpu.memory_space<semaphore_mem>>) src(%arg13 : memref<8192xf32, #tpu.memory_space<vmem>>) dst(%dma_wait3A_378 : memref<4096xf32, #tpu.memory_space<vmem_shared>>)
      tpu.yield
    }) : () -> ()
    "tpu.region"() ({
      %run_scoped3A = tpu.sem_alloc : memref<!tpu.dma_semaphore, #tpu.memory_space<semaphore_mem>>
      %dma_start3A_375 = arith.constant 0 : i32
      %dma_start3A_376 = tpu.memref_slice %arg19[%dma_start3A_375] : memref<4096xf32, #tpu.memory_space<vmem_shared>> -> memref<4096xf32, #tpu.memory_space<vmem_shared>>
      tpu.enqueue_indirect_dma source(%arg16 : memref<8192xf32, #tpu.memory_space<vmem>>) target(%dma_start3A_376 : memref<4096xf32, #tpu.memory_space<vmem_shared>>) offsets(%arg11 : memref<8192xi32, #tpu.memory_space<vmem>>) semaphore(%run_scoped3A : memref<!tpu.dma_semaphore, #tpu.memory_space<semaphore_mem>>) {add = true}
      %dma_wait3A_377 = arith.constant 0 : i32
      %dma_wait3A_378 = tpu.memref_slice %arg19[%dma_wait3A_377] : memref<4096xf32, #tpu.memory_space<vmem_shared>> -> memref<4096xf32, #tpu.memory_space<vmem_shared>>
      tpu.wait_indirect_dma semaphore(%run_scoped3A : memref<!tpu.dma_semaphore, #tpu.memory_space<semaphore_mem>>) src(%arg16 : memref<8192xf32, #tpu.memory_space<vmem>>) dst(%dma_wait3A_378 : memref<4096xf32, #tpu.memory_space<vmem_shared>>)
      tpu.yield
    }) : () -> ()
    %dma_wait3A_69 = tpu.memref_slice %arg4[%add3A_55] : memref<2097152xi32, #tpu.memory_space<hbm>> -> memref<8192xi32, #tpu.memory_space<hbm>>
    %dma_wait3A_70 = tpu.memref_slice %arg4[%add3A_55] : memref<2097152xi32, #tpu.memory_space<hbm>> -> memref<8192xi32, #tpu.memory_space<hbm>>
    tpu.wait_dma2 semaphore(%arg20 : memref<!tpu.dma_semaphore, #tpu.memory_space<semaphore_mem>>) src(%dma_wait3A_70 : memref<8192xi32, #tpu.memory_space<hbm>>) dst(%arg10 : memref<8192xi32, #tpu.memory_space<vmem>>)
    %dma_wait3A_71 = tpu.memref_slice %arg2[%add3A_55] : memref<2097152xf32, #tpu.memory_space<hbm>> -> memref<8192xf32, #tpu.memory_space<hbm>>
    %dma_wait3A_72 = tpu.memref_slice %arg2[%add3A_55] : memref<2097152xf32, #tpu.memory_space<hbm>> -> memref<8192xf32, #tpu.memory_space<hbm>>
    tpu.wait_dma2 semaphore(%arg22 : memref<!tpu.dma_semaphore, #tpu.memory_space<semaphore_mem>>) src(%dma_wait3A_72 : memref<8192xf32, #tpu.memory_space<hbm>>) dst(%arg12 : memref<8192xf32, #tpu.memory_space<vmem>>)
    %dma_wait3A_73 = tpu.memref_slice %arg3[%add3A_55] : memref<2097152xf32, #tpu.memory_space<hbm>> -> memref<8192xf32, #tpu.memory_space<hbm>>
    %dma_wait3A_74 = tpu.memref_slice %arg3[%add3A_55] : memref<2097152xf32, #tpu.memory_space<hbm>> -> memref<8192xf32, #tpu.memory_space<hbm>>
    tpu.wait_dma2 semaphore(%arg24 : memref<!tpu.dma_semaphore, #tpu.memory_space<semaphore_mem>>) src(%dma_wait3A_74 : memref<8192xf32, #tpu.memory_space<hbm>>) dst(%arg14 : memref<8192xf32, #tpu.memory_space<vmem>>)
    %add3A_75 = arith.constant 24576 : i32
    %add3A_76 = arith.addi %mul3A_2, %add3A_75 : i32
    %dma_start3A_77 = tpu.memref_slice %arg4[%add3A_76] : memref<2097152xi32, #tpu.memory_space<hbm>> -> memref<8192xi32, #tpu.memory_space<hbm>>
    %dma_start3A_78 = tpu.memref_slice %arg4[%add3A_76] : memref<2097152xi32, #tpu.memory_space<hbm>> -> memref<8192xi32, #tpu.memory_space<hbm>>
    tpu.enqueue_dma source(%dma_start3A_78 : memref<8192xi32, #tpu.memory_space<hbm>>) target(%arg11 : memref<8192xi32, #tpu.memory_space<vmem>>) target_semaphore(%arg21 : memref<!tpu.dma_semaphore, #tpu.memory_space<semaphore_mem>>)
    %dma_start3A_79 = tpu.memref_slice %arg2[%add3A_76] : memref<2097152xf32, #tpu.memory_space<hbm>> -> memref<8192xf32, #tpu.memory_space<hbm>>
    %dma_start3A_80 = tpu.memref_slice %arg2[%add3A_76] : memref<2097152xf32, #tpu.memory_space<hbm>> -> memref<8192xf32, #tpu.memory_space<hbm>>
    tpu.enqueue_dma source(%dma_start3A_80 : memref<8192xf32, #tpu.memory_space<hbm>>) target(%arg13 : memref<8192xf32, #tpu.memory_space<vmem>>) target_semaphore(%arg23 : memref<!tpu.dma_semaphore, #tpu.memory_space<semaphore_mem>>)
    %dma_start3A_81 = tpu.memref_slice %arg3[%add3A_76] : memref<2097152xf32, #tpu.memory_space<hbm>> -> memref<8192xf32, #tpu.memory_space<hbm>>
    %dma_start3A_82 = tpu.memref_slice %arg3[%add3A_76] : memref<2097152xf32, #tpu.memory_space<hbm>> -> memref<8192xf32, #tpu.memory_space<hbm>>
    tpu.enqueue_dma source(%dma_start3A_82 : memref<8192xf32, #tpu.memory_space<hbm>>) target(%arg15 : memref<8192xf32, #tpu.memory_space<vmem>>) target_semaphore(%arg25 : memref<!tpu.dma_semaphore, #tpu.memory_space<semaphore_mem>>)
    %scan3A_83 = arith.constant 0 : i32
    %scan3A_84 = arith.constant 0 : i32
    %scan3A_85 = arith.constant 512 : i32
    %scan3A_86 = arith.addi %scan3A_84, %scan3A_85 : i32
    %scan3A_87 = arith.constant 1 : i32
    %scan3A_88 = scf.for %scan3A_375 = %scan3A_84 to %scan3A_86 step %scan3A_87 iter_args(%scan3A_376 = %scan3A_83) -> (i32)  : i32 {
      %mul3A_377 = arith.constant 16 : i32
      %mul3A_378 = arith.muli %scan3A_375, %mul3A_377 : i32
      %get3A = arith.index_cast %mul3A_378 : i32 to index
      %get3A_379 = tpu.vector_load %arg12[%get3A] {strides = array<i32>} : memref<8192xf32, #tpu.memory_space<vmem>>, vector<16xf32>,
      %get3A_380 = vector.shape_cast %get3A_379 : vector<16xf32> to vector<16xf32>
      %get3A_381 = arith.index_cast %mul3A_378 : i32 to index
      %get3A_382 = tpu.vector_load %arg14[%get3A_381] {strides = array<i32>} : memref<8192xf32, #tpu.memory_space<vmem>>, vector<16xf32>,
      %get3A_383 = vector.shape_cast %get3A_382 : vector<16xf32> to vector<16xf32>
      %mul3A_384 = arith.mulf %get3A_380, %get3A_380 : vector<16xf32>
      %mul3A_385 = arith.mulf %get3A_383, %get3A_383 : vector<16xf32>
      %add3A_386 = arith.addf %mul3A_384, %mul3A_385 : vector<16xf32>
      %swap3A = arith.index_cast %mul3A_378 : i32 to index
      %swap3A_387 = tpu.vector_load %arg12[%swap3A] {strides = array<i32>} : memref<8192xf32, #tpu.memory_space<vmem>>, vector<16xf32>,
      %swap3A_388 = vector.shape_cast %swap3A_387 : vector<16xf32> to vector<16xf32>
      %swap3A_389 = vector.shape_cast %add3A_386 : vector<16xf32> to vector<16xf32>
      tpu.vector_store %arg12[%swap3A], %swap3A_389 {strides = array<i32>} : memref<8192xf32, #tpu.memory_space<vmem>>, vector<16xf32>,
      %scan3A_390 = arith.constant 0 : i32
      scf.yield %scan3A_390 : i32
    }
    %scan3A_89 = arith.constant 512 : i32
    "tpu.region"() ({
      %run_scoped3A = tpu.sem_alloc : memref<!tpu.dma_semaphore, #tpu.memory_space<semaphore_mem>>
      %dma_start3A_375 = arith.constant 0 : i32
      %dma_start3A_376 = tpu.memref_slice %arg18[%dma_start3A_375] : memref<4096xf32, #tpu.memory_space<vmem_shared>> -> memref<4096xf32, #tpu.memory_space<vmem_shared>>
      tpu.enqueue_indirect_dma source(%arg12 : memref<8192xf32, #tpu.memory_space<vmem>>) target(%dma_start3A_376 : memref<4096xf32, #tpu.memory_space<vmem_shared>>) offsets(%arg10 : memref<8192xi32, #tpu.memory_space<vmem>>) semaphore(%run_scoped3A : memref<!tpu.dma_semaphore, #tpu.memory_space<semaphore_mem>>) {add = true}
      %dma_wait3A_377 = arith.constant 0 : i32
      %dma_wait3A_378 = tpu.memref_slice %arg18[%dma_wait3A_377] : memref<4096xf32, #tpu.memory_space<vmem_shared>> -> memref<4096xf32, #tpu.memory_space<vmem_shared>>
      tpu.wait_indirect_dma semaphore(%run_scoped3A : memref<!tpu.dma_semaphore, #tpu.memory_space<semaphore_mem>>) src(%arg12 : memref<8192xf32, #tpu.memory_space<vmem>>) dst(%dma_wait3A_378 : memref<4096xf32, #tpu.memory_space<vmem_shared>>)
      tpu.yield
    }) : () -> ()
    "tpu.region"() ({
      %run_scoped3A = tpu.sem_alloc : memref<!tpu.dma_semaphore, #tpu.memory_space<semaphore_mem>>
      %dma_start3A_375 = arith.constant 0 : i32
      %dma_start3A_376 = tpu.memref_slice %arg19[%dma_start3A_375] : memref<4096xf32, #tpu.memory_space<vmem_shared>> -> memref<4096xf32, #tpu.memory_space<vmem_shared>>
      tpu.enqueue_indirect_dma source(%arg16 : memref<8192xf32, #tpu.memory_space<vmem>>) target(%dma_start3A_376 : memref<4096xf32, #tpu.memory_space<vmem_shared>>) offsets(%arg10 : memref<8192xi32, #tpu.memory_space<vmem>>) semaphore(%run_scoped3A : memref<!tpu.dma_semaphore, #tpu.memory_space<semaphore_mem>>) {add = true}
      %dma_wait3A_377 = arith.constant 0 : i32
      %dma_wait3A_378 = tpu.memref_slice %arg19[%dma_wait3A_377] : memref<4096xf32, #tpu.memory_space<vmem_shared>> -> memref<4096xf32, #tpu.memory_space<vmem_shared>>
      tpu.wait_indirect_dma semaphore(%run_scoped3A : memref<!tpu.dma_semaphore, #tpu.memory_space<semaphore_mem>>) src(%arg16 : memref<8192xf32, #tpu.memory_space<vmem>>) dst(%dma_wait3A_378 : memref<4096xf32, #tpu.memory_space<vmem_shared>>)
      tpu.yield
    }) : () -> ()
    %dma_wait3A_90 = tpu.memref_slice %arg4[%add3A_76] : memref<2097152xi32, #tpu.memory_space<hbm>> -> memref<8192xi32, #tpu.memory_space<hbm>>
    %dma_wait3A_91 = tpu.memref_slice %arg4[%add3A_76] : memref<2097152xi32, #tpu.memory_space<hbm>> -> memref<8192xi32, #tpu.memory_space<hbm>>
    tpu.wait_dma2 semaphore(%arg21 : memref<!tpu.dma_semaphore, #tpu.memory_space<semaphore_mem>>) src(%dma_wait3A_91 : memref<8192xi32, #tpu.memory_space<hbm>>) dst(%arg11 : memref<8192xi32, #tpu.memory_space<vmem>>)
    %dma_wait3A_92 = tpu.memref_slice %arg2[%add3A_76] : memref<2097152xf32, #tpu.memory_space<hbm>> -> memref<8192xf32, #tpu.memory_space<hbm>>
    %dma_wait3A_93 = tpu.memref_slice %arg2[%add3A_76] : memref<2097152xf32, #tpu.memory_space<hbm>> -> memref<8192xf32, #tpu.memory_space<hbm>>
    tpu.wait_dma2 semaphore(%arg23 : memref<!tpu.dma_semaphore, #tpu.memory_space<semaphore_mem>>) src(%dma_wait3A_93 : memref<8192xf32, #tpu.memory_space<hbm>>) dst(%arg13 : memref<8192xf32, #tpu.memory_space<vmem>>)
    %dma_wait3A_94 = tpu.memref_slice %arg3[%add3A_76] : memref<2097152xf32, #tpu.memory_space<hbm>> -> memref<8192xf32, #tpu.memory_space<hbm>>
    %dma_wait3A_95 = tpu.memref_slice %arg3[%add3A_76] : memref<2097152xf32, #tpu.memory_space<hbm>> -> memref<8192xf32, #tpu.memory_space<hbm>>
    tpu.wait_dma2 semaphore(%arg25 : memref<!tpu.dma_semaphore, #tpu.memory_space<semaphore_mem>>) src(%dma_wait3A_95 : memref<8192xf32, #tpu.memory_space<hbm>>) dst(%arg15 : memref<8192xf32, #tpu.memory_space<vmem>>)
    %add3A_96 = arith.constant 32768 : i32
    %add3A_97 = arith.addi %mul3A_2, %add3A_96 : i32
    %dma_start3A_98 = tpu.memref_slice %arg4[%add3A_97] : memref<2097152xi32, #tpu.memory_space<hbm>> -> memref<8192xi32, #tpu.memory_space<hbm>>
    %dma_start3A_99 = tpu.memref_slice %arg4[%add3A_97] : memref<2097152xi32, #tpu.memory_space<hbm>> -> memref<8192xi32, #tpu.memory_space<hbm>>
    tpu.enqueue_dma source(%dma_start3A_99 : memref<8192xi32, #tpu.memory_space<hbm>>) target(%arg10 : memref<8192xi32, #tpu.memory_space<vmem>>) target_semaphore(%arg20 : memref<!tpu.dma_semaphore, #tpu.memory_space<semaphore_mem>>)
    %dma_start3A_100 = tpu.memref_slice %arg2[%add3A_97] : memref<2097152xf32, #tpu.memory_space<hbm>> -> memref<8192xf32, #tpu.memory_space<hbm>>
    %dma_start3A_101 = tpu.memref_slice %arg2[%add3A_97] : memref<2097152xf32, #tpu.memory_space<hbm>> -> memref<8192xf32, #tpu.memory_space<hbm>>
    tpu.enqueue_dma source(%dma_start3A_101 : memref<8192xf32, #tpu.memory_space<hbm>>) target(%arg12 : memref<8192xf32, #tpu.memory_space<vmem>>) target_semaphore(%arg22 : memref<!tpu.dma_semaphore, #tpu.memory_space<semaphore_mem>>)
    %dma_start3A_102 = tpu.memref_slice %arg3[%add3A_97] : memref<2097152xf32, #tpu.memory_space<hbm>> -> memref<8192xf32, #tpu.memory_space<hbm>>
    %dma_start3A_103 = tpu.memref_slice %arg3[%add3A_97] : memref<2097152xf32, #tpu.memory_space<hbm>> -> memref<8192xf32, #tpu.memory_space<hbm>>
    tpu.enqueue_dma source(%dma_start3A_103 : memref<8192xf32, #tpu.memory_space<hbm>>) target(%arg14 : memref<8192xf32, #tpu.memory_space<vmem>>) target_semaphore(%arg24 : memref<!tpu.dma_semaphore, #tpu.memory_space<semaphore_mem>>)
    %scan3A_104 = arith.constant 0 : i32
    %scan3A_105 = arith.constant 0 : i32
    %scan3A_106 = arith.constant 512 : i32
    %scan3A_107 = arith.addi %scan3A_105, %scan3A_106 : i32
    %scan3A_108 = arith.constant 1 : i32
    %scan3A_109 = scf.for %scan3A_375 = %scan3A_105 to %scan3A_107 step %scan3A_108 iter_args(%scan3A_376 = %scan3A_104) -> (i32)  : i32 {
      %mul3A_377 = arith.constant 16 : i32
      %mul3A_378 = arith.muli %scan3A_375, %mul3A_377 : i32
      %get3A = arith.index_cast %mul3A_378 : i32 to index
      %get3A_379 = tpu.vector_load %arg13[%get3A] {strides = array<i32>} : memref<8192xf32, #tpu.memory_space<vmem>>, vector<16xf32>,
      %get3A_380 = vector.shape_cast %get3A_379 : vector<16xf32> to vector<16xf32>
      %get3A_381 = arith.index_cast %mul3A_378 : i32 to index
      %get3A_382 = tpu.vector_load %arg15[%get3A_381] {strides = array<i32>} : memref<8192xf32, #tpu.memory_space<vmem>>, vector<16xf32>,
      %get3A_383 = vector.shape_cast %get3A_382 : vector<16xf32> to vector<16xf32>
      %mul3A_384 = arith.mulf %get3A_380, %get3A_380 : vector<16xf32>
      %mul3A_385 = arith.mulf %get3A_383, %get3A_383 : vector<16xf32>
      %add3A_386 = arith.addf %mul3A_384, %mul3A_385 : vector<16xf32>
      %swap3A = arith.index_cast %mul3A_378 : i32 to index
      %swap3A_387 = tpu.vector_load %arg13[%swap3A] {strides = array<i32>} : memref<8192xf32, #tpu.memory_space<vmem>>, vector<16xf32>,
      %swap3A_388 = vector.shape_cast %swap3A_387 : vector<16xf32> to vector<16xf32>
      %swap3A_389 = vector.shape_cast %add3A_386 : vector<16xf32> to vector<16xf32>
      tpu.vector_store %arg13[%swap3A], %swap3A_389 {strides = array<i32>} : memref<8192xf32, #tpu.memory_space<vmem>>, vector<16xf32>,
      %scan3A_390 = arith.constant 0 : i32
      scf.yield %scan3A_390 : i32
    }
    %scan3A_110 = arith.constant 512 : i32
    "tpu.region"() ({
      %run_scoped3A = tpu.sem_alloc : memref<!tpu.dma_semaphore, #tpu.memory_space<semaphore_mem>>
      %dma_start3A_375 = arith.constant 0 : i32
      %dma_start3A_376 = tpu.memref_slice %arg18[%dma_start3A_375] : memref<4096xf32, #tpu.memory_space<vmem_shared>> -> memref<4096xf32, #tpu.memory_space<vmem_shared>>
      tpu.enqueue_indirect_dma source(%arg13 : memref<8192xf32, #tpu.memory_space<vmem>>) target(%dma_start3A_376 : memref<4096xf32, #tpu.memory_space<vmem_shared>>) offsets(%arg11 : memref<8192xi32, #tpu.memory_space<vmem>>) semaphore(%run_scoped3A : memref<!tpu.dma_semaphore, #tpu.memory_space<semaphore_mem>>) {add = true}
      %dma_wait3A_377 = arith.constant 0 : i32
      %dma_wait3A_378 = tpu.memref_slice %arg18[%dma_wait3A_377] : memref<4096xf32, #tpu.memory_space<vmem_shared>> -> memref<4096xf32, #tpu.memory_space<vmem_shared>>
      tpu.wait_indirect_dma semaphore(%run_scoped3A : memref<!tpu.dma_semaphore, #tpu.memory_space<semaphore_mem>>) src(%arg13 : memref<8192xf32, #tpu.memory_space<vmem>>) dst(%dma_wait3A_378 : memref<4096xf32, #tpu.memory_space<vmem_shared>>)
      tpu.yield
    }) : () -> ()
    "tpu.region"() ({
      %run_scoped3A = tpu.sem_alloc : memref<!tpu.dma_semaphore, #tpu.memory_space<semaphore_mem>>
      %dma_start3A_375 = arith.constant 0 : i32
      %dma_start3A_376 = tpu.memref_slice %arg19[%dma_start3A_375] : memref<4096xf32, #tpu.memory_space<vmem_shared>> -> memref<4096xf32, #tpu.memory_space<vmem_shared>>
      tpu.enqueue_indirect_dma source(%arg16 : memref<8192xf32, #tpu.memory_space<vmem>>) target(%dma_start3A_376 : memref<4096xf32, #tpu.memory_space<vmem_shared>>) offsets(%arg11 : memref<8192xi32, #tpu.memory_space<vmem>>) semaphore(%run_scoped3A : memref<!tpu.dma_semaphore, #tpu.memory_space<semaphore_mem>>) {add = true}
      %dma_wait3A_377 = arith.constant 0 : i32
      %dma_wait3A_378 = tpu.memref_slice %arg19[%dma_wait3A_377] : memref<4096xf32, #tpu.memory_space<vmem_shared>> -> memref<4096xf32, #tpu.memory_space<vmem_shared>>
      tpu.wait_indirect_dma semaphore(%run_scoped3A : memref<!tpu.dma_semaphore, #tpu.memory_space<semaphore_mem>>) src(%arg16 : memref<8192xf32, #tpu.memory_space<vmem>>) dst(%dma_wait3A_378 : memref<4096xf32, #tpu.memory_space<vmem_shared>>)
      tpu.yield
    }) : () -> ()
    %dma_wait3A_111 = tpu.memref_slice %arg4[%add3A_97] : memref<2097152xi32, #tpu.memory_space<hbm>> -> memref<8192xi32, #tpu.memory_space<hbm>>
    %dma_wait3A_112 = tpu.memref_slice %arg4[%add3A_97] : memref<2097152xi32, #tpu.memory_space<hbm>> -> memref<8192xi32, #tpu.memory_space<hbm>>
    tpu.wait_dma2 semaphore(%arg20 : memref<!tpu.dma_semaphore, #tpu.memory_space<semaphore_mem>>) src(%dma_wait3A_112 : memref<8192xi32, #tpu.memory_space<hbm>>) dst(%arg10 : memref<8192xi32, #tpu.memory_space<vmem>>)
    %dma_wait3A_113 = tpu.memref_slice %arg2[%add3A_97] : memref<2097152xf32, #tpu.memory_space<hbm>> -> memref<8192xf32, #tpu.memory_space<hbm>>
    %dma_wait3A_114 = tpu.memref_slice %arg2[%add3A_97] : memref<2097152xf32, #tpu.memory_space<hbm>> -> memref<8192xf32, #tpu.memory_space<hbm>>
    tpu.wait_dma2 semaphore(%arg22 : memref<!tpu.dma_semaphore, #tpu.memory_space<semaphore_mem>>) src(%dma_wait3A_114 : memref<8192xf32, #tpu.memory_space<hbm>>) dst(%arg12 : memref<8192xf32, #tpu.memory_space<vmem>>)
    %dma_wait3A_115 = tpu.memref_slice %arg3[%add3A_97] : memref<2097152xf32, #tpu.memory_space<hbm>> -> memref<8192xf32, #tpu.memory_space<hbm>>
    %dma_wait3A_116 = tpu.memref_slice %arg3[%add3A_97] : memref<2097152xf32, #tpu.memory_space<hbm>> -> memref<8192xf32, #tpu.memory_space<hbm>>
    tpu.wait_dma2 semaphore(%arg24 : memref<!tpu.dma_semaphore, #tpu.memory_space<semaphore_mem>>) src(%dma_wait3A_116 : memref<8192xf32, #tpu.memory_space<hbm>>) dst(%arg14 : memref<8192xf32, #tpu.memory_space<vmem>>)
    %add3A_117 = arith.constant 40960 : i32
    %add3A_118 = arith.addi %mul3A_2, %add3A_117 : i32
    %dma_start3A_119 = tpu.memref_slice %arg4[%add3A_118] : memref<2097152xi32, #tpu.memory_space<hbm>> -> memref<8192xi32, #tpu.memory_space<hbm>>
    %dma_start3A_120 = tpu.memref_slice %arg4[%add3A_118] : memref<2097152xi32, #tpu.memory_space<hbm>> -> memref<8192xi32, #tpu.memory_space<hbm>>
    tpu.enqueue_dma source(%dma_start3A_120 : memref<8192xi32, #tpu.memory_space<hbm>>) target(%arg11 : memref<8192xi32, #tpu.memory_space<vmem>>) target_semaphore(%arg21 : memref<!tpu.dma_semaphore, #tpu.memory_space<semaphore_mem>>)
    %dma_start3A_121 = tpu.memref_slice %arg2[%add3A_118] : memref<2097152xf32, #tpu.memory_space<hbm>> -> memref<8192xf32, #tpu.memory_space<hbm>>
    %dma_start3A_122 = tpu.memref_slice %arg2[%add3A_118] : memref<2097152xf32, #tpu.memory_space<hbm>> -> memref<8192xf32, #tpu.memory_space<hbm>>
    tpu.enqueue_dma source(%dma_start3A_122 : memref<8192xf32, #tpu.memory_space<hbm>>) target(%arg13 : memref<8192xf32, #tpu.memory_space<vmem>>) target_semaphore(%arg23 : memref<!tpu.dma_semaphore, #tpu.memory_space<semaphore_mem>>)
    %dma_start3A_123 = tpu.memref_slice %arg3[%add3A_118] : memref<2097152xf32, #tpu.memory_space<hbm>> -> memref<8192xf32, #tpu.memory_space<hbm>>
    %dma_start3A_124 = tpu.memref_slice %arg3[%add3A_118] : memref<2097152xf32, #tpu.memory_space<hbm>> -> memref<8192xf32, #tpu.memory_space<hbm>>
    tpu.enqueue_dma source(%dma_start3A_124 : memref<8192xf32, #tpu.memory_space<hbm>>) target(%arg15 : memref<8192xf32, #tpu.memory_space<vmem>>) target_semaphore(%arg25 : memref<!tpu.dma_semaphore, #tpu.memory_space<semaphore_mem>>)
    %scan3A_125 = arith.constant 0 : i32
    %scan3A_126 = arith.constant 0 : i32
    %scan3A_127 = arith.constant 512 : i32
    %scan3A_128 = arith.addi %scan3A_126, %scan3A_127 : i32
    %scan3A_129 = arith.constant 1 : i32
    %scan3A_130 = scf.for %scan3A_375 = %scan3A_126 to %scan3A_128 step %scan3A_129 iter_args(%scan3A_376 = %scan3A_125) -> (i32)  : i32 {
      %mul3A_377 = arith.constant 16 : i32
      %mul3A_378 = arith.muli %scan3A_375, %mul3A_377 : i32
      %get3A = arith.index_cast %mul3A_378 : i32 to index
      %get3A_379 = tpu.vector_load %arg12[%get3A] {strides = array<i32>} : memref<8192xf32, #tpu.memory_space<vmem>>, vector<16xf32>,
      %get3A_380 = vector.shape_cast %get3A_379 : vector<16xf32> to vector<16xf32>
      %get3A_381 = arith.index_cast %mul3A_378 : i32 to index
      %get3A_382 = tpu.vector_load %arg14[%get3A_381] {strides = array<i32>} : memref<8192xf32, #tpu.memory_space<vmem>>, vector<16xf32>,
      %get3A_383 = vector.shape_cast %get3A_382 : vector<16xf32> to vector<16xf32>
      %mul3A_384 = arith.mulf %get3A_380, %get3A_380 : vector<16xf32>
      %mul3A_385 = arith.mulf %get3A_383, %get3A_383 : vector<16xf32>
      %add3A_386 = arith.addf %mul3A_384, %mul3A_385 : vector<16xf32>
      %swap3A = arith.index_cast %mul3A_378 : i32 to index
      %swap3A_387 = tpu.vector_load %arg12[%swap3A] {strides = array<i32>} : memref<8192xf32, #tpu.memory_space<vmem>>, vector<16xf32>,
      %swap3A_388 = vector.shape_cast %swap3A_387 : vector<16xf32> to vector<16xf32>
      %swap3A_389 = vector.shape_cast %add3A_386 : vector<16xf32> to vector<16xf32>
      tpu.vector_store %arg12[%swap3A], %swap3A_389 {strides = array<i32>} : memref<8192xf32, #tpu.memory_space<vmem>>, vector<16xf32>,
      %scan3A_390 = arith.constant 0 : i32
      scf.yield %scan3A_390 : i32
    }
    %scan3A_131 = arith.constant 512 : i32
    "tpu.region"() ({
      %run_scoped3A = tpu.sem_alloc : memref<!tpu.dma_semaphore, #tpu.memory_space<semaphore_mem>>
      %dma_start3A_375 = arith.constant 0 : i32
      %dma_start3A_376 = tpu.memref_slice %arg18[%dma_start3A_375] : memref<4096xf32, #tpu.memory_space<vmem_shared>> -> memref<4096xf32, #tpu.memory_space<vmem_shared>>
      tpu.enqueue_indirect_dma source(%arg12 : memref<8192xf32, #tpu.memory_space<vmem>>) target(%dma_start3A_376 : memref<4096xf32, #tpu.memory_space<vmem_shared>>) offsets(%arg10 : memref<8192xi32, #tpu.memory_space<vmem>>) semaphore(%run_scoped3A : memref<!tpu.dma_semaphore, #tpu.memory_space<semaphore_mem>>) {add = true}
      %dma_wait3A_377 = arith.constant 0 : i32
      %dma_wait3A_378 = tpu.memref_slice %arg18[%dma_wait3A_377] : memref<4096xf32, #tpu.memory_space<vmem_shared>> -> memref<4096xf32, #tpu.memory_space<vmem_shared>>
      tpu.wait_indirect_dma semaphore(%run_scoped3A : memref<!tpu.dma_semaphore, #tpu.memory_space<semaphore_mem>>) src(%arg12 : memref<8192xf32, #tpu.memory_space<vmem>>) dst(%dma_wait3A_378 : memref<4096xf32, #tpu.memory_space<vmem_shared>>)
      tpu.yield
    }) : () -> ()
    "tpu.region"() ({
      %run_scoped3A = tpu.sem_alloc : memref<!tpu.dma_semaphore, #tpu.memory_space<semaphore_mem>>
      %dma_start3A_375 = arith.constant 0 : i32
      %dma_start3A_376 = tpu.memref_slice %arg19[%dma_start3A_375] : memref<4096xf32, #tpu.memory_space<vmem_shared>> -> memref<4096xf32, #tpu.memory_space<vmem_shared>>
      tpu.enqueue_indirect_dma source(%arg16 : memref<8192xf32, #tpu.memory_space<vmem>>) target(%dma_start3A_376 : memref<4096xf32, #tpu.memory_space<vmem_shared>>) offsets(%arg10 : memref<8192xi32, #tpu.memory_space<vmem>>) semaphore(%run_scoped3A : memref<!tpu.dma_semaphore, #tpu.memory_space<semaphore_mem>>) {add = true}
      %dma_wait3A_377 = arith.constant 0 : i32
      %dma_wait3A_378 = tpu.memref_slice %arg19[%dma_wait3A_377] : memref<4096xf32, #tpu.memory_space<vmem_shared>> -> memref<4096xf32, #tpu.memory_space<vmem_shared>>
      tpu.wait_indirect_dma semaphore(%run_scoped3A : memref<!tpu.dma_semaphore, #tpu.memory_space<semaphore_mem>>) src(%arg16 : memref<8192xf32, #tpu.memory_space<vmem>>) dst(%dma_wait3A_378 : memref<4096xf32, #tpu.memory_space<vmem_shared>>)
      tpu.yield
    }) : () -> ()
    %dma_wait3A_132 = tpu.memref_slice %arg4[%add3A_118] : memref<2097152xi32, #tpu.memory_space<hbm>> -> memref<8192xi32, #tpu.memory_space<hbm>>
    %dma_wait3A_133 = tpu.memref_slice %arg4[%add3A_118] : memref<2097152xi32, #tpu.memory_space<hbm>> -> memref<8192xi32, #tpu.memory_space<hbm>>
    tpu.wait_dma2 semaphore(%arg21 : memref<!tpu.dma_semaphore, #tpu.memory_space<semaphore_mem>>) src(%dma_wait3A_133 : memref<8192xi32, #tpu.memory_space<hbm>>) dst(%arg11 : memref<8192xi32, #tpu.memory_space<vmem>>)
    %dma_wait3A_134 = tpu.memref_slice %arg2[%add3A_118] : memref<2097152xf32, #tpu.memory_space<hbm>> -> memref<8192xf32, #tpu.memory_space<hbm>>
    %dma_wait3A_135 = tpu.memref_slice %arg2[%add3A_118] : memref<2097152xf32, #tpu.memory_space<hbm>> -> memref<8192xf32, #tpu.memory_space<hbm>>
    tpu.wait_dma2 semaphore(%arg23 : memref<!tpu.dma_semaphore, #tpu.memory_space<semaphore_mem>>) src(%dma_wait3A_135 : memref<8192xf32, #tpu.memory_space<hbm>>) dst(%arg13 : memref<8192xf32, #tpu.memory_space<vmem>>)
    %dma_wait3A_136 = tpu.memref_slice %arg3[%add3A_118] : memref<2097152xf32, #tpu.memory_space<hbm>> -> memref<8192xf32, #tpu.memory_space<hbm>>
    %dma_wait3A_137 = tpu.memref_slice %arg3[%add3A_118] : memref<2097152xf32, #tpu.memory_space<hbm>> -> memref<8192xf32, #tpu.memory_space<hbm>>
    tpu.wait_dma2 semaphore(%arg25 : memref<!tpu.dma_semaphore, #tpu.memory_space<semaphore_mem>>) src(%dma_wait3A_137 : memref<8192xf32, #tpu.memory_space<hbm>>) dst(%arg15 : memref<8192xf32, #tpu.memory_space<vmem>>)
    %add3A_138 = arith.constant 49152 : i32
    %add3A_139 = arith.addi %mul3A_2, %add3A_138 : i32
    %dma_start3A_140 = tpu.memref_slice %arg4[%add3A_139] : memref<2097152xi32, #tpu.memory_space<hbm>> -> memref<8192xi32, #tpu.memory_space<hbm>>
    %dma_start3A_141 = tpu.memref_slice %arg4[%add3A_139] : memref<2097152xi32, #tpu.memory_space<hbm>> -> memref<8192xi32, #tpu.memory_space<hbm>>
    tpu.enqueue_dma source(%dma_start3A_141 : memref<8192xi32, #tpu.memory_space<hbm>>) target(%arg10 : memref<8192xi32, #tpu.memory_space<vmem>>) target_semaphore(%arg20 : memref<!tpu.dma_semaphore, #tpu.memory_space<semaphore_mem>>)
    %dma_start3A_142 = tpu.memref_slice %arg2[%add3A_139] : memref<2097152xf32, #tpu.memory_space<hbm>> -> memref<8192xf32, #tpu.memory_space<hbm>>
    %dma_start3A_143 = tpu.memref_slice %arg2[%add3A_139] : memref<2097152xf32, #tpu.memory_space<hbm>> -> memref<8192xf32, #tpu.memory_space<hbm>>
    tpu.enqueue_dma source(%dma_start3A_143 : memref<8192xf32, #tpu.memory_space<hbm>>) target(%arg12 : memref<8192xf32, #tpu.memory_space<vmem>>) target_semaphore(%arg22 : memref<!tpu.dma_semaphore, #tpu.memory_space<semaphore_mem>>)
    %dma_start3A_144 = tpu.memref_slice %arg3[%add3A_139] : memref<2097152xf32, #tpu.memory_space<hbm>> -> memref<8192xf32, #tpu.memory_space<hbm>>
    %dma_start3A_145 = tpu.memref_slice %arg3[%add3A_139] : memref<2097152xf32, #tpu.memory_space<hbm>> -> memref<8192xf32, #tpu.memory_space<hbm>>
    tpu.enqueue_dma source(%dma_start3A_145 : memref<8192xf32, #tpu.memory_space<hbm>>) target(%arg14 : memref<8192xf32, #tpu.memory_space<vmem>>) target_semaphore(%arg24 : memref<!tpu.dma_semaphore, #tpu.memory_space<semaphore_mem>>)
    %scan3A_146 = arith.constant 0 : i32
    %scan3A_147 = arith.constant 0 : i32
    %scan3A_148 = arith.constant 512 : i32
    %scan3A_149 = arith.addi %scan3A_147, %scan3A_148 : i32
    %scan3A_150 = arith.constant 1 : i32
    %scan3A_151 = scf.for %scan3A_375 = %scan3A_147 to %scan3A_149 step %scan3A_150 iter_args(%scan3A_376 = %scan3A_146) -> (i32)  : i32 {
      %mul3A_377 = arith.constant 16 : i32
      %mul3A_378 = arith.muli %scan3A_375, %mul3A_377 : i32
      %get3A = arith.index_cast %mul3A_378 : i32 to index
      %get3A_379 = tpu.vector_load %arg13[%get3A] {strides = array<i32>} : memref<8192xf32, #tpu.memory_space<vmem>>, vector<16xf32>,
      %get3A_380 = vector.shape_cast %get3A_379 : vector<16xf32> to vector<16xf32>
      %get3A_381 = arith.index_cast %mul3A_378 : i32 to index
      %get3A_382 = tpu.vector_load %arg15[%get3A_381] {strides = array<i32>} : memref<8192xf32, #tpu.memory_space<vmem>>, vector<16xf32>,
      %get3A_383 = vector.shape_cast %get3A_382 : vector<16xf32> to vector<16xf32>
      %mul3A_384 = arith.mulf %get3A_380, %get3A_380 : vector<16xf32>
      %mul3A_385 = arith.mulf %get3A_383, %get3A_383 : vector<16xf32>
      %add3A_386 = arith.addf %mul3A_384, %mul3A_385 : vector<16xf32>
      %swap3A = arith.index_cast %mul3A_378 : i32 to index
      %swap3A_387 = tpu.vector_load %arg13[%swap3A] {strides = array<i32>} : memref<8192xf32, #tpu.memory_space<vmem>>, vector<16xf32>,
      %swap3A_388 = vector.shape_cast %swap3A_387 : vector<16xf32> to vector<16xf32>
      %swap3A_389 = vector.shape_cast %add3A_386 : vector<16xf32> to vector<16xf32>
      tpu.vector_store %arg13[%swap3A], %swap3A_389 {strides = array<i32>} : memref<8192xf32, #tpu.memory_space<vmem>>, vector<16xf32>,
      %scan3A_390 = arith.constant 0 : i32
      scf.yield %scan3A_390 : i32
    }
    %scan3A_152 = arith.constant 512 : i32
    "tpu.region"() ({
      %run_scoped3A = tpu.sem_alloc : memref<!tpu.dma_semaphore, #tpu.memory_space<semaphore_mem>>
      %dma_start3A_375 = arith.constant 0 : i32
      %dma_start3A_376 = tpu.memref_slice %arg18[%dma_start3A_375] : memref<4096xf32, #tpu.memory_space<vmem_shared>> -> memref<4096xf32, #tpu.memory_space<vmem_shared>>
      tpu.enqueue_indirect_dma source(%arg13 : memref<8192xf32, #tpu.memory_space<vmem>>) target(%dma_start3A_376 : memref<4096xf32, #tpu.memory_space<vmem_shared>>) offsets(%arg11 : memref<8192xi32, #tpu.memory_space<vmem>>) semaphore(%run_scoped3A : memref<!tpu.dma_semaphore, #tpu.memory_space<semaphore_mem>>) {add = true}
      %dma_wait3A_377 = arith.constant 0 : i32
      %dma_wait3A_378 = tpu.memref_slice %arg18[%dma_wait3A_377] : memref<4096xf32, #tpu.memory_space<vmem_shared>> -> memref<4096xf32, #tpu.memory_space<vmem_shared>>
      tpu.wait_indirect_dma semaphore(%run_scoped3A : memref<!tpu.dma_semaphore, #tpu.memory_space<semaphore_mem>>) src(%arg13 : memref<8192xf32, #tpu.memory_space<vmem>>) dst(%dma_wait3A_378 : memref<4096xf32, #tpu.memory_space<vmem_shared>>)
      tpu.yield
    }) : () -> ()
    "tpu.region"() ({
      %run_scoped3A = tpu.sem_alloc : memref<!tpu.dma_semaphore, #tpu.memory_space<semaphore_mem>>
      %dma_start3A_375 = arith.constant 0 : i32
      %dma_start3A_376 = tpu.memref_slice %arg19[%dma_start3A_375] : memref<4096xf32, #tpu.memory_space<vmem_shared>> -> memref<4096xf32, #tpu.memory_space<vmem_shared>>
      tpu.enqueue_indirect_dma source(%arg16 : memref<8192xf32, #tpu.memory_space<vmem>>) target(%dma_start3A_376 : memref<4096xf32, #tpu.memory_space<vmem_shared>>) offsets(%arg11 : memref<8192xi32, #tpu.memory_space<vmem>>) semaphore(%run_scoped3A : memref<!tpu.dma_semaphore, #tpu.memory_space<semaphore_mem>>) {add = true}
      %dma_wait3A_377 = arith.constant 0 : i32
      %dma_wait3A_378 = tpu.memref_slice %arg19[%dma_wait3A_377] : memref<4096xf32, #tpu.memory_space<vmem_shared>> -> memref<4096xf32, #tpu.memory_space<vmem_shared>>
      tpu.wait_indirect_dma semaphore(%run_scoped3A : memref<!tpu.dma_semaphore, #tpu.memory_space<semaphore_mem>>) src(%arg16 : memref<8192xf32, #tpu.memory_space<vmem>>) dst(%dma_wait3A_378 : memref<4096xf32, #tpu.memory_space<vmem_shared>>)
      tpu.yield
    }) : () -> ()
    %dma_wait3A_153 = tpu.memref_slice %arg4[%add3A_139] : memref<2097152xi32, #tpu.memory_space<hbm>> -> memref<8192xi32, #tpu.memory_space<hbm>>
    %dma_wait3A_154 = tpu.memref_slice %arg4[%add3A_139] : memref<2097152xi32, #tpu.memory_space<hbm>> -> memref<8192xi32, #tpu.memory_space<hbm>>
    tpu.wait_dma2 semaphore(%arg20 : memref<!tpu.dma_semaphore, #tpu.memory_space<semaphore_mem>>) src(%dma_wait3A_154 : memref<8192xi32, #tpu.memory_space<hbm>>) dst(%arg10 : memref<8192xi32, #tpu.memory_space<vmem>>)
    %dma_wait3A_155 = tpu.memref_slice %arg2[%add3A_139] : memref<2097152xf32, #tpu.memory_space<hbm>> -> memref<8192xf32, #tpu.memory_space<hbm>>
    %dma_wait3A_156 = tpu.memref_slice %arg2[%add3A_139] : memref<2097152xf32, #tpu.memory_space<hbm>> -> memref<8192xf32, #tpu.memory_space<hbm>>
    tpu.wait_dma2 semaphore(%arg22 : memref<!tpu.dma_semaphore, #tpu.memory_space<semaphore_mem>>) src(%dma_wait3A_156 : memref<8192xf32, #tpu.memory_space<hbm>>) dst(%arg12 : memref<8192xf32, #tpu.memory_space<vmem>>)
    %dma_wait3A_157 = tpu.memref_slice %arg3[%add3A_139] : memref<2097152xf32, #tpu.memory_space<hbm>> -> memref<8192xf32, #tpu.memory_space<hbm>>
    %dma_wait3A_158 = tpu.memref_slice %arg3[%add3A_139] : memref<2097152xf32, #tpu.memory_space<hbm>> -> memref<8192xf32, #tpu.memory_space<hbm>>
    tpu.wait_dma2 semaphore(%arg24 : memref<!tpu.dma_semaphore, #tpu.memory_space<semaphore_mem>>) src(%dma_wait3A_158 : memref<8192xf32, #tpu.memory_space<hbm>>) dst(%arg14 : memref<8192xf32, #tpu.memory_space<vmem>>)
    %add3A_159 = arith.constant 57344 : i32
    %add3A_160 = arith.addi %mul3A_2, %add3A_159 : i32
    %dma_start3A_161 = tpu.memref_slice %arg4[%add3A_160] : memref<2097152xi32, #tpu.memory_space<hbm>> -> memref<8192xi32, #tpu.memory_space<hbm>>
    %dma_start3A_162 = tpu.memref_slice %arg4[%add3A_160] : memref<2097152xi32, #tpu.memory_space<hbm>> -> memref<8192xi32, #tpu.memory_space<hbm>>
    tpu.enqueue_dma source(%dma_start3A_162 : memref<8192xi32, #tpu.memory_space<hbm>>) target(%arg11 : memref<8192xi32, #tpu.memory_space<vmem>>) target_semaphore(%arg21 : memref<!tpu.dma_semaphore, #tpu.memory_space<semaphore_mem>>)
    %dma_start3A_163 = tpu.memref_slice %arg2[%add3A_160] : memref<2097152xf32, #tpu.memory_space<hbm>> -> memref<8192xf32, #tpu.memory_space<hbm>>
    %dma_start3A_164 = tpu.memref_slice %arg2[%add3A_160] : memref<2097152xf32, #tpu.memory_space<hbm>> -> memref<8192xf32, #tpu.memory_space<hbm>>
    tpu.enqueue_dma source(%dma_start3A_164 : memref<8192xf32, #tpu.memory_space<hbm>>) target(%arg13 : memref<8192xf32, #tpu.memory_space<vmem>>) target_semaphore(%arg23 : memref<!tpu.dma_semaphore, #tpu.memory_space<semaphore_mem>>)
    %dma_start3A_165 = tpu.memref_slice %arg3[%add3A_160] : memref<2097152xf32, #tpu.memory_space<hbm>> -> memref<8192xf32, #tpu.memory_space<hbm>>
    %dma_start3A_166 = tpu.memref_slice %arg3[%add3A_160] : memref<2097152xf32, #tpu.memory_space<hbm>> -> memref<8192xf32, #tpu.memory_space<hbm>>
    tpu.enqueue_dma source(%dma_start3A_166 : memref<8192xf32, #tpu.memory_space<hbm>>) target(%arg15 : memref<8192xf32, #tpu.memory_space<vmem>>) target_semaphore(%arg25 : memref<!tpu.dma_semaphore, #tpu.memory_space<semaphore_mem>>)
    %scan3A_167 = arith.constant 0 : i32
    %scan3A_168 = arith.constant 0 : i32
    %scan3A_169 = arith.constant 512 : i32
    %scan3A_170 = arith.addi %scan3A_168, %scan3A_169 : i32
    %scan3A_171 = arith.constant 1 : i32
    %scan3A_172 = scf.for %scan3A_375 = %scan3A_168 to %scan3A_170 step %scan3A_171 iter_args(%scan3A_376 = %scan3A_167) -> (i32)  : i32 {
      %mul3A_377 = arith.constant 16 : i32
      %mul3A_378 = arith.muli %scan3A_375, %mul3A_377 : i32
      %get3A = arith.index_cast %mul3A_378 : i32 to index
      %get3A_379 = tpu.vector_load %arg12[%get3A] {strides = array<i32>} : memref<8192xf32, #tpu.memory_space<vmem>>, vector<16xf32>,
      %get3A_380 = vector.shape_cast %get3A_379 : vector<16xf32> to vector<16xf32>
      %get3A_381 = arith.index_cast %mul3A_378 : i32 to index
      %get3A_382 = tpu.vector_load %arg14[%get3A_381] {strides = array<i32>} : memref<8192xf32, #tpu.memory_space<vmem>>, vector<16xf32>,
      %get3A_383 = vector.shape_cast %get3A_382 : vector<16xf32> to vector<16xf32>
      %mul3A_384 = arith.mulf %get3A_380, %get3A_380 : vector<16xf32>
      %mul3A_385 = arith.mulf %get3A_383, %get3A_383 : vector<16xf32>
      %add3A_386 = arith.addf %mul3A_384, %mul3A_385 : vector<16xf32>
      %swap3A = arith.index_cast %mul3A_378 : i32 to index
      %swap3A_387 = tpu.vector_load %arg12[%swap3A] {strides = array<i32>} : memref<8192xf32, #tpu.memory_space<vmem>>, vector<16xf32>,
      %swap3A_388 = vector.shape_cast %swap3A_387 : vector<16xf32> to vector<16xf32>
      %swap3A_389 = vector.shape_cast %add3A_386 : vector<16xf32> to vector<16xf32>
      tpu.vector_store %arg12[%swap3A], %swap3A_389 {strides = array<i32>} : memref<8192xf32, #tpu.memory_space<vmem>>, vector<16xf32>,
      %scan3A_390 = arith.constant 0 : i32
      scf.yield %scan3A_390 : i32
    }
    %scan3A_173 = arith.constant 512 : i32
    "tpu.region"() ({
      %run_scoped3A = tpu.sem_alloc : memref<!tpu.dma_semaphore, #tpu.memory_space<semaphore_mem>>
      %dma_start3A_375 = arith.constant 0 : i32
      %dma_start3A_376 = tpu.memref_slice %arg18[%dma_start3A_375] : memref<4096xf32, #tpu.memory_space<vmem_shared>> -> memref<4096xf32, #tpu.memory_space<vmem_shared>>
      tpu.enqueue_indirect_dma source(%arg12 : memref<8192xf32, #tpu.memory_space<vmem>>) target(%dma_start3A_376 : memref<4096xf32, #tpu.memory_space<vmem_shared>>) offsets(%arg10 : memref<8192xi32, #tpu.memory_space<vmem>>) semaphore(%run_scoped3A : memref<!tpu.dma_semaphore, #tpu.memory_space<semaphore_mem>>) {add = true}
      %dma_wait3A_377 = arith.constant 0 : i32
      %dma_wait3A_378 = tpu.memref_slice %arg18[%dma_wait3A_377] : memref<4096xf32, #tpu.memory_space<vmem_shared>> -> memref<4096xf32, #tpu.memory_space<vmem_shared>>
      tpu.wait_indirect_dma semaphore(%run_scoped3A : memref<!tpu.dma_semaphore, #tpu.memory_space<semaphore_mem>>) src(%arg12 : memref<8192xf32, #tpu.memory_space<vmem>>) dst(%dma_wait3A_378 : memref<4096xf32, #tpu.memory_space<vmem_shared>>)
      tpu.yield
    }) : () -> ()
    "tpu.region"() ({
      %run_scoped3A = tpu.sem_alloc : memref<!tpu.dma_semaphore, #tpu.memory_space<semaphore_mem>>
      %dma_start3A_375 = arith.constant 0 : i32
      %dma_start3A_376 = tpu.memref_slice %arg19[%dma_start3A_375] : memref<4096xf32, #tpu.memory_space<vmem_shared>> -> memref<4096xf32, #tpu.memory_space<vmem_shared>>
      tpu.enqueue_indirect_dma source(%arg16 : memref<8192xf32, #tpu.memory_space<vmem>>) target(%dma_start3A_376 : memref<4096xf32, #tpu.memory_space<vmem_shared>>) offsets(%arg10 : memref<8192xi32, #tpu.memory_space<vmem>>) semaphore(%run_scoped3A : memref<!tpu.dma_semaphore, #tpu.memory_space<semaphore_mem>>) {add = true}
      %dma_wait3A_377 = arith.constant 0 : i32
      %dma_wait3A_378 = tpu.memref_slice %arg19[%dma_wait3A_377] : memref<4096xf32, #tpu.memory_space<vmem_shared>> -> memref<4096xf32, #tpu.memory_space<vmem_shared>>
      tpu.wait_indirect_dma semaphore(%run_scoped3A : memref<!tpu.dma_semaphore, #tpu.memory_space<semaphore_mem>>) src(%arg16 : memref<8192xf32, #tpu.memory_space<vmem>>) dst(%dma_wait3A_378 : memref<4096xf32, #tpu.memory_space<vmem_shared>>)
      tpu.yield
    }) : () -> ()
    %dma_wait3A_174 = tpu.memref_slice %arg4[%add3A_160] : memref<2097152xi32, #tpu.memory_space<hbm>> -> memref<8192xi32, #tpu.memory_space<hbm>>
    %dma_wait3A_175 = tpu.memref_slice %arg4[%add3A_160] : memref<2097152xi32, #tpu.memory_space<hbm>> -> memref<8192xi32, #tpu.memory_space<hbm>>
    tpu.wait_dma2 semaphore(%arg21 : memref<!tpu.dma_semaphore, #tpu.memory_space<semaphore_mem>>) src(%dma_wait3A_175 : memref<8192xi32, #tpu.memory_space<hbm>>) dst(%arg11 : memref<8192xi32, #tpu.memory_space<vmem>>)
    %dma_wait3A_176 = tpu.memref_slice %arg2[%add3A_160] : memref<2097152xf32, #tpu.memory_space<hbm>> -> memref<8192xf32, #tpu.memory_space<hbm>>
    %dma_wait3A_177 = tpu.memref_slice %arg2[%add3A_160] : memref<2097152xf32, #tpu.memory_space<hbm>> -> memref<8192xf32, #tpu.memory_space<hbm>>
    tpu.wait_dma2 semaphore(%arg23 : memref<!tpu.dma_semaphore, #tpu.memory_space<semaphore_mem>>) src(%dma_wait3A_177 : memref<8192xf32, #tpu.memory_space<hbm>>) dst(%arg13 : memref<8192xf32, #tpu.memory_space<vmem>>)
    %dma_wait3A_178 = tpu.memref_slice %arg3[%add3A_160] : memref<2097152xf32, #tpu.memory_space<hbm>> -> memref<8192xf32, #tpu.memory_space<hbm>>
    %dma_wait3A_179 = tpu.memref_slice %arg3[%add3A_160] : memref<2097152xf32, #tpu.memory_space<hbm>> -> memref<8192xf32, #tpu.memory_space<hbm>>
    tpu.wait_dma2 semaphore(%arg25 : memref<!tpu.dma_semaphore, #tpu.memory_space<semaphore_mem>>) src(%dma_wait3A_179 : memref<8192xf32, #tpu.memory_space<hbm>>) dst(%arg15 : memref<8192xf32, #tpu.memory_space<vmem>>)
    %scan3A_180 = arith.constant 0 : i32
    %scan3A_181 = arith.constant 0 : i32
    %scan3A_182 = arith.constant 512 : i32
    %scan3A_183 = arith.addi %scan3A_181, %scan3A_182 : i32
    %scan3A_184 = arith.constant 1 : i32
    %scan3A_185 = scf.for %scan3A_375 = %scan3A_181 to %scan3A_183 step %scan3A_184 iter_args(%scan3A_376 = %scan3A_180) -> (i32)  : i32 {
      %mul3A_377 = arith.constant 16 : i32
      %mul3A_378 = arith.muli %scan3A_375, %mul3A_377 : i32
      %get3A = arith.index_cast %mul3A_378 : i32 to index
      %get3A_379 = tpu.vector_load %arg13[%get3A] {strides = array<i32>} : memref<8192xf32, #tpu.memory_space<vmem>>, vector<16xf32>,
      %get3A_380 = vector.shape_cast %get3A_379 : vector<16xf32> to vector<16xf32>
      %get3A_381 = arith.index_cast %mul3A_378 : i32 to index
      %get3A_382 = tpu.vector_load %arg15[%get3A_381] {strides = array<i32>} : memref<8192xf32, #tpu.memory_space<vmem>>, vector<16xf32>,
      %get3A_383 = vector.shape_cast %get3A_382 : vector<16xf32> to vector<16xf32>
      %mul3A_384 = arith.mulf %get3A_380, %get3A_380 : vector<16xf32>
      %mul3A_385 = arith.mulf %get3A_383, %get3A_383 : vector<16xf32>
      %add3A_386 = arith.addf %mul3A_384, %mul3A_385 : vector<16xf32>
      %swap3A = arith.index_cast %mul3A_378 : i32 to index
      %swap3A_387 = tpu.vector_load %arg13[%swap3A] {strides = array<i32>} : memref<8192xf32, #tpu.memory_space<vmem>>, vector<16xf32>,
      %swap3A_388 = vector.shape_cast %swap3A_387 : vector<16xf32> to vector<16xf32>
      %swap3A_389 = vector.shape_cast %add3A_386 : vector<16xf32> to vector<16xf32>
      tpu.vector_store %arg13[%swap3A], %swap3A_389 {strides = array<i32>} : memref<8192xf32, #tpu.memory_space<vmem>>, vector<16xf32>,
      %scan3A_390 = arith.constant 0 : i32
      scf.yield %scan3A_390 : i32
    }
    %scan3A_186 = arith.constant 512 : i32
    "tpu.region"() ({
      %run_scoped3A = tpu.sem_alloc : memref<!tpu.dma_semaphore, #tpu.memory_space<semaphore_mem>>
      %dma_start3A_375 = arith.constant 0 : i32
      %dma_start3A_376 = tpu.memref_slice %arg18[%dma_start3A_375] : memref<4096xf32, #tpu.memory_space<vmem_shared>> -> memref<4096xf32, #tpu.memory_space<vmem_shared>>
      tpu.enqueue_indirect_dma source(%arg13 : memref<8192xf32, #tpu.memory_space<vmem>>) target(%dma_start3A_376 : memref<4096xf32, #tpu.memory_space<vmem_shared>>) offsets(%arg11 : memref<8192xi32, #tpu.memory_space<vmem>>) semaphore(%run_scoped3A : memref<!tpu.dma_semaphore, #tpu.memory_space<semaphore_mem>>) {add = true}
      %dma_wait3A_377 = arith.constant 0 : i32
      %dma_wait3A_378 = tpu.memref_slice %arg18[%dma_wait3A_377] : memref<4096xf32, #tpu.memory_space<vmem_shared>> -> memref<4096xf32, #tpu.memory_space<vmem_shared>>
      tpu.wait_indirect_dma semaphore(%run_scoped3A : memref<!tpu.dma_semaphore, #tpu.memory_space<semaphore_mem>>) src(%arg13 : memref<8192xf32, #tpu.memory_space<vmem>>) dst(%dma_wait3A_378 : memref<4096xf32, #tpu.memory_space<vmem_shared>>)
      tpu.yield
    }) : () -> ()
    "tpu.region"() ({
      %run_scoped3A = tpu.sem_alloc : memref<!tpu.dma_semaphore, #tpu.memory_space<semaphore_mem>>
      %dma_start3A_375 = arith.constant 0 : i32
      %dma_start3A_376 = tpu.memref_slice %arg19[%dma_start3A_375] : memref<4096xf32, #tpu.memory_space<vmem_shared>> -> memref<4096xf32, #tpu.memory_space<vmem_shared>>
      tpu.enqueue_indirect_dma source(%arg16 : memref<8192xf32, #tpu.memory_space<vmem>>) target(%dma_start3A_376 : memref<4096xf32, #tpu.memory_space<vmem_shared>>) offsets(%arg11 : memref<8192xi32, #tpu.memory_space<vmem>>) semaphore(%run_scoped3A : memref<!tpu.dma_semaphore, #tpu.memory_space<semaphore_mem>>) {add = true}
      %dma_wait3A_377 = arith.constant 0 : i32
      %dma_wait3A_378 = tpu.memref_slice %arg19[%dma_wait3A_377] : memref<4096xf32, #tpu.memory_space<vmem_shared>> -> memref<4096xf32, #tpu.memory_space<vmem_shared>>
      tpu.wait_indirect_dma semaphore(%run_scoped3A : memref<!tpu.dma_semaphore, #tpu.memory_space<semaphore_mem>>) src(%arg16 : memref<8192xf32, #tpu.memory_space<vmem>>) dst(%dma_wait3A_378 : memref<4096xf32, #tpu.memory_space<vmem_shared>>)
      tpu.yield
    }) : () -> ()
    %barrier3A_187 = arith.constant 0 : index
    tpu.barrier barrier_id(%barrier3A_187)
    %eq3A_188 = arith.constant 0 : i32
    %eq3A_189 = arith.cmpi eq, %arg1, %eq3A_188 : i32
    %convert_element_type3A_190 = arith.extui %eq3A_189 : i1 to i32
    %cond3A_191 = arith.constant 0 : i32
    %cond3A_192 = arith.cmpi ne, %convert_element_type3A_190, %cond3A_191 : i32
    scf.if %cond3A_192 {
      %run_scoped3A = arith.constant 0 : i32
      "tpu.region"() ({
        %run_scoped3A_376 = tpu.sem_alloc : memref<!tpu.dma_semaphore, #tpu.memory_space<semaphore_mem>>
        %dma_start3A_377 = arith.constant 0 : i32
        %dma_start3A_378 = tpu.memref_slice %arg8[%run_scoped3A, %arg0, %dma_start3A_377] : memref<2x2x4096xf32, #tpu.memory_space<hbm>> -> memref<1x1x4096xf32, #tpu.memory_space<hbm>>
        %dma_start3A_379 = tpu.memref_squeeze %dma_start3A_378 : memref<1x1x4096xf32, #tpu.memory_space<hbm>> -> memref<4096xf32, #tpu.memory_space<hbm>>
        tpu.enqueue_dma source(%arg18 : memref<4096xf32, #tpu.memory_space<vmem_shared>>) target(%dma_start3A_379 : memref<4096xf32, #tpu.memory_space<hbm>>) target_semaphore(%run_scoped3A_376 : memref<!tpu.dma_semaphore, #tpu.memory_space<semaphore_mem>>)
        %dma_wait3A_380 = arith.constant 0 : i32
        %dma_wait3A_381 = tpu.memref_slice %arg8[%run_scoped3A, %arg0, %dma_wait3A_380] : memref<2x2x4096xf32, #tpu.memory_space<hbm>> -> memref<1x1x4096xf32, #tpu.memory_space<hbm>>
        %dma_wait3A_382 = tpu.memref_squeeze %dma_wait3A_381 : memref<1x1x4096xf32, #tpu.memory_space<hbm>> -> memref<4096xf32, #tpu.memory_space<hbm>>
        tpu.wait_dma2 semaphore(%run_scoped3A_376 : memref<!tpu.dma_semaphore, #tpu.memory_space<semaphore_mem>>) src(%arg18 : memref<4096xf32, #tpu.memory_space<vmem_shared>>) dst(%dma_wait3A_382 : memref<4096xf32, #tpu.memory_space<hbm>>)
        tpu.yield
      }) : () -> ()
      %run_scoped3A_375 = arith.constant 0 : i32
      "tpu.region"() ({
        %run_scoped3A_376 = tpu.sem_alloc : memref<!tpu.dma_semaphore, #tpu.memory_space<semaphore_mem>>
        %dma_start3A_377 = arith.constant 0 : i32
        %dma_start3A_378 = tpu.memref_slice %arg9[%run_scoped3A_375, %arg0, %dma_start3A_377] : memref<2x2x4096xf32, #tpu.memory_space<hbm>> -> memref<1x1x4096xf32, #tpu.memory_space<hbm>>
        %dma_start3A_379 = tpu.memref_squeeze %dma_start3A_378 : memref<1x1x4096xf32, #tpu.memory_space<hbm>> -> memref<4096xf32, #tpu.memory_space<hbm>>
        tpu.enqueue_dma source(%arg19 : memref<4096xf32, #tpu.memory_space<vmem_shared>>) target(%dma_start3A_379 : memref<4096xf32, #tpu.memory_space<hbm>>) target_semaphore(%run_scoped3A_376 : memref<!tpu.dma_semaphore, #tpu.memory_space<semaphore_mem>>)
        %dma_wait3A_380 = arith.constant 0 : i32
        %dma_wait3A_381 = tpu.memref_slice %arg9[%run_scoped3A_375, %arg0, %dma_wait3A_380] : memref<2x2x4096xf32, #tpu.memory_space<hbm>> -> memref<1x1x4096xf32, #tpu.memory_space<hbm>>
        %dma_wait3A_382 = tpu.memref_squeeze %dma_wait3A_381 : memref<1x1x4096xf32, #tpu.memory_space<hbm>> -> memref<4096xf32, #tpu.memory_space<hbm>>
        tpu.wait_dma2 semaphore(%run_scoped3A_376 : memref<!tpu.dma_semaphore, #tpu.memory_space<semaphore_mem>>) src(%arg19 : memref<4096xf32, #tpu.memory_space<vmem_shared>>) dst(%dma_wait3A_382 : memref<4096xf32, #tpu.memory_space<hbm>>)
        tpu.yield
      }) : () -> ()
    } else {
    }
    %barrier3A_193 = arith.constant 0 : index
    tpu.barrier barrier_id(%barrier3A_193)
    %eq3A_194 = arith.constant 0 : i32
    %eq3A_195 = arith.cmpi eq, %arg1, %eq3A_194 : i32
    %convert_element_type3A_196 = arith.extui %eq3A_195 : i1 to i32
    %cond3A_197 = arith.constant 0 : i32
    %cond3A_198 = arith.cmpi ne, %convert_element_type3A_196, %cond3A_197 : i32
    scf.if %cond3A_198 {
      "tpu.region"() ({
        %run_scoped3A = tpu.sem_alloc : memref<!tpu.dma_semaphore, #tpu.memory_space<semaphore_mem>>
        tpu.enqueue_dma source(%arg17 : memref<4096xf32, #tpu.memory_space<vmem>>) target(%arg18 : memref<4096xf32, #tpu.memory_space<vmem_shared>>) target_semaphore(%run_scoped3A : memref<!tpu.dma_semaphore, #tpu.memory_space<semaphore_mem>>)
        tpu.wait_dma2 semaphore(%run_scoped3A : memref<!tpu.dma_semaphore, #tpu.memory_space<semaphore_mem>>) src(%arg17 : memref<4096xf32, #tpu.memory_space<vmem>>) dst(%arg18 : memref<4096xf32, #tpu.memory_space<vmem_shared>>)
        tpu.yield
      }) : () -> ()
      "tpu.region"() ({
        %run_scoped3A = tpu.sem_alloc : memref<!tpu.dma_semaphore, #tpu.memory_space<semaphore_mem>>
        tpu.enqueue_dma source(%arg17 : memref<4096xf32, #tpu.memory_space<vmem>>) target(%arg19 : memref<4096xf32, #tpu.memory_space<vmem_shared>>) target_semaphore(%run_scoped3A : memref<!tpu.dma_semaphore, #tpu.memory_space<semaphore_mem>>)
        tpu.wait_dma2 semaphore(%run_scoped3A : memref<!tpu.dma_semaphore, #tpu.memory_space<semaphore_mem>>) src(%arg17 : memref<4096xf32, #tpu.memory_space<vmem>>) dst(%arg19 : memref<4096xf32, #tpu.memory_space<vmem_shared>>)
        tpu.yield
      }) : () -> ()
    } else {
    }
    %barrier3A_199 = arith.constant 0 : index
    tpu.barrier barrier_id(%barrier3A_199)
    %add3A_200 = arith.constant 0 : i32
    %add3A_201 = arith.addi %mul3A_2, %add3A_200 : i32
    %dma_start3A_202 = tpu.memref_slice %arg7[%add3A_201] : memref<2097152xi32, #tpu.memory_space<hbm>> -> memref<8192xi32, #tpu.memory_space<hbm>>
    %dma_start3A_203 = tpu.memref_slice %arg7[%add3A_201] : memref<2097152xi32, #tpu.memory_space<hbm>> -> memref<8192xi32, #tpu.memory_space<hbm>>
    tpu.enqueue_dma source(%dma_start3A_203 : memref<8192xi32, #tpu.memory_space<hbm>>) target(%arg10 : memref<8192xi32, #tpu.memory_space<vmem>>) target_semaphore(%arg20 : memref<!tpu.dma_semaphore, #tpu.memory_space<semaphore_mem>>)
    %dma_start3A_204 = tpu.memref_slice %arg5[%add3A_201] : memref<2097152xf32, #tpu.memory_space<hbm>> -> memref<8192xf32, #tpu.memory_space<hbm>>
    %dma_start3A_205 = tpu.memref_slice %arg5[%add3A_201] : memref<2097152xf32, #tpu.memory_space<hbm>> -> memref<8192xf32, #tpu.memory_space<hbm>>
    tpu.enqueue_dma source(%dma_start3A_205 : memref<8192xf32, #tpu.memory_space<hbm>>) target(%arg12 : memref<8192xf32, #tpu.memory_space<vmem>>) target_semaphore(%arg22 : memref<!tpu.dma_semaphore, #tpu.memory_space<semaphore_mem>>)
    %dma_start3A_206 = tpu.memref_slice %arg6[%add3A_201] : memref<2097152xf32, #tpu.memory_space<hbm>> -> memref<8192xf32, #tpu.memory_space<hbm>>
    %dma_start3A_207 = tpu.memref_slice %arg6[%add3A_201] : memref<2097152xf32, #tpu.memory_space<hbm>> -> memref<8192xf32, #tpu.memory_space<hbm>>
    tpu.enqueue_dma source(%dma_start3A_207 : memref<8192xf32, #tpu.memory_space<hbm>>) target(%arg14 : memref<8192xf32, #tpu.memory_space<vmem>>) target_semaphore(%arg24 : memref<!tpu.dma_semaphore, #tpu.memory_space<semaphore_mem>>)
    %dma_wait3A_208 = tpu.memref_slice %arg7[%add3A_201] : memref<2097152xi32, #tpu.memory_space<hbm>> -> memref<8192xi32, #tpu.memory_space<hbm>>
    %dma_wait3A_209 = tpu.memref_slice %arg7[%add3A_201] : memref<2097152xi32, #tpu.memory_space<hbm>> -> memref<8192xi32, #tpu.memory_space<hbm>>
    tpu.wait_dma2 semaphore(%arg20 : memref<!tpu.dma_semaphore, #tpu.memory_space<semaphore_mem>>) src(%dma_wait3A_209 : memref<8192xi32, #tpu.memory_space<hbm>>) dst(%arg10 : memref<8192xi32, #tpu.memory_space<vmem>>)
    %dma_wait3A_210 = tpu.memref_slice %arg5[%add3A_201] : memref<2097152xf32, #tpu.memory_space<hbm>> -> memref<8192xf32, #tpu.memory_space<hbm>>
    %dma_wait3A_211 = tpu.memref_slice %arg5[%add3A_201] : memref<2097152xf32, #tpu.memory_space<hbm>> -> memref<8192xf32, #tpu.memory_space<hbm>>
    tpu.wait_dma2 semaphore(%arg22 : memref<!tpu.dma_semaphore, #tpu.memory_space<semaphore_mem>>) src(%dma_wait3A_211 : memref<8192xf32, #tpu.memory_space<hbm>>) dst(%arg12 : memref<8192xf32, #tpu.memory_space<vmem>>)
    %dma_wait3A_212 = tpu.memref_slice %arg6[%add3A_201] : memref<2097152xf32, #tpu.memory_space<hbm>> -> memref<8192xf32, #tpu.memory_space<hbm>>
    %dma_wait3A_213 = tpu.memref_slice %arg6[%add3A_201] : memref<2097152xf32, #tpu.memory_space<hbm>> -> memref<8192xf32, #tpu.memory_space<hbm>>
    tpu.wait_dma2 semaphore(%arg24 : memref<!tpu.dma_semaphore, #tpu.memory_space<semaphore_mem>>) src(%dma_wait3A_213 : memref<8192xf32, #tpu.memory_space<hbm>>) dst(%arg14 : memref<8192xf32, #tpu.memory_space<vmem>>)
    %add3A_214 = arith.constant 8192 : i32
    %add3A_215 = arith.addi %mul3A_2, %add3A_214 : i32
    %dma_start3A_216 = tpu.memref_slice %arg7[%add3A_215] : memref<2097152xi32, #tpu.memory_space<hbm>> -> memref<8192xi32, #tpu.memory_space<hbm>>
    %dma_start3A_217 = tpu.memref_slice %arg7[%add3A_215] : memref<2097152xi32, #tpu.memory_space<hbm>> -> memref<8192xi32, #tpu.memory_space<hbm>>
    tpu.enqueue_dma source(%dma_start3A_217 : memref<8192xi32, #tpu.memory_space<hbm>>) target(%arg11 : memref<8192xi32, #tpu.memory_space<vmem>>) target_semaphore(%arg21 : memref<!tpu.dma_semaphore, #tpu.memory_space<semaphore_mem>>)
    %dma_start3A_218 = tpu.memref_slice %arg5[%add3A_215] : memref<2097152xf32, #tpu.memory_space<hbm>> -> memref<8192xf32, #tpu.memory_space<hbm>>
    %dma_start3A_219 = tpu.memref_slice %arg5[%add3A_215] : memref<2097152xf32, #tpu.memory_space<hbm>> -> memref<8192xf32, #tpu.memory_space<hbm>>
    tpu.enqueue_dma source(%dma_start3A_219 : memref<8192xf32, #tpu.memory_space<hbm>>) target(%arg13 : memref<8192xf32, #tpu.memory_space<vmem>>) target_semaphore(%arg23 : memref<!tpu.dma_semaphore, #tpu.memory_space<semaphore_mem>>)
    %dma_start3A_220 = tpu.memref_slice %arg6[%add3A_215] : memref<2097152xf32, #tpu.memory_space<hbm>> -> memref<8192xf32, #tpu.memory_space<hbm>>
    %dma_start3A_221 = tpu.memref_slice %arg6[%add3A_215] : memref<2097152xf32, #tpu.memory_space<hbm>> -> memref<8192xf32, #tpu.memory_space<hbm>>
    tpu.enqueue_dma source(%dma_start3A_221 : memref<8192xf32, #tpu.memory_space<hbm>>) target(%arg15 : memref<8192xf32, #tpu.memory_space<vmem>>) target_semaphore(%arg25 : memref<!tpu.dma_semaphore, #tpu.memory_space<semaphore_mem>>)
    %scan3A_222 = arith.constant 0 : i32
    %scan3A_223 = arith.constant 0 : i32
    %scan3A_224 = arith.constant 512 : i32
    %scan3A_225 = arith.addi %scan3A_223, %scan3A_224 : i32
    %scan3A_226 = arith.constant 1 : i32
    %scan3A_227 = scf.for %scan3A_375 = %scan3A_223 to %scan3A_225 step %scan3A_226 iter_args(%scan3A_376 = %scan3A_222) -> (i32)  : i32 {
      %mul3A_377 = arith.constant 16 : i32
      %mul3A_378 = arith.muli %scan3A_375, %mul3A_377 : i32
      %get3A = arith.index_cast %mul3A_378 : i32 to index
      %get3A_379 = tpu.vector_load %arg12[%get3A] {strides = array<i32>} : memref<8192xf32, #tpu.memory_space<vmem>>, vector<16xf32>,
      %get3A_380 = vector.shape_cast %get3A_379 : vector<16xf32> to vector<16xf32>
      %get3A_381 = arith.index_cast %mul3A_378 : i32 to index
      %get3A_382 = tpu.vector_load %arg14[%get3A_381] {strides = array<i32>} : memref<8192xf32, #tpu.memory_space<vmem>>, vector<16xf32>,
      %get3A_383 = vector.shape_cast %get3A_382 : vector<16xf32> to vector<16xf32>
      %mul3A_384 = arith.mulf %get3A_380, %get3A_380 : vector<16xf32>
      %mul3A_385 = arith.mulf %get3A_383, %get3A_383 : vector<16xf32>
      %add3A_386 = arith.addf %mul3A_384, %mul3A_385 : vector<16xf32>
      %swap3A = arith.index_cast %mul3A_378 : i32 to index
      %swap3A_387 = tpu.vector_load %arg12[%swap3A] {strides = array<i32>} : memref<8192xf32, #tpu.memory_space<vmem>>, vector<16xf32>,
      %swap3A_388 = vector.shape_cast %swap3A_387 : vector<16xf32> to vector<16xf32>
      %swap3A_389 = vector.shape_cast %add3A_386 : vector<16xf32> to vector<16xf32>
      tpu.vector_store %arg12[%swap3A], %swap3A_389 {strides = array<i32>} : memref<8192xf32, #tpu.memory_space<vmem>>, vector<16xf32>,
      %scan3A_390 = arith.constant 0 : i32
      scf.yield %scan3A_390 : i32
    }
    %scan3A_228 = arith.constant 512 : i32
    "tpu.region"() ({
      %run_scoped3A = tpu.sem_alloc : memref<!tpu.dma_semaphore, #tpu.memory_space<semaphore_mem>>
      %dma_start3A_375 = arith.constant 0 : i32
      %dma_start3A_376 = tpu.memref_slice %arg18[%dma_start3A_375] : memref<4096xf32, #tpu.memory_space<vmem_shared>> -> memref<4096xf32, #tpu.memory_space<vmem_shared>>
      tpu.enqueue_indirect_dma source(%arg12 : memref<8192xf32, #tpu.memory_space<vmem>>) target(%dma_start3A_376 : memref<4096xf32, #tpu.memory_space<vmem_shared>>) offsets(%arg10 : memref<8192xi32, #tpu.memory_space<vmem>>) semaphore(%run_scoped3A : memref<!tpu.dma_semaphore, #tpu.memory_space<semaphore_mem>>) {add = true}
      %dma_wait3A_377 = arith.constant 0 : i32
      %dma_wait3A_378 = tpu.memref_slice %arg18[%dma_wait3A_377] : memref<4096xf32, #tpu.memory_space<vmem_shared>> -> memref<4096xf32, #tpu.memory_space<vmem_shared>>
      tpu.wait_indirect_dma semaphore(%run_scoped3A : memref<!tpu.dma_semaphore, #tpu.memory_space<semaphore_mem>>) src(%arg12 : memref<8192xf32, #tpu.memory_space<vmem>>) dst(%dma_wait3A_378 : memref<4096xf32, #tpu.memory_space<vmem_shared>>)
      tpu.yield
    }) : () -> ()
    "tpu.region"() ({
      %run_scoped3A = tpu.sem_alloc : memref<!tpu.dma_semaphore, #tpu.memory_space<semaphore_mem>>
      %dma_start3A_375 = arith.constant 0 : i32
      %dma_start3A_376 = tpu.memref_slice %arg19[%dma_start3A_375] : memref<4096xf32, #tpu.memory_space<vmem_shared>> -> memref<4096xf32, #tpu.memory_space<vmem_shared>>
      tpu.enqueue_indirect_dma source(%arg16 : memref<8192xf32, #tpu.memory_space<vmem>>) target(%dma_start3A_376 : memref<4096xf32, #tpu.memory_space<vmem_shared>>) offsets(%arg10 : memref<8192xi32, #tpu.memory_space<vmem>>) semaphore(%run_scoped3A : memref<!tpu.dma_semaphore, #tpu.memory_space<semaphore_mem>>) {add = true}
      %dma_wait3A_377 = arith.constant 0 : i32
      %dma_wait3A_378 = tpu.memref_slice %arg19[%dma_wait3A_377] : memref<4096xf32, #tpu.memory_space<vmem_shared>> -> memref<4096xf32, #tpu.memory_space<vmem_shared>>
      tpu.wait_indirect_dma semaphore(%run_scoped3A : memref<!tpu.dma_semaphore, #tpu.memory_space<semaphore_mem>>) src(%arg16 : memref<8192xf32, #tpu.memory_space<vmem>>) dst(%dma_wait3A_378 : memref<4096xf32, #tpu.memory_space<vmem_shared>>)
      tpu.yield
    }) : () -> ()
    %dma_wait3A_229 = tpu.memref_slice %arg7[%add3A_215] : memref<2097152xi32, #tpu.memory_space<hbm>> -> memref<8192xi32, #tpu.memory_space<hbm>>
    %dma_wait3A_230 = tpu.memref_slice %arg7[%add3A_215] : memref<2097152xi32, #tpu.memory_space<hbm>> -> memref<8192xi32, #tpu.memory_space<hbm>>
    tpu.wait_dma2 semaphore(%arg21 : memref<!tpu.dma_semaphore, #tpu.memory_space<semaphore_mem>>) src(%dma_wait3A_230 : memref<8192xi32, #tpu.memory_space<hbm>>) dst(%arg11 : memref<8192xi32, #tpu.memory_space<vmem>>)
    %dma_wait3A_231 = tpu.memref_slice %arg5[%add3A_215] : memref<2097152xf32, #tpu.memory_space<hbm>> -> memref<8192xf32, #tpu.memory_space<hbm>>
    %dma_wait3A_232 = tpu.memref_slice %arg5[%add3A_215] : memref<2097152xf32, #tpu.memory_space<hbm>> -> memref<8192xf32, #tpu.memory_space<hbm>>
    tpu.wait_dma2 semaphore(%arg23 : memref<!tpu.dma_semaphore, #tpu.memory_space<semaphore_mem>>) src(%dma_wait3A_232 : memref<8192xf32, #tpu.memory_space<hbm>>) dst(%arg13 : memref<8192xf32, #tpu.memory_space<vmem>>)
    %dma_wait3A_233 = tpu.memref_slice %arg6[%add3A_215] : memref<2097152xf32, #tpu.memory_space<hbm>> -> memref<8192xf32, #tpu.memory_space<hbm>>
    %dma_wait3A_234 = tpu.memref_slice %arg6[%add3A_215] : memref<2097152xf32, #tpu.memory_space<hbm>> -> memref<8192xf32, #tpu.memory_space<hbm>>
    tpu.wait_dma2 semaphore(%arg25 : memref<!tpu.dma_semaphore, #tpu.memory_space<semaphore_mem>>) src(%dma_wait3A_234 : memref<8192xf32, #tpu.memory_space<hbm>>) dst(%arg15 : memref<8192xf32, #tpu.memory_space<vmem>>)
    %add3A_235 = arith.constant 16384 : i32
    %add3A_236 = arith.addi %mul3A_2, %add3A_235 : i32
    %dma_start3A_237 = tpu.memref_slice %arg7[%add3A_236] : memref<2097152xi32, #tpu.memory_space<hbm>> -> memref<8192xi32, #tpu.memory_space<hbm>>
    %dma_start3A_238 = tpu.memref_slice %arg7[%add3A_236] : memref<2097152xi32, #tpu.memory_space<hbm>> -> memref<8192xi32, #tpu.memory_space<hbm>>
    tpu.enqueue_dma source(%dma_start3A_238 : memref<8192xi32, #tpu.memory_space<hbm>>) target(%arg10 : memref<8192xi32, #tpu.memory_space<vmem>>) target_semaphore(%arg20 : memref<!tpu.dma_semaphore, #tpu.memory_space<semaphore_mem>>)
    %dma_start3A_239 = tpu.memref_slice %arg5[%add3A_236] : memref<2097152xf32, #tpu.memory_space<hbm>> -> memref<8192xf32, #tpu.memory_space<hbm>>
    %dma_start3A_240 = tpu.memref_slice %arg5[%add3A_236] : memref<2097152xf32, #tpu.memory_space<hbm>> -> memref<8192xf32, #tpu.memory_space<hbm>>
    tpu.enqueue_dma source(%dma_start3A_240 : memref<8192xf32, #tpu.memory_space<hbm>>) target(%arg12 : memref<8192xf32, #tpu.memory_space<vmem>>) target_semaphore(%arg22 : memref<!tpu.dma_semaphore, #tpu.memory_space<semaphore_mem>>)
    %dma_start3A_241 = tpu.memref_slice %arg6[%add3A_236] : memref<2097152xf32, #tpu.memory_space<hbm>> -> memref<8192xf32, #tpu.memory_space<hbm>>
    %dma_start3A_242 = tpu.memref_slice %arg6[%add3A_236] : memref<2097152xf32, #tpu.memory_space<hbm>> -> memref<8192xf32, #tpu.memory_space<hbm>>
    tpu.enqueue_dma source(%dma_start3A_242 : memref<8192xf32, #tpu.memory_space<hbm>>) target(%arg14 : memref<8192xf32, #tpu.memory_space<vmem>>) target_semaphore(%arg24 : memref<!tpu.dma_semaphore, #tpu.memory_space<semaphore_mem>>)
    %scan3A_243 = arith.constant 0 : i32
    %scan3A_244 = arith.constant 0 : i32
    %scan3A_245 = arith.constant 512 : i32
    %scan3A_246 = arith.addi %scan3A_244, %scan3A_245 : i32
    %scan3A_247 = arith.constant 1 : i32
    %scan3A_248 = scf.for %scan3A_375 = %scan3A_244 to %scan3A_246 step %scan3A_247 iter_args(%scan3A_376 = %scan3A_243) -> (i32)  : i32 {
      %mul3A_377 = arith.constant 16 : i32
      %mul3A_378 = arith.muli %scan3A_375, %mul3A_377 : i32
      %get3A = arith.index_cast %mul3A_378 : i32 to index
      %get3A_379 = tpu.vector_load %arg13[%get3A] {strides = array<i32>} : memref<8192xf32, #tpu.memory_space<vmem>>, vector<16xf32>,
      %get3A_380 = vector.shape_cast %get3A_379 : vector<16xf32> to vector<16xf32>
      %get3A_381 = arith.index_cast %mul3A_378 : i32 to index
      %get3A_382 = tpu.vector_load %arg15[%get3A_381] {strides = array<i32>} : memref<8192xf32, #tpu.memory_space<vmem>>, vector<16xf32>,
      %get3A_383 = vector.shape_cast %get3A_382 : vector<16xf32> to vector<16xf32>
      %mul3A_384 = arith.mulf %get3A_380, %get3A_380 : vector<16xf32>
      %mul3A_385 = arith.mulf %get3A_383, %get3A_383 : vector<16xf32>
      %add3A_386 = arith.addf %mul3A_384, %mul3A_385 : vector<16xf32>
      %swap3A = arith.index_cast %mul3A_378 : i32 to index
      %swap3A_387 = tpu.vector_load %arg13[%swap3A] {strides = array<i32>} : memref<8192xf32, #tpu.memory_space<vmem>>, vector<16xf32>,
      %swap3A_388 = vector.shape_cast %swap3A_387 : vector<16xf32> to vector<16xf32>
      %swap3A_389 = vector.shape_cast %add3A_386 : vector<16xf32> to vector<16xf32>
      tpu.vector_store %arg13[%swap3A], %swap3A_389 {strides = array<i32>} : memref<8192xf32, #tpu.memory_space<vmem>>, vector<16xf32>,
      %scan3A_390 = arith.constant 0 : i32
      scf.yield %scan3A_390 : i32
    }
    %scan3A_249 = arith.constant 512 : i32
    "tpu.region"() ({
      %run_scoped3A = tpu.sem_alloc : memref<!tpu.dma_semaphore, #tpu.memory_space<semaphore_mem>>
      %dma_start3A_375 = arith.constant 0 : i32
      %dma_start3A_376 = tpu.memref_slice %arg18[%dma_start3A_375] : memref<4096xf32, #tpu.memory_space<vmem_shared>> -> memref<4096xf32, #tpu.memory_space<vmem_shared>>
      tpu.enqueue_indirect_dma source(%arg13 : memref<8192xf32, #tpu.memory_space<vmem>>) target(%dma_start3A_376 : memref<4096xf32, #tpu.memory_space<vmem_shared>>) offsets(%arg11 : memref<8192xi32, #tpu.memory_space<vmem>>) semaphore(%run_scoped3A : memref<!tpu.dma_semaphore, #tpu.memory_space<semaphore_mem>>) {add = true}
      %dma_wait3A_377 = arith.constant 0 : i32
      %dma_wait3A_378 = tpu.memref_slice %arg18[%dma_wait3A_377] : memref<4096xf32, #tpu.memory_space<vmem_shared>> -> memref<4096xf32, #tpu.memory_space<vmem_shared>>
      tpu.wait_indirect_dma semaphore(%run_scoped3A : memref<!tpu.dma_semaphore, #tpu.memory_space<semaphore_mem>>) src(%arg13 : memref<8192xf32, #tpu.memory_space<vmem>>) dst(%dma_wait3A_378 : memref<4096xf32, #tpu.memory_space<vmem_shared>>)
      tpu.yield
    }) : () -> ()
    "tpu.region"() ({
      %run_scoped3A = tpu.sem_alloc : memref<!tpu.dma_semaphore, #tpu.memory_space<semaphore_mem>>
      %dma_start3A_375 = arith.constant 0 : i32
      %dma_start3A_376 = tpu.memref_slice %arg19[%dma_start3A_375] : memref<4096xf32, #tpu.memory_space<vmem_shared>> -> memref<4096xf32, #tpu.memory_space<vmem_shared>>
      tpu.enqueue_indirect_dma source(%arg16 : memref<8192xf32, #tpu.memory_space<vmem>>) target(%dma_start3A_376 : memref<4096xf32, #tpu.memory_space<vmem_shared>>) offsets(%arg11 : memref<8192xi32, #tpu.memory_space<vmem>>) semaphore(%run_scoped3A : memref<!tpu.dma_semaphore, #tpu.memory_space<semaphore_mem>>) {add = true}
      %dma_wait3A_377 = arith.constant 0 : i32
      %dma_wait3A_378 = tpu.memref_slice %arg19[%dma_wait3A_377] : memref<4096xf32, #tpu.memory_space<vmem_shared>> -> memref<4096xf32, #tpu.memory_space<vmem_shared>>
      tpu.wait_indirect_dma semaphore(%run_scoped3A : memref<!tpu.dma_semaphore, #tpu.memory_space<semaphore_mem>>) src(%arg16 : memref<8192xf32, #tpu.memory_space<vmem>>) dst(%dma_wait3A_378 : memref<4096xf32, #tpu.memory_space<vmem_shared>>)
      tpu.yield
    }) : () -> ()
    %dma_wait3A_250 = tpu.memref_slice %arg7[%add3A_236] : memref<2097152xi32, #tpu.memory_space<hbm>> -> memref<8192xi32, #tpu.memory_space<hbm>>
    %dma_wait3A_251 = tpu.memref_slice %arg7[%add3A_236] : memref<2097152xi32, #tpu.memory_space<hbm>> -> memref<8192xi32, #tpu.memory_space<hbm>>
    tpu.wait_dma2 semaphore(%arg20 : memref<!tpu.dma_semaphore, #tpu.memory_space<semaphore_mem>>) src(%dma_wait3A_251 : memref<8192xi32, #tpu.memory_space<hbm>>) dst(%arg10 : memref<8192xi32, #tpu.memory_space<vmem>>)
    %dma_wait3A_252 = tpu.memref_slice %arg5[%add3A_236] : memref<2097152xf32, #tpu.memory_space<hbm>> -> memref<8192xf32, #tpu.memory_space<hbm>>
    %dma_wait3A_253 = tpu.memref_slice %arg5[%add3A_236] : memref<2097152xf32, #tpu.memory_space<hbm>> -> memref<8192xf32, #tpu.memory_space<hbm>>
    tpu.wait_dma2 semaphore(%arg22 : memref<!tpu.dma_semaphore, #tpu.memory_space<semaphore_mem>>) src(%dma_wait3A_253 : memref<8192xf32, #tpu.memory_space<hbm>>) dst(%arg12 : memref<8192xf32, #tpu.memory_space<vmem>>)
    %dma_wait3A_254 = tpu.memref_slice %arg6[%add3A_236] : memref<2097152xf32, #tpu.memory_space<hbm>> -> memref<8192xf32, #tpu.memory_space<hbm>>
    %dma_wait3A_255 = tpu.memref_slice %arg6[%add3A_236] : memref<2097152xf32, #tpu.memory_space<hbm>> -> memref<8192xf32, #tpu.memory_space<hbm>>
    tpu.wait_dma2 semaphore(%arg24 : memref<!tpu.dma_semaphore, #tpu.memory_space<semaphore_mem>>) src(%dma_wait3A_255 : memref<8192xf32, #tpu.memory_space<hbm>>) dst(%arg14 : memref<8192xf32, #tpu.memory_space<vmem>>)
    %add3A_256 = arith.constant 24576 : i32
    %add3A_257 = arith.addi %mul3A_2, %add3A_256 : i32
    %dma_start3A_258 = tpu.memref_slice %arg7[%add3A_257] : memref<2097152xi32, #tpu.memory_space<hbm>> -> memref<8192xi32, #tpu.memory_space<hbm>>
    %dma_start3A_259 = tpu.memref_slice %arg7[%add3A_257] : memref<2097152xi32, #tpu.memory_space<hbm>> -> memref<8192xi32, #tpu.memory_space<hbm>>
    tpu.enqueue_dma source(%dma_start3A_259 : memref<8192xi32, #tpu.memory_space<hbm>>) target(%arg11 : memref<8192xi32, #tpu.memory_space<vmem>>) target_semaphore(%arg21 : memref<!tpu.dma_semaphore, #tpu.memory_space<semaphore_mem>>)
    %dma_start3A_260 = tpu.memref_slice %arg5[%add3A_257] : memref<2097152xf32, #tpu.memory_space<hbm>> -> memref<8192xf32, #tpu.memory_space<hbm>>
    %dma_start3A_261 = tpu.memref_slice %arg5[%add3A_257] : memref<2097152xf32, #tpu.memory_space<hbm>> -> memref<8192xf32, #tpu.memory_space<hbm>>
    tpu.enqueue_dma source(%dma_start3A_261 : memref<8192xf32, #tpu.memory_space<hbm>>) target(%arg13 : memref<8192xf32, #tpu.memory_space<vmem>>) target_semaphore(%arg23 : memref<!tpu.dma_semaphore, #tpu.memory_space<semaphore_mem>>)
    %dma_start3A_262 = tpu.memref_slice %arg6[%add3A_257] : memref<2097152xf32, #tpu.memory_space<hbm>> -> memref<8192xf32, #tpu.memory_space<hbm>>
    %dma_start3A_263 = tpu.memref_slice %arg6[%add3A_257] : memref<2097152xf32, #tpu.memory_space<hbm>> -> memref<8192xf32, #tpu.memory_space<hbm>>
    tpu.enqueue_dma source(%dma_start3A_263 : memref<8192xf32, #tpu.memory_space<hbm>>) target(%arg15 : memref<8192xf32, #tpu.memory_space<vmem>>) target_semaphore(%arg25 : memref<!tpu.dma_semaphore, #tpu.memory_space<semaphore_mem>>)
    %scan3A_264 = arith.constant 0 : i32
    %scan3A_265 = arith.constant 0 : i32
    %scan3A_266 = arith.constant 512 : i32
    %scan3A_267 = arith.addi %scan3A_265, %scan3A_266 : i32
    %scan3A_268 = arith.constant 1 : i32
    %scan3A_269 = scf.for %scan3A_375 = %scan3A_265 to %scan3A_267 step %scan3A_268 iter_args(%scan3A_376 = %scan3A_264) -> (i32)  : i32 {
      %mul3A_377 = arith.constant 16 : i32
      %mul3A_378 = arith.muli %scan3A_375, %mul3A_377 : i32
      %get3A = arith.index_cast %mul3A_378 : i32 to index
      %get3A_379 = tpu.vector_load %arg12[%get3A] {strides = array<i32>} : memref<8192xf32, #tpu.memory_space<vmem>>, vector<16xf32>,
      %get3A_380 = vector.shape_cast %get3A_379 : vector<16xf32> to vector<16xf32>
      %get3A_381 = arith.index_cast %mul3A_378 : i32 to index
      %get3A_382 = tpu.vector_load %arg14[%get3A_381] {strides = array<i32>} : memref<8192xf32, #tpu.memory_space<vmem>>, vector<16xf32>,
      %get3A_383 = vector.shape_cast %get3A_382 : vector<16xf32> to vector<16xf32>
      %mul3A_384 = arith.mulf %get3A_380, %get3A_380 : vector<16xf32>
      %mul3A_385 = arith.mulf %get3A_383, %get3A_383 : vector<16xf32>
      %add3A_386 = arith.addf %mul3A_384, %mul3A_385 : vector<16xf32>
      %swap3A = arith.index_cast %mul3A_378 : i32 to index
      %swap3A_387 = tpu.vector_load %arg12[%swap3A] {strides = array<i32>} : memref<8192xf32, #tpu.memory_space<vmem>>, vector<16xf32>,
      %swap3A_388 = vector.shape_cast %swap3A_387 : vector<16xf32> to vector<16xf32>
      %swap3A_389 = vector.shape_cast %add3A_386 : vector<16xf32> to vector<16xf32>
      tpu.vector_store %arg12[%swap3A], %swap3A_389 {strides = array<i32>} : memref<8192xf32, #tpu.memory_space<vmem>>, vector<16xf32>,
      %scan3A_390 = arith.constant 0 : i32
      scf.yield %scan3A_390 : i32
    }
    %scan3A_270 = arith.constant 512 : i32
    "tpu.region"() ({
      %run_scoped3A = tpu.sem_alloc : memref<!tpu.dma_semaphore, #tpu.memory_space<semaphore_mem>>
      %dma_start3A_375 = arith.constant 0 : i32
      %dma_start3A_376 = tpu.memref_slice %arg18[%dma_start3A_375] : memref<4096xf32, #tpu.memory_space<vmem_shared>> -> memref<4096xf32, #tpu.memory_space<vmem_shared>>
      tpu.enqueue_indirect_dma source(%arg12 : memref<8192xf32, #tpu.memory_space<vmem>>) target(%dma_start3A_376 : memref<4096xf32, #tpu.memory_space<vmem_shared>>) offsets(%arg10 : memref<8192xi32, #tpu.memory_space<vmem>>) semaphore(%run_scoped3A : memref<!tpu.dma_semaphore, #tpu.memory_space<semaphore_mem>>) {add = true}
      %dma_wait3A_377 = arith.constant 0 : i32
      %dma_wait3A_378 = tpu.memref_slice %arg18[%dma_wait3A_377] : memref<4096xf32, #tpu.memory_space<vmem_shared>> -> memref<4096xf32, #tpu.memory_space<vmem_shared>>
      tpu.wait_indirect_dma semaphore(%run_scoped3A : memref<!tpu.dma_semaphore, #tpu.memory_space<semaphore_mem>>) src(%arg12 : memref<8192xf32, #tpu.memory_space<vmem>>) dst(%dma_wait3A_378 : memref<4096xf32, #tpu.memory_space<vmem_shared>>)
      tpu.yield
    }) : () -> ()
    "tpu.region"() ({
      %run_scoped3A = tpu.sem_alloc : memref<!tpu.dma_semaphore, #tpu.memory_space<semaphore_mem>>
      %dma_start3A_375 = arith.constant 0 : i32
      %dma_start3A_376 = tpu.memref_slice %arg19[%dma_start3A_375] : memref<4096xf32, #tpu.memory_space<vmem_shared>> -> memref<4096xf32, #tpu.memory_space<vmem_shared>>
      tpu.enqueue_indirect_dma source(%arg16 : memref<8192xf32, #tpu.memory_space<vmem>>) target(%dma_start3A_376 : memref<4096xf32, #tpu.memory_space<vmem_shared>>) offsets(%arg10 : memref<8192xi32, #tpu.memory_space<vmem>>) semaphore(%run_scoped3A : memref<!tpu.dma_semaphore, #tpu.memory_space<semaphore_mem>>) {add = true}
      %dma_wait3A_377 = arith.constant 0 : i32
      %dma_wait3A_378 = tpu.memref_slice %arg19[%dma_wait3A_377] : memref<4096xf32, #tpu.memory_space<vmem_shared>> -> memref<4096xf32, #tpu.memory_space<vmem_shared>>
      tpu.wait_indirect_dma semaphore(%run_scoped3A : memref<!tpu.dma_semaphore, #tpu.memory_space<semaphore_mem>>) src(%arg16 : memref<8192xf32, #tpu.memory_space<vmem>>) dst(%dma_wait3A_378 : memref<4096xf32, #tpu.memory_space<vmem_shared>>)
      tpu.yield
    }) : () -> ()
    %dma_wait3A_271 = tpu.memref_slice %arg7[%add3A_257] : memref<2097152xi32, #tpu.memory_space<hbm>> -> memref<8192xi32, #tpu.memory_space<hbm>>
    %dma_wait3A_272 = tpu.memref_slice %arg7[%add3A_257] : memref<2097152xi32, #tpu.memory_space<hbm>> -> memref<8192xi32, #tpu.memory_space<hbm>>
    tpu.wait_dma2 semaphore(%arg21 : memref<!tpu.dma_semaphore, #tpu.memory_space<semaphore_mem>>) src(%dma_wait3A_272 : memref<8192xi32, #tpu.memory_space<hbm>>) dst(%arg11 : memref<8192xi32, #tpu.memory_space<vmem>>)
    %dma_wait3A_273 = tpu.memref_slice %arg5[%add3A_257] : memref<2097152xf32, #tpu.memory_space<hbm>> -> memref<8192xf32, #tpu.memory_space<hbm>>
    %dma_wait3A_274 = tpu.memref_slice %arg5[%add3A_257] : memref<2097152xf32, #tpu.memory_space<hbm>> -> memref<8192xf32, #tpu.memory_space<hbm>>
    tpu.wait_dma2 semaphore(%arg23 : memref<!tpu.dma_semaphore, #tpu.memory_space<semaphore_mem>>) src(%dma_wait3A_274 : memref<8192xf32, #tpu.memory_space<hbm>>) dst(%arg13 : memref<8192xf32, #tpu.memory_space<vmem>>)
    %dma_wait3A_275 = tpu.memref_slice %arg6[%add3A_257] : memref<2097152xf32, #tpu.memory_space<hbm>> -> memref<8192xf32, #tpu.memory_space<hbm>>
    %dma_wait3A_276 = tpu.memref_slice %arg6[%add3A_257] : memref<2097152xf32, #tpu.memory_space<hbm>> -> memref<8192xf32, #tpu.memory_space<hbm>>
    tpu.wait_dma2 semaphore(%arg25 : memref<!tpu.dma_semaphore, #tpu.memory_space<semaphore_mem>>) src(%dma_wait3A_276 : memref<8192xf32, #tpu.memory_space<hbm>>) dst(%arg15 : memref<8192xf32, #tpu.memory_space<vmem>>)
    %add3A_277 = arith.constant 32768 : i32
    %add3A_278 = arith.addi %mul3A_2, %add3A_277 : i32
    %dma_start3A_279 = tpu.memref_slice %arg7[%add3A_278] : memref<2097152xi32, #tpu.memory_space<hbm>> -> memref<8192xi32, #tpu.memory_space<hbm>>
    %dma_start3A_280 = tpu.memref_slice %arg7[%add3A_278] : memref<2097152xi32, #tpu.memory_space<hbm>> -> memref<8192xi32, #tpu.memory_space<hbm>>
    tpu.enqueue_dma source(%dma_start3A_280 : memref<8192xi32, #tpu.memory_space<hbm>>) target(%arg10 : memref<8192xi32, #tpu.memory_space<vmem>>) target_semaphore(%arg20 : memref<!tpu.dma_semaphore, #tpu.memory_space<semaphore_mem>>)
    %dma_start3A_281 = tpu.memref_slice %arg5[%add3A_278] : memref<2097152xf32, #tpu.memory_space<hbm>> -> memref<8192xf32, #tpu.memory_space<hbm>>
    %dma_start3A_282 = tpu.memref_slice %arg5[%add3A_278] : memref<2097152xf32, #tpu.memory_space<hbm>> -> memref<8192xf32, #tpu.memory_space<hbm>>
    tpu.enqueue_dma source(%dma_start3A_282 : memref<8192xf32, #tpu.memory_space<hbm>>) target(%arg12 : memref<8192xf32, #tpu.memory_space<vmem>>) target_semaphore(%arg22 : memref<!tpu.dma_semaphore, #tpu.memory_space<semaphore_mem>>)
    %dma_start3A_283 = tpu.memref_slice %arg6[%add3A_278] : memref<2097152xf32, #tpu.memory_space<hbm>> -> memref<8192xf32, #tpu.memory_space<hbm>>
    %dma_start3A_284 = tpu.memref_slice %arg6[%add3A_278] : memref<2097152xf32, #tpu.memory_space<hbm>> -> memref<8192xf32, #tpu.memory_space<hbm>>
    tpu.enqueue_dma source(%dma_start3A_284 : memref<8192xf32, #tpu.memory_space<hbm>>) target(%arg14 : memref<8192xf32, #tpu.memory_space<vmem>>) target_semaphore(%arg24 : memref<!tpu.dma_semaphore, #tpu.memory_space<semaphore_mem>>)
    %scan3A_285 = arith.constant 0 : i32
    %scan3A_286 = arith.constant 0 : i32
    %scan3A_287 = arith.constant 512 : i32
    %scan3A_288 = arith.addi %scan3A_286, %scan3A_287 : i32
    %scan3A_289 = arith.constant 1 : i32
    %scan3A_290 = scf.for %scan3A_375 = %scan3A_286 to %scan3A_288 step %scan3A_289 iter_args(%scan3A_376 = %scan3A_285) -> (i32)  : i32 {
      %mul3A_377 = arith.constant 16 : i32
      %mul3A_378 = arith.muli %scan3A_375, %mul3A_377 : i32
      %get3A = arith.index_cast %mul3A_378 : i32 to index
      %get3A_379 = tpu.vector_load %arg13[%get3A] {strides = array<i32>} : memref<8192xf32, #tpu.memory_space<vmem>>, vector<16xf32>,
      %get3A_380 = vector.shape_cast %get3A_379 : vector<16xf32> to vector<16xf32>
      %get3A_381 = arith.index_cast %mul3A_378 : i32 to index
      %get3A_382 = tpu.vector_load %arg15[%get3A_381] {strides = array<i32>} : memref<8192xf32, #tpu.memory_space<vmem>>, vector<16xf32>,
      %get3A_383 = vector.shape_cast %get3A_382 : vector<16xf32> to vector<16xf32>
      %mul3A_384 = arith.mulf %get3A_380, %get3A_380 : vector<16xf32>
      %mul3A_385 = arith.mulf %get3A_383, %get3A_383 : vector<16xf32>
      %add3A_386 = arith.addf %mul3A_384, %mul3A_385 : vector<16xf32>
      %swap3A = arith.index_cast %mul3A_378 : i32 to index
      %swap3A_387 = tpu.vector_load %arg13[%swap3A] {strides = array<i32>} : memref<8192xf32, #tpu.memory_space<vmem>>, vector<16xf32>,
      %swap3A_388 = vector.shape_cast %swap3A_387 : vector<16xf32> to vector<16xf32>
      %swap3A_389 = vector.shape_cast %add3A_386 : vector<16xf32> to vector<16xf32>
      tpu.vector_store %arg13[%swap3A], %swap3A_389 {strides = array<i32>} : memref<8192xf32, #tpu.memory_space<vmem>>, vector<16xf32>,
      %scan3A_390 = arith.constant 0 : i32
      scf.yield %scan3A_390 : i32
    }
    %scan3A_291 = arith.constant 512 : i32
    "tpu.region"() ({
      %run_scoped3A = tpu.sem_alloc : memref<!tpu.dma_semaphore, #tpu.memory_space<semaphore_mem>>
      %dma_start3A_375 = arith.constant 0 : i32
      %dma_start3A_376 = tpu.memref_slice %arg18[%dma_start3A_375] : memref<4096xf32, #tpu.memory_space<vmem_shared>> -> memref<4096xf32, #tpu.memory_space<vmem_shared>>
      tpu.enqueue_indirect_dma source(%arg13 : memref<8192xf32, #tpu.memory_space<vmem>>) target(%dma_start3A_376 : memref<4096xf32, #tpu.memory_space<vmem_shared>>) offsets(%arg11 : memref<8192xi32, #tpu.memory_space<vmem>>) semaphore(%run_scoped3A : memref<!tpu.dma_semaphore, #tpu.memory_space<semaphore_mem>>) {add = true}
      %dma_wait3A_377 = arith.constant 0 : i32
      %dma_wait3A_378 = tpu.memref_slice %arg18[%dma_wait3A_377] : memref<4096xf32, #tpu.memory_space<vmem_shared>> -> memref<4096xf32, #tpu.memory_space<vmem_shared>>
      tpu.wait_indirect_dma semaphore(%run_scoped3A : memref<!tpu.dma_semaphore, #tpu.memory_space<semaphore_mem>>) src(%arg13 : memref<8192xf32, #tpu.memory_space<vmem>>) dst(%dma_wait3A_378 : memref<4096xf32, #tpu.memory_space<vmem_shared>>)
      tpu.yield
    }) : () -> ()
    "tpu.region"() ({
      %run_scoped3A = tpu.sem_alloc : memref<!tpu.dma_semaphore, #tpu.memory_space<semaphore_mem>>
      %dma_start3A_375 = arith.constant 0 : i32
      %dma_start3A_376 = tpu.memref_slice %arg19[%dma_start3A_375] : memref<4096xf32, #tpu.memory_space<vmem_shared>> -> memref<4096xf32, #tpu.memory_space<vmem_shared>>
      tpu.enqueue_indirect_dma source(%arg16 : memref<8192xf32, #tpu.memory_space<vmem>>) target(%dma_start3A_376 : memref<4096xf32, #tpu.memory_space<vmem_shared>>) offsets(%arg11 : memref<8192xi32, #tpu.memory_space<vmem>>) semaphore(%run_scoped3A : memref<!tpu.dma_semaphore, #tpu.memory_space<semaphore_mem>>) {add = true}
      %dma_wait3A_377 = arith.constant 0 : i32
      %dma_wait3A_378 = tpu.memref_slice %arg19[%dma_wait3A_377] : memref<4096xf32, #tpu.memory_space<vmem_shared>> -> memref<4096xf32, #tpu.memory_space<vmem_shared>>
      tpu.wait_indirect_dma semaphore(%run_scoped3A : memref<!tpu.dma_semaphore, #tpu.memory_space<semaphore_mem>>) src(%arg16 : memref<8192xf32, #tpu.memory_space<vmem>>) dst(%dma_wait3A_378 : memref<4096xf32, #tpu.memory_space<vmem_shared>>)
      tpu.yield
    }) : () -> ()
    %dma_wait3A_292 = tpu.memref_slice %arg7[%add3A_278] : memref<2097152xi32, #tpu.memory_space<hbm>> -> memref<8192xi32, #tpu.memory_space<hbm>>
    %dma_wait3A_293 = tpu.memref_slice %arg7[%add3A_278] : memref<2097152xi32, #tpu.memory_space<hbm>> -> memref<8192xi32, #tpu.memory_space<hbm>>
    tpu.wait_dma2 semaphore(%arg20 : memref<!tpu.dma_semaphore, #tpu.memory_space<semaphore_mem>>) src(%dma_wait3A_293 : memref<8192xi32, #tpu.memory_space<hbm>>) dst(%arg10 : memref<8192xi32, #tpu.memory_space<vmem>>)
    %dma_wait3A_294 = tpu.memref_slice %arg5[%add3A_278] : memref<2097152xf32, #tpu.memory_space<hbm>> -> memref<8192xf32, #tpu.memory_space<hbm>>
    %dma_wait3A_295 = tpu.memref_slice %arg5[%add3A_278] : memref<2097152xf32, #tpu.memory_space<hbm>> -> memref<8192xf32, #tpu.memory_space<hbm>>
    tpu.wait_dma2 semaphore(%arg22 : memref<!tpu.dma_semaphore, #tpu.memory_space<semaphore_mem>>) src(%dma_wait3A_295 : memref<8192xf32, #tpu.memory_space<hbm>>) dst(%arg12 : memref<8192xf32, #tpu.memory_space<vmem>>)
    %dma_wait3A_296 = tpu.memref_slice %arg6[%add3A_278] : memref<2097152xf32, #tpu.memory_space<hbm>> -> memref<8192xf32, #tpu.memory_space<hbm>>
    %dma_wait3A_297 = tpu.memref_slice %arg6[%add3A_278] : memref<2097152xf32, #tpu.memory_space<hbm>> -> memref<8192xf32, #tpu.memory_space<hbm>>
    tpu.wait_dma2 semaphore(%arg24 : memref<!tpu.dma_semaphore, #tpu.memory_space<semaphore_mem>>) src(%dma_wait3A_297 : memref<8192xf32, #tpu.memory_space<hbm>>) dst(%arg14 : memref<8192xf32, #tpu.memory_space<vmem>>)
    %add3A_298 = arith.constant 40960 : i32
    %add3A_299 = arith.addi %mul3A_2, %add3A_298 : i32
    %dma_start3A_300 = tpu.memref_slice %arg7[%add3A_299] : memref<2097152xi32, #tpu.memory_space<hbm>> -> memref<8192xi32, #tpu.memory_space<hbm>>
    %dma_start3A_301 = tpu.memref_slice %arg7[%add3A_299] : memref<2097152xi32, #tpu.memory_space<hbm>> -> memref<8192xi32, #tpu.memory_space<hbm>>
    tpu.enqueue_dma source(%dma_start3A_301 : memref<8192xi32, #tpu.memory_space<hbm>>) target(%arg11 : memref<8192xi32, #tpu.memory_space<vmem>>) target_semaphore(%arg21 : memref<!tpu.dma_semaphore, #tpu.memory_space<semaphore_mem>>)
    %dma_start3A_302 = tpu.memref_slice %arg5[%add3A_299] : memref<2097152xf32, #tpu.memory_space<hbm>> -> memref<8192xf32, #tpu.memory_space<hbm>>
    %dma_start3A_303 = tpu.memref_slice %arg5[%add3A_299] : memref<2097152xf32, #tpu.memory_space<hbm>> -> memref<8192xf32, #tpu.memory_space<hbm>>
    tpu.enqueue_dma source(%dma_start3A_303 : memref<8192xf32, #tpu.memory_space<hbm>>) target(%arg13 : memref<8192xf32, #tpu.memory_space<vmem>>) target_semaphore(%arg23 : memref<!tpu.dma_semaphore, #tpu.memory_space<semaphore_mem>>)
    %dma_start3A_304 = tpu.memref_slice %arg6[%add3A_299] : memref<2097152xf32, #tpu.memory_space<hbm>> -> memref<8192xf32, #tpu.memory_space<hbm>>
    %dma_start3A_305 = tpu.memref_slice %arg6[%add3A_299] : memref<2097152xf32, #tpu.memory_space<hbm>> -> memref<8192xf32, #tpu.memory_space<hbm>>
    tpu.enqueue_dma source(%dma_start3A_305 : memref<8192xf32, #tpu.memory_space<hbm>>) target(%arg15 : memref<8192xf32, #tpu.memory_space<vmem>>) target_semaphore(%arg25 : memref<!tpu.dma_semaphore, #tpu.memory_space<semaphore_mem>>)
    %scan3A_306 = arith.constant 0 : i32
    %scan3A_307 = arith.constant 0 : i32
    %scan3A_308 = arith.constant 512 : i32
    %scan3A_309 = arith.addi %scan3A_307, %scan3A_308 : i32
    %scan3A_310 = arith.constant 1 : i32
    %scan3A_311 = scf.for %scan3A_375 = %scan3A_307 to %scan3A_309 step %scan3A_310 iter_args(%scan3A_376 = %scan3A_306) -> (i32)  : i32 {
      %mul3A_377 = arith.constant 16 : i32
      %mul3A_378 = arith.muli %scan3A_375, %mul3A_377 : i32
      %get3A = arith.index_cast %mul3A_378 : i32 to index
      %get3A_379 = tpu.vector_load %arg12[%get3A] {strides = array<i32>} : memref<8192xf32, #tpu.memory_space<vmem>>, vector<16xf32>,
      %get3A_380 = vector.shape_cast %get3A_379 : vector<16xf32> to vector<16xf32>
      %get3A_381 = arith.index_cast %mul3A_378 : i32 to index
      %get3A_382 = tpu.vector_load %arg14[%get3A_381] {strides = array<i32>} : memref<8192xf32, #tpu.memory_space<vmem>>, vector<16xf32>,
      %get3A_383 = vector.shape_cast %get3A_382 : vector<16xf32> to vector<16xf32>
      %mul3A_384 = arith.mulf %get3A_380, %get3A_380 : vector<16xf32>
      %mul3A_385 = arith.mulf %get3A_383, %get3A_383 : vector<16xf32>
      %add3A_386 = arith.addf %mul3A_384, %mul3A_385 : vector<16xf32>
      %swap3A = arith.index_cast %mul3A_378 : i32 to index
      %swap3A_387 = tpu.vector_load %arg12[%swap3A] {strides = array<i32>} : memref<8192xf32, #tpu.memory_space<vmem>>, vector<16xf32>,
      %swap3A_388 = vector.shape_cast %swap3A_387 : vector<16xf32> to vector<16xf32>
      %swap3A_389 = vector.shape_cast %add3A_386 : vector<16xf32> to vector<16xf32>
      tpu.vector_store %arg12[%swap3A], %swap3A_389 {strides = array<i32>} : memref<8192xf32, #tpu.memory_space<vmem>>, vector<16xf32>,
      %scan3A_390 = arith.constant 0 : i32
      scf.yield %scan3A_390 : i32
    }
    %scan3A_312 = arith.constant 512 : i32
    "tpu.region"() ({
      %run_scoped3A = tpu.sem_alloc : memref<!tpu.dma_semaphore, #tpu.memory_space<semaphore_mem>>
      %dma_start3A_375 = arith.constant 0 : i32
      %dma_start3A_376 = tpu.memref_slice %arg18[%dma_start3A_375] : memref<4096xf32, #tpu.memory_space<vmem_shared>> -> memref<4096xf32, #tpu.memory_space<vmem_shared>>
      tpu.enqueue_indirect_dma source(%arg12 : memref<8192xf32, #tpu.memory_space<vmem>>) target(%dma_start3A_376 : memref<4096xf32, #tpu.memory_space<vmem_shared>>) offsets(%arg10 : memref<8192xi32, #tpu.memory_space<vmem>>) semaphore(%run_scoped3A : memref<!tpu.dma_semaphore, #tpu.memory_space<semaphore_mem>>) {add = true}
      %dma_wait3A_377 = arith.constant 0 : i32
      %dma_wait3A_378 = tpu.memref_slice %arg18[%dma_wait3A_377] : memref<4096xf32, #tpu.memory_space<vmem_shared>> -> memref<4096xf32, #tpu.memory_space<vmem_shared>>
      tpu.wait_indirect_dma semaphore(%run_scoped3A : memref<!tpu.dma_semaphore, #tpu.memory_space<semaphore_mem>>) src(%arg12 : memref<8192xf32, #tpu.memory_space<vmem>>) dst(%dma_wait3A_378 : memref<4096xf32, #tpu.memory_space<vmem_shared>>)
      tpu.yield
    }) : () -> ()
    "tpu.region"() ({
      %run_scoped3A = tpu.sem_alloc : memref<!tpu.dma_semaphore, #tpu.memory_space<semaphore_mem>>
      %dma_start3A_375 = arith.constant 0 : i32
      %dma_start3A_376 = tpu.memref_slice %arg19[%dma_start3A_375] : memref<4096xf32, #tpu.memory_space<vmem_shared>> -> memref<4096xf32, #tpu.memory_space<vmem_shared>>
      tpu.enqueue_indirect_dma source(%arg16 : memref<8192xf32, #tpu.memory_space<vmem>>) target(%dma_start3A_376 : memref<4096xf32, #tpu.memory_space<vmem_shared>>) offsets(%arg10 : memref<8192xi32, #tpu.memory_space<vmem>>) semaphore(%run_scoped3A : memref<!tpu.dma_semaphore, #tpu.memory_space<semaphore_mem>>) {add = true}
      %dma_wait3A_377 = arith.constant 0 : i32
      %dma_wait3A_378 = tpu.memref_slice %arg19[%dma_wait3A_377] : memref<4096xf32, #tpu.memory_space<vmem_shared>> -> memref<4096xf32, #tpu.memory_space<vmem_shared>>
      tpu.wait_indirect_dma semaphore(%run_scoped3A : memref<!tpu.dma_semaphore, #tpu.memory_space<semaphore_mem>>) src(%arg16 : memref<8192xf32, #tpu.memory_space<vmem>>) dst(%dma_wait3A_378 : memref<4096xf32, #tpu.memory_space<vmem_shared>>)
      tpu.yield
    }) : () -> ()
    %dma_wait3A_313 = tpu.memref_slice %arg7[%add3A_299] : memref<2097152xi32, #tpu.memory_space<hbm>> -> memref<8192xi32, #tpu.memory_space<hbm>>
    %dma_wait3A_314 = tpu.memref_slice %arg7[%add3A_299] : memref<2097152xi32, #tpu.memory_space<hbm>> -> memref<8192xi32, #tpu.memory_space<hbm>>
    tpu.wait_dma2 semaphore(%arg21 : memref<!tpu.dma_semaphore, #tpu.memory_space<semaphore_mem>>) src(%dma_wait3A_314 : memref<8192xi32, #tpu.memory_space<hbm>>) dst(%arg11 : memref<8192xi32, #tpu.memory_space<vmem>>)
    %dma_wait3A_315 = tpu.memref_slice %arg5[%add3A_299] : memref<2097152xf32, #tpu.memory_space<hbm>> -> memref<8192xf32, #tpu.memory_space<hbm>>
    %dma_wait3A_316 = tpu.memref_slice %arg5[%add3A_299] : memref<2097152xf32, #tpu.memory_space<hbm>> -> memref<8192xf32, #tpu.memory_space<hbm>>
    tpu.wait_dma2 semaphore(%arg23 : memref<!tpu.dma_semaphore, #tpu.memory_space<semaphore_mem>>) src(%dma_wait3A_316 : memref<8192xf32, #tpu.memory_space<hbm>>) dst(%arg13 : memref<8192xf32, #tpu.memory_space<vmem>>)
    %dma_wait3A_317 = tpu.memref_slice %arg6[%add3A_299] : memref<2097152xf32, #tpu.memory_space<hbm>> -> memref<8192xf32, #tpu.memory_space<hbm>>
    %dma_wait3A_318 = tpu.memref_slice %arg6[%add3A_299] : memref<2097152xf32, #tpu.memory_space<hbm>> -> memref<8192xf32, #tpu.memory_space<hbm>>
    tpu.wait_dma2 semaphore(%arg25 : memref<!tpu.dma_semaphore, #tpu.memory_space<semaphore_mem>>) src(%dma_wait3A_318 : memref<8192xf32, #tpu.memory_space<hbm>>) dst(%arg15 : memref<8192xf32, #tpu.memory_space<vmem>>)
    %add3A_319 = arith.constant 49152 : i32
    %add3A_320 = arith.addi %mul3A_2, %add3A_319 : i32
    %dma_start3A_321 = tpu.memref_slice %arg7[%add3A_320] : memref<2097152xi32, #tpu.memory_space<hbm>> -> memref<8192xi32, #tpu.memory_space<hbm>>
    %dma_start3A_322 = tpu.memref_slice %arg7[%add3A_320] : memref<2097152xi32, #tpu.memory_space<hbm>> -> memref<8192xi32, #tpu.memory_space<hbm>>
    tpu.enqueue_dma source(%dma_start3A_322 : memref<8192xi32, #tpu.memory_space<hbm>>) target(%arg10 : memref<8192xi32, #tpu.memory_space<vmem>>) target_semaphore(%arg20 : memref<!tpu.dma_semaphore, #tpu.memory_space<semaphore_mem>>)
    %dma_start3A_323 = tpu.memref_slice %arg5[%add3A_320] : memref<2097152xf32, #tpu.memory_space<hbm>> -> memref<8192xf32, #tpu.memory_space<hbm>>
    %dma_start3A_324 = tpu.memref_slice %arg5[%add3A_320] : memref<2097152xf32, #tpu.memory_space<hbm>> -> memref<8192xf32, #tpu.memory_space<hbm>>
    tpu.enqueue_dma source(%dma_start3A_324 : memref<8192xf32, #tpu.memory_space<hbm>>) target(%arg12 : memref<8192xf32, #tpu.memory_space<vmem>>) target_semaphore(%arg22 : memref<!tpu.dma_semaphore, #tpu.memory_space<semaphore_mem>>)
    %dma_start3A_325 = tpu.memref_slice %arg6[%add3A_320] : memref<2097152xf32, #tpu.memory_space<hbm>> -> memref<8192xf32, #tpu.memory_space<hbm>>
    %dma_start3A_326 = tpu.memref_slice %arg6[%add3A_320] : memref<2097152xf32, #tpu.memory_space<hbm>> -> memref<8192xf32, #tpu.memory_space<hbm>>
    tpu.enqueue_dma source(%dma_start3A_326 : memref<8192xf32, #tpu.memory_space<hbm>>) target(%arg14 : memref<8192xf32, #tpu.memory_space<vmem>>) target_semaphore(%arg24 : memref<!tpu.dma_semaphore, #tpu.memory_space<semaphore_mem>>)
    %scan3A_327 = arith.constant 0 : i32
    %scan3A_328 = arith.constant 0 : i32
    %scan3A_329 = arith.constant 512 : i32
    %scan3A_330 = arith.addi %scan3A_328, %scan3A_329 : i32
    %scan3A_331 = arith.constant 1 : i32
    %scan3A_332 = scf.for %scan3A_375 = %scan3A_328 to %scan3A_330 step %scan3A_331 iter_args(%scan3A_376 = %scan3A_327) -> (i32)  : i32 {
      %mul3A_377 = arith.constant 16 : i32
      %mul3A_378 = arith.muli %scan3A_375, %mul3A_377 : i32
      %get3A = arith.index_cast %mul3A_378 : i32 to index
      %get3A_379 = tpu.vector_load %arg13[%get3A] {strides = array<i32>} : memref<8192xf32, #tpu.memory_space<vmem>>, vector<16xf32>,
      %get3A_380 = vector.shape_cast %get3A_379 : vector<16xf32> to vector<16xf32>
      %get3A_381 = arith.index_cast %mul3A_378 : i32 to index
      %get3A_382 = tpu.vector_load %arg15[%get3A_381] {strides = array<i32>} : memref<8192xf32, #tpu.memory_space<vmem>>, vector<16xf32>,
      %get3A_383 = vector.shape_cast %get3A_382 : vector<16xf32> to vector<16xf32>
      %mul3A_384 = arith.mulf %get3A_380, %get3A_380 : vector<16xf32>
      %mul3A_385 = arith.mulf %get3A_383, %get3A_383 : vector<16xf32>
      %add3A_386 = arith.addf %mul3A_384, %mul3A_385 : vector<16xf32>
      %swap3A = arith.index_cast %mul3A_378 : i32 to index
      %swap3A_387 = tpu.vector_load %arg13[%swap3A] {strides = array<i32>} : memref<8192xf32, #tpu.memory_space<vmem>>, vector<16xf32>,
      %swap3A_388 = vector.shape_cast %swap3A_387 : vector<16xf32> to vector<16xf32>
      %swap3A_389 = vector.shape_cast %add3A_386 : vector<16xf32> to vector<16xf32>
      tpu.vector_store %arg13[%swap3A], %swap3A_389 {strides = array<i32>} : memref<8192xf32, #tpu.memory_space<vmem>>, vector<16xf32>,
      %scan3A_390 = arith.constant 0 : i32
      scf.yield %scan3A_390 : i32
    }
    %scan3A_333 = arith.constant 512 : i32
    "tpu.region"() ({
      %run_scoped3A = tpu.sem_alloc : memref<!tpu.dma_semaphore, #tpu.memory_space<semaphore_mem>>
      %dma_start3A_375 = arith.constant 0 : i32
      %dma_start3A_376 = tpu.memref_slice %arg18[%dma_start3A_375] : memref<4096xf32, #tpu.memory_space<vmem_shared>> -> memref<4096xf32, #tpu.memory_space<vmem_shared>>
      tpu.enqueue_indirect_dma source(%arg13 : memref<8192xf32, #tpu.memory_space<vmem>>) target(%dma_start3A_376 : memref<4096xf32, #tpu.memory_space<vmem_shared>>) offsets(%arg11 : memref<8192xi32, #tpu.memory_space<vmem>>) semaphore(%run_scoped3A : memref<!tpu.dma_semaphore, #tpu.memory_space<semaphore_mem>>) {add = true}
      %dma_wait3A_377 = arith.constant 0 : i32
      %dma_wait3A_378 = tpu.memref_slice %arg18[%dma_wait3A_377] : memref<4096xf32, #tpu.memory_space<vmem_shared>> -> memref<4096xf32, #tpu.memory_space<vmem_shared>>
      tpu.wait_indirect_dma semaphore(%run_scoped3A : memref<!tpu.dma_semaphore, #tpu.memory_space<semaphore_mem>>) src(%arg13 : memref<8192xf32, #tpu.memory_space<vmem>>) dst(%dma_wait3A_378 : memref<4096xf32, #tpu.memory_space<vmem_shared>>)
      tpu.yield
    }) : () -> ()
    "tpu.region"() ({
      %run_scoped3A = tpu.sem_alloc : memref<!tpu.dma_semaphore, #tpu.memory_space<semaphore_mem>>
      %dma_start3A_375 = arith.constant 0 : i32
      %dma_start3A_376 = tpu.memref_slice %arg19[%dma_start3A_375] : memref<4096xf32, #tpu.memory_space<vmem_shared>> -> memref<4096xf32, #tpu.memory_space<vmem_shared>>
      tpu.enqueue_indirect_dma source(%arg16 : memref<8192xf32, #tpu.memory_space<vmem>>) target(%dma_start3A_376 : memref<4096xf32, #tpu.memory_space<vmem_shared>>) offsets(%arg11 : memref<8192xi32, #tpu.memory_space<vmem>>) semaphore(%run_scoped3A : memref<!tpu.dma_semaphore, #tpu.memory_space<semaphore_mem>>) {add = true}
      %dma_wait3A_377 = arith.constant 0 : i32
      %dma_wait3A_378 = tpu.memref_slice %arg19[%dma_wait3A_377] : memref<4096xf32, #tpu.memory_space<vmem_shared>> -> memref<4096xf32, #tpu.memory_space<vmem_shared>>
      tpu.wait_indirect_dma semaphore(%run_scoped3A : memref<!tpu.dma_semaphore, #tpu.memory_space<semaphore_mem>>) src(%arg16 : memref<8192xf32, #tpu.memory_space<vmem>>) dst(%dma_wait3A_378 : memref<4096xf32, #tpu.memory_space<vmem_shared>>)
      tpu.yield
    }) : () -> ()
    %dma_wait3A_334 = tpu.memref_slice %arg7[%add3A_320] : memref<2097152xi32, #tpu.memory_space<hbm>> -> memref<8192xi32, #tpu.memory_space<hbm>>
    %dma_wait3A_335 = tpu.memref_slice %arg7[%add3A_320] : memref<2097152xi32, #tpu.memory_space<hbm>> -> memref<8192xi32, #tpu.memory_space<hbm>>
    tpu.wait_dma2 semaphore(%arg20 : memref<!tpu.dma_semaphore, #tpu.memory_space<semaphore_mem>>) src(%dma_wait3A_335 : memref<8192xi32, #tpu.memory_space<hbm>>) dst(%arg10 : memref<8192xi32, #tpu.memory_space<vmem>>)
    %dma_wait3A_336 = tpu.memref_slice %arg5[%add3A_320] : memref<2097152xf32, #tpu.memory_space<hbm>> -> memref<8192xf32, #tpu.memory_space<hbm>>
    %dma_wait3A_337 = tpu.memref_slice %arg5[%add3A_320] : memref<2097152xf32, #tpu.memory_space<hbm>> -> memref<8192xf32, #tpu.memory_space<hbm>>
    tpu.wait_dma2 semaphore(%arg22 : memref<!tpu.dma_semaphore, #tpu.memory_space<semaphore_mem>>) src(%dma_wait3A_337 : memref<8192xf32, #tpu.memory_space<hbm>>) dst(%arg12 : memref<8192xf32, #tpu.memory_space<vmem>>)
    %dma_wait3A_338 = tpu.memref_slice %arg6[%add3A_320] : memref<2097152xf32, #tpu.memory_space<hbm>> -> memref<8192xf32, #tpu.memory_space<hbm>>
    %dma_wait3A_339 = tpu.memref_slice %arg6[%add3A_320] : memref<2097152xf32, #tpu.memory_space<hbm>> -> memref<8192xf32, #tpu.memory_space<hbm>>
    tpu.wait_dma2 semaphore(%arg24 : memref<!tpu.dma_semaphore, #tpu.memory_space<semaphore_mem>>) src(%dma_wait3A_339 : memref<8192xf32, #tpu.memory_space<hbm>>) dst(%arg14 : memref<8192xf32, #tpu.memory_space<vmem>>)
    %add3A_340 = arith.constant 57344 : i32
    %add3A_341 = arith.addi %mul3A_2, %add3A_340 : i32
    %dma_start3A_342 = tpu.memref_slice %arg7[%add3A_341] : memref<2097152xi32, #tpu.memory_space<hbm>> -> memref<8192xi32, #tpu.memory_space<hbm>>
    %dma_start3A_343 = tpu.memref_slice %arg7[%add3A_341] : memref<2097152xi32, #tpu.memory_space<hbm>> -> memref<8192xi32, #tpu.memory_space<hbm>>
    tpu.enqueue_dma source(%dma_start3A_343 : memref<8192xi32, #tpu.memory_space<hbm>>) target(%arg11 : memref<8192xi32, #tpu.memory_space<vmem>>) target_semaphore(%arg21 : memref<!tpu.dma_semaphore, #tpu.memory_space<semaphore_mem>>)
    %dma_start3A_344 = tpu.memref_slice %arg5[%add3A_341] : memref<2097152xf32, #tpu.memory_space<hbm>> -> memref<8192xf32, #tpu.memory_space<hbm>>
    %dma_start3A_345 = tpu.memref_slice %arg5[%add3A_341] : memref<2097152xf32, #tpu.memory_space<hbm>> -> memref<8192xf32, #tpu.memory_space<hbm>>
    tpu.enqueue_dma source(%dma_start3A_345 : memref<8192xf32, #tpu.memory_space<hbm>>) target(%arg13 : memref<8192xf32, #tpu.memory_space<vmem>>) target_semaphore(%arg23 : memref<!tpu.dma_semaphore, #tpu.memory_space<semaphore_mem>>)
    %dma_start3A_346 = tpu.memref_slice %arg6[%add3A_341] : memref<2097152xf32, #tpu.memory_space<hbm>> -> memref<8192xf32, #tpu.memory_space<hbm>>
    %dma_start3A_347 = tpu.memref_slice %arg6[%add3A_341] : memref<2097152xf32, #tpu.memory_space<hbm>> -> memref<8192xf32, #tpu.memory_space<hbm>>
    tpu.enqueue_dma source(%dma_start3A_347 : memref<8192xf32, #tpu.memory_space<hbm>>) target(%arg15 : memref<8192xf32, #tpu.memory_space<vmem>>) target_semaphore(%arg25 : memref<!tpu.dma_semaphore, #tpu.memory_space<semaphore_mem>>)
    %scan3A_348 = arith.constant 0 : i32
    %scan3A_349 = arith.constant 0 : i32
    %scan3A_350 = arith.constant 512 : i32
    %scan3A_351 = arith.addi %scan3A_349, %scan3A_350 : i32
    %scan3A_352 = arith.constant 1 : i32
    %scan3A_353 = scf.for %scan3A_375 = %scan3A_349 to %scan3A_351 step %scan3A_352 iter_args(%scan3A_376 = %scan3A_348) -> (i32)  : i32 {
      %mul3A_377 = arith.constant 16 : i32
      %mul3A_378 = arith.muli %scan3A_375, %mul3A_377 : i32
      %get3A = arith.index_cast %mul3A_378 : i32 to index
      %get3A_379 = tpu.vector_load %arg12[%get3A] {strides = array<i32>} : memref<8192xf32, #tpu.memory_space<vmem>>, vector<16xf32>,
      %get3A_380 = vector.shape_cast %get3A_379 : vector<16xf32> to vector<16xf32>
      %get3A_381 = arith.index_cast %mul3A_378 : i32 to index
      %get3A_382 = tpu.vector_load %arg14[%get3A_381] {strides = array<i32>} : memref<8192xf32, #tpu.memory_space<vmem>>, vector<16xf32>,
      %get3A_383 = vector.shape_cast %get3A_382 : vector<16xf32> to vector<16xf32>
      %mul3A_384 = arith.mulf %get3A_380, %get3A_380 : vector<16xf32>
      %mul3A_385 = arith.mulf %get3A_383, %get3A_383 : vector<16xf32>
      %add3A_386 = arith.addf %mul3A_384, %mul3A_385 : vector<16xf32>
      %swap3A = arith.index_cast %mul3A_378 : i32 to index
      %swap3A_387 = tpu.vector_load %arg12[%swap3A] {strides = array<i32>} : memref<8192xf32, #tpu.memory_space<vmem>>, vector<16xf32>,
      %swap3A_388 = vector.shape_cast %swap3A_387 : vector<16xf32> to vector<16xf32>
      %swap3A_389 = vector.shape_cast %add3A_386 : vector<16xf32> to vector<16xf32>
      tpu.vector_store %arg12[%swap3A], %swap3A_389 {strides = array<i32>} : memref<8192xf32, #tpu.memory_space<vmem>>, vector<16xf32>,
      %scan3A_390 = arith.constant 0 : i32
      scf.yield %scan3A_390 : i32
    }
    %scan3A_354 = arith.constant 512 : i32
    "tpu.region"() ({
      %run_scoped3A = tpu.sem_alloc : memref<!tpu.dma_semaphore, #tpu.memory_space<semaphore_mem>>
      %dma_start3A_375 = arith.constant 0 : i32
      %dma_start3A_376 = tpu.memref_slice %arg18[%dma_start3A_375] : memref<4096xf32, #tpu.memory_space<vmem_shared>> -> memref<4096xf32, #tpu.memory_space<vmem_shared>>
      tpu.enqueue_indirect_dma source(%arg12 : memref<8192xf32, #tpu.memory_space<vmem>>) target(%dma_start3A_376 : memref<4096xf32, #tpu.memory_space<vmem_shared>>) offsets(%arg10 : memref<8192xi32, #tpu.memory_space<vmem>>) semaphore(%run_scoped3A : memref<!tpu.dma_semaphore, #tpu.memory_space<semaphore_mem>>) {add = true}
      %dma_wait3A_377 = arith.constant 0 : i32
      %dma_wait3A_378 = tpu.memref_slice %arg18[%dma_wait3A_377] : memref<4096xf32, #tpu.memory_space<vmem_shared>> -> memref<4096xf32, #tpu.memory_space<vmem_shared>>
      tpu.wait_indirect_dma semaphore(%run_scoped3A : memref<!tpu.dma_semaphore, #tpu.memory_space<semaphore_mem>>) src(%arg12 : memref<8192xf32, #tpu.memory_space<vmem>>) dst(%dma_wait3A_378 : memref<4096xf32, #tpu.memory_space<vmem_shared>>)
      tpu.yield
    }) : () -> ()
    "tpu.region"() ({
      %run_scoped3A = tpu.sem_alloc : memref<!tpu.dma_semaphore, #tpu.memory_space<semaphore_mem>>
      %dma_start3A_375 = arith.constant 0 : i32
      %dma_start3A_376 = tpu.memref_slice %arg19[%dma_start3A_375] : memref<4096xf32, #tpu.memory_space<vmem_shared>> -> memref<4096xf32, #tpu.memory_space<vmem_shared>>
      tpu.enqueue_indirect_dma source(%arg16 : memref<8192xf32, #tpu.memory_space<vmem>>) target(%dma_start3A_376 : memref<4096xf32, #tpu.memory_space<vmem_shared>>) offsets(%arg10 : memref<8192xi32, #tpu.memory_space<vmem>>) semaphore(%run_scoped3A : memref<!tpu.dma_semaphore, #tpu.memory_space<semaphore_mem>>) {add = true}
      %dma_wait3A_377 = arith.constant 0 : i32
      %dma_wait3A_378 = tpu.memref_slice %arg19[%dma_wait3A_377] : memref<4096xf32, #tpu.memory_space<vmem_shared>> -> memref<4096xf32, #tpu.memory_space<vmem_shared>>
      tpu.wait_indirect_dma semaphore(%run_scoped3A : memref<!tpu.dma_semaphore, #tpu.memory_space<semaphore_mem>>) src(%arg16 : memref<8192xf32, #tpu.memory_space<vmem>>) dst(%dma_wait3A_378 : memref<4096xf32, #tpu.memory_space<vmem_shared>>)
      tpu.yield
    }) : () -> ()
    %dma_wait3A_355 = tpu.memref_slice %arg7[%add3A_341] : memref<2097152xi32, #tpu.memory_space<hbm>> -> memref<8192xi32, #tpu.memory_space<hbm>>
    %dma_wait3A_356 = tpu.memref_slice %arg7[%add3A_341] : memref<2097152xi32, #tpu.memory_space<hbm>> -> memref<8192xi32, #tpu.memory_space<hbm>>
    tpu.wait_dma2 semaphore(%arg21 : memref<!tpu.dma_semaphore, #tpu.memory_space<semaphore_mem>>) src(%dma_wait3A_356 : memref<8192xi32, #tpu.memory_space<hbm>>) dst(%arg11 : memref<8192xi32, #tpu.memory_space<vmem>>)
    %dma_wait3A_357 = tpu.memref_slice %arg5[%add3A_341] : memref<2097152xf32, #tpu.memory_space<hbm>> -> memref<8192xf32, #tpu.memory_space<hbm>>
    %dma_wait3A_358 = tpu.memref_slice %arg5[%add3A_341] : memref<2097152xf32, #tpu.memory_space<hbm>> -> memref<8192xf32, #tpu.memory_space<hbm>>
    tpu.wait_dma2 semaphore(%arg23 : memref<!tpu.dma_semaphore, #tpu.memory_space<semaphore_mem>>) src(%dma_wait3A_358 : memref<8192xf32, #tpu.memory_space<hbm>>) dst(%arg13 : memref<8192xf32, #tpu.memory_space<vmem>>)
    %dma_wait3A_359 = tpu.memref_slice %arg6[%add3A_341] : memref<2097152xf32, #tpu.memory_space<hbm>> -> memref<8192xf32, #tpu.memory_space<hbm>>
    %dma_wait3A_360 = tpu.memref_slice %arg6[%add3A_341] : memref<2097152xf32, #tpu.memory_space<hbm>> -> memref<8192xf32, #tpu.memory_space<hbm>>
    tpu.wait_dma2 semaphore(%arg25 : memref<!tpu.dma_semaphore, #tpu.memory_space<semaphore_mem>>) src(%dma_wait3A_360 : memref<8192xf32, #tpu.memory_space<hbm>>) dst(%arg15 : memref<8192xf32, #tpu.memory_space<vmem>>)
    %scan3A_361 = arith.constant 0 : i32
    %scan3A_362 = arith.constant 0 : i32
    %scan3A_363 = arith.constant 512 : i32
    %scan3A_364 = arith.addi %scan3A_362, %scan3A_363 : i32
    %scan3A_365 = arith.constant 1 : i32
    %scan3A_366 = scf.for %scan3A_375 = %scan3A_362 to %scan3A_364 step %scan3A_365 iter_args(%scan3A_376 = %scan3A_361) -> (i32)  : i32 {
      %mul3A_377 = arith.constant 16 : i32
      %mul3A_378 = arith.muli %scan3A_375, %mul3A_377 : i32
      %get3A = arith.index_cast %mul3A_378 : i32 to index
      %get3A_379 = tpu.vector_load %arg13[%get3A] {strides = array<i32>} : memref<8192xf32, #tpu.memory_space<vmem>>, vector<16xf32>,
      %get3A_380 = vector.shape_cast %get3A_379 : vector<16xf32> to vector<16xf32>
      %get3A_381 = arith.index_cast %mul3A_378 : i32 to index
      %get3A_382 = tpu.vector_load %arg15[%get3A_381] {strides = array<i32>} : memref<8192xf32, #tpu.memory_space<vmem>>, vector<16xf32>,
      %get3A_383 = vector.shape_cast %get3A_382 : vector<16xf32> to vector<16xf32>
      %mul3A_384 = arith.mulf %get3A_380, %get3A_380 : vector<16xf32>
      %mul3A_385 = arith.mulf %get3A_383, %get3A_383 : vector<16xf32>
      %add3A_386 = arith.addf %mul3A_384, %mul3A_385 : vector<16xf32>
      %swap3A = arith.index_cast %mul3A_378 : i32 to index
      %swap3A_387 = tpu.vector_load %arg13[%swap3A] {strides = array<i32>} : memref<8192xf32, #tpu.memory_space<vmem>>, vector<16xf32>,
      %swap3A_388 = vector.shape_cast %swap3A_387 : vector<16xf32> to vector<16xf32>
      %swap3A_389 = vector.shape_cast %add3A_386 : vector<16xf32> to vector<16xf32>
      tpu.vector_store %arg13[%swap3A], %swap3A_389 {strides = array<i32>} : memref<8192xf32, #tpu.memory_space<vmem>>, vector<16xf32>,
      %scan3A_390 = arith.constant 0 : i32
      scf.yield %scan3A_390 : i32
    }
    %scan3A_367 = arith.constant 512 : i32
    "tpu.region"() ({
      %run_scoped3A = tpu.sem_alloc : memref<!tpu.dma_semaphore, #tpu.memory_space<semaphore_mem>>
      %dma_start3A_375 = arith.constant 0 : i32
      %dma_start3A_376 = tpu.memref_slice %arg18[%dma_start3A_375] : memref<4096xf32, #tpu.memory_space<vmem_shared>> -> memref<4096xf32, #tpu.memory_space<vmem_shared>>
      tpu.enqueue_indirect_dma source(%arg13 : memref<8192xf32, #tpu.memory_space<vmem>>) target(%dma_start3A_376 : memref<4096xf32, #tpu.memory_space<vmem_shared>>) offsets(%arg11 : memref<8192xi32, #tpu.memory_space<vmem>>) semaphore(%run_scoped3A : memref<!tpu.dma_semaphore, #tpu.memory_space<semaphore_mem>>) {add = true}
      %dma_wait3A_377 = arith.constant 0 : i32
      %dma_wait3A_378 = tpu.memref_slice %arg18[%dma_wait3A_377] : memref<4096xf32, #tpu.memory_space<vmem_shared>> -> memref<4096xf32, #tpu.memory_space<vmem_shared>>
      tpu.wait_indirect_dma semaphore(%run_scoped3A : memref<!tpu.dma_semaphore, #tpu.memory_space<semaphore_mem>>) src(%arg13 : memref<8192xf32, #tpu.memory_space<vmem>>) dst(%dma_wait3A_378 : memref<4096xf32, #tpu.memory_space<vmem_shared>>)
      tpu.yield
    }) : () -> ()
    "tpu.region"() ({
      %run_scoped3A = tpu.sem_alloc : memref<!tpu.dma_semaphore, #tpu.memory_space<semaphore_mem>>
      %dma_start3A_375 = arith.constant 0 : i32
      %dma_start3A_376 = tpu.memref_slice %arg19[%dma_start3A_375] : memref<4096xf32, #tpu.memory_space<vmem_shared>> -> memref<4096xf32, #tpu.memory_space<vmem_shared>>
      tpu.enqueue_indirect_dma source(%arg16 : memref<8192xf32, #tpu.memory_space<vmem>>) target(%dma_start3A_376 : memref<4096xf32, #tpu.memory_space<vmem_shared>>) offsets(%arg11 : memref<8192xi32, #tpu.memory_space<vmem>>) semaphore(%run_scoped3A : memref<!tpu.dma_semaphore, #tpu.memory_space<semaphore_mem>>) {add = true}
      %dma_wait3A_377 = arith.constant 0 : i32
      %dma_wait3A_378 = tpu.memref_slice %arg19[%dma_wait3A_377] : memref<4096xf32, #tpu.memory_space<vmem_shared>> -> memref<4096xf32, #tpu.memory_space<vmem_shared>>
      tpu.wait_indirect_dma semaphore(%run_scoped3A : memref<!tpu.dma_semaphore, #tpu.memory_space<semaphore_mem>>) src(%arg16 : memref<8192xf32, #tpu.memory_space<vmem>>) dst(%dma_wait3A_378 : memref<4096xf32, #tpu.memory_space<vmem_shared>>)
      tpu.yield
    }) : () -> ()
    %barrier3A_368 = arith.constant 0 : index
    tpu.barrier barrier_id(%barrier3A_368)
    %eq3A_369 = arith.constant 0 : i32
    %eq3A_370 = arith.cmpi eq, %arg1, %eq3A_369 : i32
    %convert_element_type3A_371 = arith.extui %eq3A_370 : i1 to i32
    %cond3A_372 = arith.constant 0 : i32
    %cond3A_373 = arith.cmpi ne, %convert_element_type3A_371, %cond3A_372 : i32
    scf.if %cond3A_373 {
      %run_scoped3A = arith.constant 1 : i32
      "tpu.region"() ({
        %run_scoped3A_376 = tpu.sem_alloc : memref<!tpu.dma_semaphore, #tpu.memory_space<semaphore_mem>>
        %dma_start3A_377 = arith.constant 0 : i32
        %dma_start3A_378 = tpu.memref_slice %arg8[%run_scoped3A, %arg0, %dma_start3A_377] : memref<2x2x4096xf32, #tpu.memory_space<hbm>> -> memref<1x1x4096xf32, #tpu.memory_space<hbm>>
        %dma_start3A_379 = tpu.memref_squeeze %dma_start3A_378 : memref<1x1x4096xf32, #tpu.memory_space<hbm>> -> memref<4096xf32, #tpu.memory_space<hbm>>
        tpu.enqueue_dma source(%arg18 : memref<4096xf32, #tpu.memory_space<vmem_shared>>) target(%dma_start3A_379 : memref<4096xf32, #tpu.memory_space<hbm>>) target_semaphore(%run_scoped3A_376 : memref<!tpu.dma_semaphore, #tpu.memory_space<semaphore_mem>>)
        %dma_wait3A_380 = arith.constant 0 : i32
        %dma_wait3A_381 = tpu.memref_slice %arg8[%run_scoped3A, %arg0, %dma_wait3A_380] : memref<2x2x4096xf32, #tpu.memory_space<hbm>> -> memref<1x1x4096xf32, #tpu.memory_space<hbm>>
        %dma_wait3A_382 = tpu.memref_squeeze %dma_wait3A_381 : memref<1x1x4096xf32, #tpu.memory_space<hbm>> -> memref<4096xf32, #tpu.memory_space<hbm>>
        tpu.wait_dma2 semaphore(%run_scoped3A_376 : memref<!tpu.dma_semaphore, #tpu.memory_space<semaphore_mem>>) src(%arg18 : memref<4096xf32, #tpu.memory_space<vmem_shared>>) dst(%dma_wait3A_382 : memref<4096xf32, #tpu.memory_space<hbm>>)
        tpu.yield
      }) : () -> ()
      %run_scoped3A_375 = arith.constant 1 : i32
      "tpu.region"() ({
        %run_scoped3A_376 = tpu.sem_alloc : memref<!tpu.dma_semaphore, #tpu.memory_space<semaphore_mem>>
        %dma_start3A_377 = arith.constant 0 : i32
        %dma_start3A_378 = tpu.memref_slice %arg9[%run_scoped3A_375, %arg0, %dma_start3A_377] : memref<2x2x4096xf32, #tpu.memory_space<hbm>> -> memref<1x1x4096xf32, #tpu.memory_space<hbm>>
        %dma_start3A_379 = tpu.memref_squeeze %dma_start3A_378 : memref<1x1x4096xf32, #tpu.memory_space<hbm>> -> memref<4096xf32, #tpu.memory_space<hbm>>
        tpu.enqueue_dma source(%arg19 : memref<4096xf32, #tpu.memory_space<vmem_shared>>) target(%dma_start3A_379 : memref<4096xf32, #tpu.memory_space<hbm>>) target_semaphore(%run_scoped3A_376 : memref<!tpu.dma_semaphore, #tpu.memory_space<semaphore_mem>>)
        %dma_wait3A_380 = arith.constant 0 : i32
        %dma_wait3A_381 = tpu.memref_slice %arg9[%run_scoped3A_375, %arg0, %dma_wait3A_380] : memref<2x2x4096xf32, #tpu.memory_space<hbm>> -> memref<1x1x4096xf32, #tpu.memory_space<hbm>>
        %dma_wait3A_382 = tpu.memref_squeeze %dma_wait3A_381 : memref<1x1x4096xf32, #tpu.memory_space<hbm>> -> memref<4096xf32, #tpu.memory_space<hbm>>
        tpu.wait_dma2 semaphore(%run_scoped3A_376 : memref<!tpu.dma_semaphore, #tpu.memory_space<semaphore_mem>>) src(%arg19 : memref<4096xf32, #tpu.memory_space<vmem_shared>>) dst(%dma_wait3A_382 : memref<4096xf32, #tpu.memory_space<hbm>>)
        tpu.yield
      }) : () -> ()
    } else {
    }
    %barrier3A_374 = arith.constant 0 : index
    tpu.barrier barrier_id(%barrier3A_374)
    return
  }
}

module attributes {stable_mosaic.version = 14 : i64} {
  func.func @_hash_combine_body(%arg0: memref<2x2x4096xf32, #tpu.memory_space<vmem>>, %arg1: memref<2x2x4096xf32, #tpu.memory_space<vmem>>, %arg2: memref<1x128xf32, #tpu.memory_space<vmem>>) attributes {dimension_semantics = [], scalar_prefetch = 0 : i64, scratch_operands = 0 : i64, tpu.core_type = #tpu.core_type<tc>} {
    %get3A = arith.constant 0 : index
    %get3A_0 = arith.constant 0 : index
    %get3A_1 = arith.constant 0 : index
    %get3A_2 = vector.load %arg0[%get3A, %get3A_0, %get3A_1] : memref<2x2x4096xf32, #tpu.memory_space<vmem>>, vector<2x2x4096xf32>
    %reduce_sum3A = arith.constant dense<0.000000e+00> : vector<2x4096xf32>
    %reduce_sum3A_3 = vector.multi_reduction <add>, %get3A_2, %reduce_sum3A [1] : vector<2x2x4096xf32> to vector<2x4096xf32>
    %get3A_4 = arith.constant 0 : index
    %get3A_5 = arith.constant 0 : index
    %get3A_6 = arith.constant 0 : index
    %get3A_7 = vector.load %arg1[%get3A_4, %get3A_5, %get3A_6] : memref<2x2x4096xf32, #tpu.memory_space<vmem>>, vector<2x2x4096xf32>
    %reduce_sum3A_8 = arith.constant dense<0.000000e+00> : vector<2x4096xf32>
    %reduce_sum3A_9 = vector.multi_reduction <add>, %get3A_7, %reduce_sum3A_8 [1] : vector<2x2x4096xf32> to vector<2x4096xf32>
    %gt3A = arith.constant 0.000000e+00 : f32
    %gt3A_10 = vector.broadcast %gt3A : f32 to vector<2x4096xf32>
    %gt3A_11 = arith.cmpf ogt, %reduce_sum3A_9, %gt3A_10 : vector<2x4096xf32>
    %max3A = arith.constant 1.000000e+00 : f32
    %max3A_12 = vector.broadcast %max3A : f32 to vector<2x4096xf32>
    %max3A_13 = arith.maximumf %reduce_sum3A_9, %max3A_12 : vector<2x4096xf32>
    %div3A = arith.divf %reduce_sum3A_3, %max3A_13 : vector<2x4096xf32>
    %jit3A = arith.constant 0.000000e+00 : f32
    %broadcast_in_dim3A = vector.broadcast %jit3A : f32 to vector<2x4096xf32>
    %select_n3A = arith.select %gt3A_11, %div3A, %broadcast_in_dim3A : vector<2x4096xi1>, vector<2x4096xf32>
    %reduce_sum3A_14 = arith.constant dense<0.000000e+00> : vector<2xf32>
    %reduce_sum3A_15 = vector.multi_reduction <add>, %select_n3A, %reduce_sum3A_14 [1] : vector<2x4096xf32> to vector<2xf32>
    %iota3A = tpu.iota {dimensions = array<i32: 1>} : vector<2x4096xi32>
    %convert_element_type3A = arith.sitofp %iota3A : vector<2x4096xi32> to vector<2x4096xf32>
    %add3A = arith.constant 1.000000e+00 : f32
    %add3A_16 = vector.broadcast %add3A : f32 to vector<2x4096xf32>
    %add3A_17 = arith.addf %convert_element_type3A, %add3A_16 : vector<2x4096xf32>
    %jit3A_18 = arith.constant 0.000000e+00 : f32
    %broadcast_in_dim3A_19 = vector.broadcast %jit3A_18 : f32 to vector<2x4096xf32>
    %select_n3A_20 = arith.select %gt3A_11, %add3A_17, %broadcast_in_dim3A_19 : vector<2x4096xi1>, vector<2x4096xf32>
    %reduce_max3A = arith.constant dense<0xFF800000> : vector<2xf32>
    %reduce_max3A_21 = vector.multi_reduction <maximumf>, %select_n3A_20, %reduce_max3A [1] : vector<2x4096xf32> to vector<2xf32>
    %mul3A = arith.constant 2.000000e+00 : f32
    %mul3A_22 = vector.broadcast %mul3A : f32 to vector<2xf32>
    %mul3A_23 = arith.mulf %reduce_max3A_21, %mul3A_22 : vector<2xf32>
    %div3A_24 = arith.divf %reduce_sum3A_15, %mul3A_23 : vector<2xf32>
    %reduce_sum3A_25 = vector.shape_cast %div3A_24 : vector<2xf32> to vector<1x2xf32>
    %reduce_sum3A_26 = arith.constant dense<0.000000e+00> : vector<1xf32>
    %reduce_sum3A_27 = vector.multi_reduction <add>, %reduce_sum3A_25, %reduce_sum3A_26 [1] : vector<1x2xf32> to vector<1xf32>
    %reduce_sum3A_28 = vector.shape_cast %reduce_sum3A_27 : vector<1xf32> to vector<1x1xf32>
    %reduce_sum3A_29 = vector.extract %reduce_sum3A_28[0, 0] : f32 from vector<1x1xf32>
    %broadcast_in_dim3A_30 = vector.broadcast %reduce_sum3A_29 : f32 to vector<1x128xf32>
    %swap3A = arith.constant 0 : index
    %swap3A_31 = arith.constant 0 : index
    %swap3A_32 = vector.load %arg2[%swap3A, %swap3A_31] : memref<1x128xf32, #tpu.memory_space<vmem>>, vector<1x128xf32>
    tpu.vector_store %arg2[%swap3A, %swap3A_31], %broadcast_in_dim3A_30 {strides = array<i32>} : memref<1x128xf32, #tpu.memory_space<vmem>>, vector<1x128xf32>,
    return
  }
}

module attributes {stable_mosaic.version = 14 : i64} {
  func.func @_ray_body(%arg0: i32, %arg1: memref<33x128xf32, #tpu.memory_space<vmem>>, %arg2: memref<32x128xf32, #tpu.memory_space<vmem>>, %arg3: memref<65x128xf32, #tpu.memory_space<vmem>>, %arg4: memref<64x128xf32, #tpu.memory_space<vmem>>, %arg5: memref<65x128xf32, #tpu.memory_space<vmem>>, %arg6: memref<64x128xf32, #tpu.memory_space<vmem>>, %arg7: memref<3x128xf32, #tpu.memory_space<vmem>>, %arg8: memref<3x128xf32, #tpu.memory_space<vmem>>, %arg9: memref<8x128xf32, #tpu.memory_space<vmem>>) attributes {dimension_semantics = [#tpu.dimension_semantics<arbitrary>], iteration_bounds = array<i64: 64>, scalar_prefetch = 0 : i64, scratch_operands = 0 : i64, tpu.core_type = #tpu.core_type<tc>, window_params = [{transform_indices = @transform_0, window_bounds = array<i64: 33, 128>}, {transform_indices = @transform_1, window_bounds = array<i64: 32, 128>}, {transform_indices = @transform_2, window_bounds = array<i64: 65, 128>}, {transform_indices = @transform_3, window_bounds = array<i64: 64, 128>}, {transform_indices = @transform_4, window_bounds = array<i64: 65, 128>}, {transform_indices = @transform_5, window_bounds = array<i64: 64, 128>}, {transform_indices = @transform_6, window_bounds = array<i64: 3, 128>}, {transform_indices = @transform_7, window_bounds = array<i64: 3, 128>}, {pipeline_mode = #tpu.pipeline_mode<synchronous>, transform_indices = @transform_8, window_bounds = array<i64: 8, 128>}]} {
    %eq3A = arith.constant 0 : i32
    %eq3A_0 = arith.cmpi eq, %arg0, %eq3A : i32
    %convert_element_type3A = arith.extui %eq3A_0 : i1 to i32
    %cond3A = arith.constant 0 : i32
    %cond3A_1 = arith.cmpi ne, %convert_element_type3A, %cond3A : i32
    scf.if %cond3A_1 {
      %broadcast_in_dim3A_412 = arith.constant 0.000000e+00 : f32
      %broadcast_in_dim3A_413 = vector.broadcast %broadcast_in_dim3A_412 : f32 to vector<8x128xf32>
      %swap3A_414 = arith.constant 0 : index
      %swap3A_415 = arith.constant 0 : index
      %swap3A_416 = vector.load %arg9[%swap3A_414, %swap3A_415] : memref<8x128xf32, #tpu.memory_space<vmem>>, vector<8x128xf32>
      tpu.vector_store %arg9[%swap3A_414, %swap3A_415], %broadcast_in_dim3A_413 {strides = array<i32>} : memref<8x128xf32, #tpu.memory_space<vmem>>, vector<8x128xf32>,
    } else {
    }
    %get3A = arith.constant 0 : index
    %get3A_2 = arith.constant 0 : index
    %get3A_3 = vector.load %arg1[%get3A, %get3A_2] : memref<33x128xf32, #tpu.memory_space<vmem>>, vector<33x128xf32>
    %get3A_4 = arith.constant 0 : index
    %get3A_5 = arith.constant 0 : index
    %get3A_6 = vector.load %arg2[%get3A_4, %get3A_5] : memref<32x128xf32, #tpu.memory_space<vmem>>, vector<32x128xf32>
    %broadcast_in_dim3A = arith.constant 0.000000e+00 : f32
    %broadcast_in_dim3A_7 = vector.broadcast %broadcast_in_dim3A : f32 to vector<1x128xf32>
    %slice3A = vector.extract_strided_slice %get3A_3 {offsets = [1, 0], sizes = [32, 128], strides = [1, 1]} : vector<33x128xf32> to vector<32x128xf32>
    %slice3A_8 = vector.extract_strided_slice %get3A_3 {offsets = [0, 0], sizes = [32, 128], strides = [1, 1]} : vector<33x128xf32> to vector<32x128xf32>
    %sub3A = arith.subf %slice3A, %slice3A_8 : vector<32x128xf32>
    %add3A = arith.constant 9.99999993E-9 : f32
    %add3A_9 = vector.broadcast %add3A : f32 to vector<32x128xf32>
    %add3A_10 = arith.addf %sub3A, %add3A_9 : vector<32x128xf32>
    %div3A = arith.divf %get3A_6, %add3A_10 : vector<32x128xf32>
    %concatenate3A = tpu.concatenate %div3A, %broadcast_in_dim3A_7 in 0 : vector<32x128xf32>, vector<1x128xf32> -> vector<33x128xf32>
    %concatenate3A_11 = tpu.concatenate %broadcast_in_dim3A_7, %div3A in 0 : vector<1x128xf32>, vector<32x128xf32> -> vector<33x128xf32>
    %sub3A_12 = arith.subf %concatenate3A, %concatenate3A_11 : vector<33x128xf32>
    %div3A_13 = arith.constant 0.00999999977 : f32
    %div3A_14 = vector.broadcast %div3A_13 : f32 to vector<33x128xf32>
    %div3A_15 = arith.divf %sub3A_12, %div3A_14 : vector<33x128xf32>
    %sub3A_16 = arith.constant 5.000000e-03 : f32
    %sub3A_17 = vector.broadcast %sub3A_16 : f32 to vector<33x128xf32>
    %sub3A_18 = arith.subf %get3A_3, %sub3A_17 : vector<33x128xf32>
    %add3A_19 = arith.constant 5.000000e-03 : f32
    %add3A_20 = vector.broadcast %add3A_19 : f32 to vector<33x128xf32>
    %add3A_21 = arith.addf %get3A_3, %add3A_20 : vector<33x128xf32>
    %broadcast_in_dim3A_22 = vector.shape_cast %get3A_3 : vector<33x128xf32> to vector<1x33x128xf32>
    %broadcast_in_dim3A_23 = vector.shape_cast %get3A_3 : vector<33x128xf32> to vector<33x1x128xf32>
    %sub3A_24 = arith.constant 0.00999999977 : f32
    %sub3A_25 = vector.broadcast %sub3A_24 : f32 to vector<33x1x128xf32>
    %sub3A_26 = arith.subf %broadcast_in_dim3A_23, %sub3A_25 : vector<33x1x128xf32>
    %lt3A = vector.broadcast %broadcast_in_dim3A_22 : vector<1x33x128xf32> to vector<33x33x128xf32>
    %lt3A_27 = vector.broadcast %sub3A_26 : vector<33x1x128xf32> to vector<33x33x128xf32>
    %lt3A_28 = arith.cmpf olt, %lt3A, %lt3A_27 : vector<33x33x128xf32>
    %convert_element_type3A_29 = arith.extui %lt3A_28 : vector<33x33x128xi1> to vector<33x33x128xi32>
    %convert_element_type3A_30 = arith.sitofp %convert_element_type3A_29 : vector<33x33x128xi32> to vector<33x33x128xf32>
    %iota3A = tpu.iota {dimensions = array<i32: 0>} : vector<33x128xi32>
    %convert_element_type3A_31 = arith.sitofp %iota3A : vector<33x128xi32> to vector<33x128xf32>
    %reduce_sum3A = arith.constant dense<0.000000e+00> : vector<33x128xf32>
    %reduce_sum3A_32 = vector.multi_reduction <add>, %convert_element_type3A_30, %reduce_sum3A [1] : vector<33x33x128xf32> to vector<33x128xf32>
    %add3A_33 = arith.addf %convert_element_type3A_31, %reduce_sum3A_32 : vector<33x128xf32>
    %add3A_34 = arith.constant 3.300000e+01 : f32
    %add3A_35 = vector.broadcast %add3A_34 : f32 to vector<33x128xf32>
    %add3A_36 = arith.addf %convert_element_type3A_31, %add3A_35 : vector<33x128xf32>
    %reduce_sum3A_37 = arith.constant dense<0.000000e+00> : vector<33x128xf32>
    %reduce_sum3A_38 = vector.multi_reduction <add>, %convert_element_type3A_30, %reduce_sum3A_37 [0] : vector<33x33x128xf32> to vector<33x128xf32>
    %sub3A_39 = arith.subf %add3A_36, %reduce_sum3A_38 : vector<33x128xf32>
    %iota3A_40 = tpu.iota {dimensions = array<i32: 1>} : vector<33x66x128xi32>
    %convert_element_type3A_41 = arith.sitofp %iota3A_40 : vector<33x66x128xi32> to vector<33x66x128xf32>
    %broadcast_in_dim3A_42 = vector.shape_cast %add3A_33 : vector<33x128xf32> to vector<33x1x128xf32>
    %eq3A_43 = vector.broadcast %broadcast_in_dim3A_42 : vector<33x1x128xf32> to vector<33x66x128xf32>
    %eq3A_44 = arith.cmpf oeq, %eq3A_43, %convert_element_type3A_41 : vector<33x66x128xf32>
    %convert_element_type3A_45 = arith.extui %eq3A_44 : vector<33x66x128xi1> to vector<33x66x128xi32>
    %convert_element_type3A_46 = arith.sitofp %convert_element_type3A_45 : vector<33x66x128xi32> to vector<33x66x128xf32>
    %broadcast_in_dim3A_47 = vector.shape_cast %sub3A_39 : vector<33x128xf32> to vector<33x1x128xf32>
    %eq3A_48 = vector.broadcast %broadcast_in_dim3A_47 : vector<33x1x128xf32> to vector<33x66x128xf32>
    %eq3A_49 = arith.cmpf oeq, %eq3A_48, %convert_element_type3A_41 : vector<33x66x128xf32>
    %convert_element_type3A_50 = arith.extui %eq3A_49 : vector<33x66x128xi1> to vector<33x66x128xi32>
    %convert_element_type3A_51 = arith.sitofp %convert_element_type3A_50 : vector<33x66x128xi32> to vector<33x66x128xf32>
    %broadcast_in_dim3A_52 = vector.shape_cast %sub3A_18 : vector<33x128xf32> to vector<33x1x128xf32>
    %mul3A = vector.broadcast %broadcast_in_dim3A_52 : vector<33x1x128xf32> to vector<33x66x128xf32>
    %mul3A_53 = arith.mulf %mul3A, %convert_element_type3A_46 : vector<33x66x128xf32>
    %broadcast_in_dim3A_54 = vector.shape_cast %add3A_21 : vector<33x128xf32> to vector<33x1x128xf32>
    %mul3A_55 = vector.broadcast %broadcast_in_dim3A_54 : vector<33x1x128xf32> to vector<33x66x128xf32>
    %mul3A_56 = arith.mulf %mul3A_55, %convert_element_type3A_51 : vector<33x66x128xf32>
    %add3A_57 = arith.addf %mul3A_53, %mul3A_56 : vector<33x66x128xf32>
    %reduce_sum3A_58 = arith.constant dense<0.000000e+00> : vector<66x128xf32>
    %reduce_sum3A_59 = vector.multi_reduction <add>, %add3A_57, %reduce_sum3A_58 [0] : vector<33x66x128xf32> to vector<66x128xf32>
    %broadcast_in_dim3A_60 = vector.shape_cast %div3A_15 : vector<33x128xf32> to vector<33x1x128xf32>
    %slice3A_61 = vector.extract_strided_slice %convert_element_type3A_46 {offsets = [0, 0, 0], sizes = [33, 65, 128], strides = [1, 1, 1]} : vector<33x66x128xf32> to vector<33x65x128xf32>
    %slice3A_62 = vector.extract_strided_slice %convert_element_type3A_51 {offsets = [0, 0, 0], sizes = [33, 65, 128], strides = [1, 1, 1]} : vector<33x66x128xf32> to vector<33x65x128xf32>
    %sub3A_63 = arith.subf %slice3A_61, %slice3A_62 : vector<33x65x128xf32>
    %mul3A_64 = vector.broadcast %broadcast_in_dim3A_60 : vector<33x1x128xf32> to vector<33x65x128xf32>
    %mul3A_65 = arith.mulf %mul3A_64, %sub3A_63 : vector<33x65x128xf32>
    %reduce_sum3A_66 = arith.constant dense<0.000000e+00> : vector<65x128xf32>
    %reduce_sum3A_67 = vector.multi_reduction <add>, %mul3A_65, %reduce_sum3A_66 [0] : vector<33x65x128xf32> to vector<65x128xf32>
    %slice3A_68 = vector.extract_strided_slice %reduce_sum3A_59 {offsets = [1, 0], sizes = [65, 128], strides = [1, 1]} : vector<66x128xf32> to vector<65x128xf32>
    %slice3A_69 = vector.extract_strided_slice %reduce_sum3A_59 {offsets = [0, 0], sizes = [65, 128], strides = [1, 1]} : vector<66x128xf32> to vector<65x128xf32>
    %sub3A_70 = arith.subf %slice3A_68, %slice3A_69 : vector<65x128xf32>
    %iota3A_71 = tpu.iota {dimensions = array<i32: 0>} : vector<65x65xi32>
    %iota3A_72 = tpu.iota {dimensions = array<i32: 1>} : vector<65x65xi32>
    %ge3A = arith.cmpi sge, %iota3A_71, %iota3A_72 : vector<65x65xi32>
    %convert_element_type3A_73 = arith.extui %ge3A : vector<65x65xi1> to vector<65x65xi32>
    %convert_element_type3A_74 = arith.sitofp %convert_element_type3A_73 : vector<65x65xi32> to vector<65x65xf32>
    %dot_general3A = arith.constant dense<0.000000e+00> : vector<65x128xf32>
    %dot_general3A_75 = tpu.matmul %convert_element_type3A_74, %reduce_sum3A_67, %dot_general3A {dimension_numbers = #tpu.dot_dimension_numbers<[1], [0], [0], [1], [0, 0, 1, 1], [], []>, precision = #tpu.contract_precision<fp32>, transpose_lhs_hint = false} : vector<65x65xf32>, vector<65x128xf32>, vector<65x128xf32> -> vector<65x128xf32>
    %mul3A_76 = arith.mulf %sub3A_70, %dot_general3A_75 : vector<65x128xf32>
    %dot_general3A_77 = arith.constant dense<0.000000e+00> : vector<65x128xf32>
    %dot_general3A_78 = tpu.matmul %convert_element_type3A_74, %mul3A_76, %dot_general3A_77 {dimension_numbers = #tpu.dot_dimension_numbers<[1], [0], [0], [1], [0, 0, 1, 1], [], []>, precision = #tpu.contract_precision<fp32>, transpose_lhs_hint = false} : vector<65x65xf32>, vector<65x128xf32>, vector<65x128xf32> -> vector<65x128xf32>
    %max3A = arith.constant 0.000000e+00 : f32
    %max3A_79 = vector.broadcast %max3A : f32 to vector<65x128xf32>
    %max3A_80 = arith.maximumf %dot_general3A_78, %max3A_79 : vector<65x128xf32>
    %concatenate3A_81 = tpu.concatenate %broadcast_in_dim3A_7, %max3A_80 in 0 : vector<1x128xf32>, vector<65x128xf32> -> vector<66x128xf32>
    %slice3A_82 = vector.extract_strided_slice %concatenate3A_81 {offsets = [1, 0], sizes = [65, 128], strides = [1, 1]} : vector<66x128xf32> to vector<65x128xf32>
    %slice3A_83 = vector.extract_strided_slice %concatenate3A_81 {offsets = [0, 0], sizes = [65, 128], strides = [1, 1]} : vector<66x128xf32> to vector<65x128xf32>
    %add3A_84 = arith.addf %slice3A_82, %slice3A_83 : vector<65x128xf32>
    %mul3A_85 = arith.constant 5.000000e-01 : f32
    %mul3A_86 = vector.broadcast %mul3A_85 : f32 to vector<65x128xf32>
    %mul3A_87 = arith.mulf %mul3A_86, %add3A_84 : vector<65x128xf32>
    %mul3A_88 = arith.mulf %mul3A_87, %sub3A_70 : vector<65x128xf32>
    %dot_general3A_89 = arith.constant dense<0.000000e+00> : vector<65x128xf32>
    %dot_general3A_90 = tpu.matmul %convert_element_type3A_74, %mul3A_88, %dot_general3A_89 {dimension_numbers = #tpu.dot_dimension_numbers<[1], [0], [0], [1], [0, 0, 1, 1], [], []>, precision = #tpu.contract_precision<fp32>, transpose_lhs_hint = false} : vector<65x65xf32>, vector<65x128xf32>, vector<65x128xf32> -> vector<65x128xf32>
    %concatenate3A_91 = tpu.concatenate %broadcast_in_dim3A_7, %dot_general3A_90 in 0 : vector<1x128xf32>, vector<65x128xf32> -> vector<66x128xf32>
    %broadcast_in_dim3A_92 = arith.constant 0.000000e+00 : f32
    %broadcast_in_dim3A_93 = vector.broadcast %broadcast_in_dim3A_92 : f32 to vector<128xf32>
    %get3A_94 = arith.constant 0 : index
    %get3A_95 = arith.constant 0 : index
    %get3A_96 = vector.load %arg3[%get3A_94, %get3A_95] : memref<65x128xf32, #tpu.memory_space<vmem>>, vector<65x128xf32>
    %get3A_97 = arith.constant 0 : index
    %get3A_98 = arith.constant 0 : index
    %get3A_99 = vector.load %arg4[%get3A_97, %get3A_98] : memref<64x128xf32, #tpu.memory_space<vmem>>, vector<64x128xf32>
    %broadcast_in_dim3A_100 = vector.shape_cast %get3A_96 : vector<65x128xf32> to vector<1x65x128xf32>
    %broadcast_in_dim3A_101 = vector.shape_cast %reduce_sum3A_59 : vector<66x128xf32> to vector<66x1x128xf32>
    %ge3A_102 = vector.broadcast %broadcast_in_dim3A_100 : vector<1x65x128xf32> to vector<66x65x128xf32>
    %ge3A_103 = vector.broadcast %broadcast_in_dim3A_101 : vector<66x1x128xf32> to vector<66x65x128xf32>
    %ge3A_104 = arith.cmpf oge, %ge3A_102, %ge3A_103 : vector<66x65x128xf32>
    %iota3A_105 = tpu.iota {dimensions = array<i32: 0>} : vector<66x65x128xi32>
    %convert_element_type3A_106 = arith.sitofp %iota3A_105 : vector<66x65x128xi32> to vector<66x65x128xf32>
    %broadcast_in_dim3A_107 = vector.shape_cast %concatenate3A_91 : vector<66x128xf32> to vector<66x1x128xf32>
    %slice3A_108 = vector.extract_strided_slice %concatenate3A_91 {offsets = [0, 0], sizes = [1, 128], strides = [1, 1]} : vector<66x128xf32> to vector<1x128xf32>
    %squeeze3A = vector.shape_cast %slice3A_108 : vector<1x128xf32> to vector<128xf32>
    %broadcast_in_dim3A_109 = vector.shape_cast %squeeze3A : vector<128xf32> to vector<1x1x128xf32>
    %broadcast_in_dim3A_110 = vector.shape_cast %broadcast_in_dim3A_107 : vector<66x1x128xf32> to vector<66x1x128xf32>
    %broadcast_in_dim3A_111 = vector.broadcast %broadcast_in_dim3A_110 : vector<66x1x128xf32> to vector<66x65x128xf32>
    %broadcast_in_dim3A_112 = vector.shape_cast %broadcast_in_dim3A_109 : vector<1x1x128xf32> to vector<1x1x128xf32>
    %broadcast_in_dim3A_113 = vector.broadcast %broadcast_in_dim3A_112 : vector<1x1x128xf32> to vector<66x65x128xf32>
    %select_n3A = arith.select %ge3A_104, %broadcast_in_dim3A_111, %broadcast_in_dim3A_113 : vector<66x65x128xi1>, vector<66x65x128xf32>
    %reduce_max3A = arith.constant dense<0xFF800000> : vector<65x128xf32>
    %reduce_max3A_114 = vector.multi_reduction <maximumf>, %select_n3A, %reduce_max3A [0] : vector<66x65x128xf32> to vector<65x128xf32>
    %broadcast_in_dim3A_115 = vector.shape_cast %reduce_max3A_114 : vector<65x128xf32> to vector<1x65x128xf32>
    %eq3A_116 = vector.broadcast %broadcast_in_dim3A_115 : vector<1x65x128xf32> to vector<66x65x128xf32>
    %eq3A_117 = arith.cmpf oeq, %select_n3A, %eq3A_116 : vector<66x65x128xf32>
    %jit3A = arith.constant 6.600000e+01 : f32
    %broadcast_in_dim3A_118 = vector.broadcast %jit3A : f32 to vector<66x65x128xf32>
    %select_n3A_119 = arith.select %eq3A_117, %convert_element_type3A_106, %broadcast_in_dim3A_118 : vector<66x65x128xi1>, vector<66x65x128xf32>
    %reduce_min3A = arith.constant dense<0x7F800000> : vector<65x128xf32>
    %reduce_min3A_120 = vector.multi_reduction <minimumf>, %select_n3A_119, %reduce_min3A [0] : vector<66x65x128xf32> to vector<65x128xf32>
    %slice3A_121 = vector.extract_strided_slice %concatenate3A_91 {offsets = [65, 0], sizes = [1, 128], strides = [1, 1]} : vector<66x128xf32> to vector<1x128xf32>
    %squeeze3A_122 = vector.shape_cast %slice3A_121 : vector<1x128xf32> to vector<128xf32>
    %broadcast_in_dim3A_123 = vector.shape_cast %squeeze3A_122 : vector<128xf32> to vector<1x1x128xf32>
    %broadcast_in_dim3A_124 = vector.shape_cast %concatenate3A_91 : vector<66x128xf32> to vector<66x1x128xf32>
    %broadcast_in_dim3A_125 = vector.shape_cast %broadcast_in_dim3A_123 : vector<1x1x128xf32> to vector<1x1x128xf32>
    %broadcast_in_dim3A_126 = vector.broadcast %broadcast_in_dim3A_125 : vector<1x1x128xf32> to vector<66x65x128xf32>
    %broadcast_in_dim3A_127 = vector.shape_cast %broadcast_in_dim3A_124 : vector<66x1x128xf32> to vector<66x1x128xf32>
    %broadcast_in_dim3A_128 = vector.broadcast %broadcast_in_dim3A_127 : vector<66x1x128xf32> to vector<66x65x128xf32>
    %select_n3A_129 = arith.select %ge3A_104, %broadcast_in_dim3A_126, %broadcast_in_dim3A_128 : vector<66x65x128xi1>, vector<66x65x128xf32>
    %reduce_min3A_130 = arith.constant dense<0x7F800000> : vector<65x128xf32>
    %reduce_min3A_131 = vector.multi_reduction <minimumf>, %select_n3A_129, %reduce_min3A_130 [0] : vector<66x65x128xf32> to vector<65x128xf32>
    %broadcast_in_dim3A_132 = vector.shape_cast %reduce_min3A_131 : vector<65x128xf32> to vector<1x65x128xf32>
    %eq3A_133 = vector.broadcast %broadcast_in_dim3A_132 : vector<1x65x128xf32> to vector<66x65x128xf32>
    %eq3A_134 = arith.cmpf oeq, %select_n3A_129, %eq3A_133 : vector<66x65x128xf32>
    %jit3A_135 = arith.constant 6.600000e+01 : f32
    %broadcast_in_dim3A_136 = vector.broadcast %jit3A_135 : f32 to vector<66x65x128xf32>
    %select_n3A_137 = arith.select %eq3A_134, %convert_element_type3A_106, %broadcast_in_dim3A_136 : vector<66x65x128xi1>, vector<66x65x128xf32>
    %reduce_min3A_138 = arith.constant dense<0x7F800000> : vector<65x128xf32>
    %reduce_min3A_139 = vector.multi_reduction <minimumf>, %select_n3A_137, %reduce_min3A_138 [0] : vector<66x65x128xf32> to vector<65x128xf32>
    %broadcast_in_dim3A_140 = vector.shape_cast %reduce_min3A_120 : vector<65x128xf32> to vector<1x65x128xf32>
    %eq3A_141 = vector.broadcast %broadcast_in_dim3A_140 : vector<1x65x128xf32> to vector<66x65x128xf32>
    %eq3A_142 = arith.cmpf oeq, %eq3A_141, %convert_element_type3A_106 : vector<66x65x128xf32>
    %broadcast_in_dim3A_143 = vector.shape_cast %concatenate3A_81 : vector<66x128xf32> to vector<66x1x128xf32>
    %jit3A_144 = arith.constant 0.000000e+00 : f32
    %broadcast_in_dim3A_145 = vector.shape_cast %broadcast_in_dim3A_143 : vector<66x1x128xf32> to vector<66x1x128xf32>
    %broadcast_in_dim3A_146 = vector.broadcast %broadcast_in_dim3A_145 : vector<66x1x128xf32> to vector<66x65x128xf32>
    %broadcast_in_dim3A_147 = vector.broadcast %jit3A_144 : f32 to vector<66x65x128xf32>
    %select_n3A_148 = arith.select %eq3A_142, %broadcast_in_dim3A_146, %broadcast_in_dim3A_147 : vector<66x65x128xi1>, vector<66x65x128xf32>
    %reduce_sum3A_149 = arith.constant dense<0.000000e+00> : vector<65x128xf32>
    %reduce_sum3A_150 = vector.multi_reduction <add>, %select_n3A_148, %reduce_sum3A_149 [0] : vector<66x65x128xf32> to vector<65x128xf32>
    %broadcast_in_dim3A_151 = vector.shape_cast %reduce_min3A_139 : vector<65x128xf32> to vector<1x65x128xf32>
    %eq3A_152 = vector.broadcast %broadcast_in_dim3A_151 : vector<1x65x128xf32> to vector<66x65x128xf32>
    %eq3A_153 = arith.cmpf oeq, %eq3A_152, %convert_element_type3A_106 : vector<66x65x128xf32>
    %broadcast_in_dim3A_154 = vector.shape_cast %concatenate3A_81 : vector<66x128xf32> to vector<66x1x128xf32>
    %jit3A_155 = arith.constant 0.000000e+00 : f32
    %broadcast_in_dim3A_156 = vector.shape_cast %broadcast_in_dim3A_154 : vector<66x1x128xf32> to vector<66x1x128xf32>
    %broadcast_in_dim3A_157 = vector.broadcast %broadcast_in_dim3A_156 : vector<66x1x128xf32> to vector<66x65x128xf32>
    %broadcast_in_dim3A_158 = vector.broadcast %jit3A_155 : f32 to vector<66x65x128xf32>
    %select_n3A_159 = arith.select %eq3A_153, %broadcast_in_dim3A_157, %broadcast_in_dim3A_158 : vector<66x65x128xi1>, vector<66x65x128xf32>
    %reduce_sum3A_160 = arith.constant dense<0.000000e+00> : vector<65x128xf32>
    %reduce_sum3A_161 = vector.multi_reduction <add>, %select_n3A_159, %reduce_sum3A_160 [0] : vector<66x65x128xf32> to vector<65x128xf32>
    %broadcast_in_dim3A_162 = vector.shape_cast %reduce_sum3A_59 : vector<66x128xf32> to vector<66x1x128xf32>
    %slice3A_163 = vector.extract_strided_slice %reduce_sum3A_59 {offsets = [0, 0], sizes = [1, 128], strides = [1, 1]} : vector<66x128xf32> to vector<1x128xf32>
    %squeeze3A_164 = vector.shape_cast %slice3A_163 : vector<1x128xf32> to vector<128xf32>
    %broadcast_in_dim3A_165 = vector.shape_cast %squeeze3A_164 : vector<128xf32> to vector<1x1x128xf32>
    %broadcast_in_dim3A_166 = vector.shape_cast %broadcast_in_dim3A_162 : vector<66x1x128xf32> to vector<66x1x128xf32>
    %broadcast_in_dim3A_167 = vector.broadcast %broadcast_in_dim3A_166 : vector<66x1x128xf32> to vector<66x65x128xf32>
    %broadcast_in_dim3A_168 = vector.shape_cast %broadcast_in_dim3A_165 : vector<1x1x128xf32> to vector<1x1x128xf32>
    %broadcast_in_dim3A_169 = vector.broadcast %broadcast_in_dim3A_168 : vector<1x1x128xf32> to vector<66x65x128xf32>
    %select_n3A_170 = arith.select %ge3A_104, %broadcast_in_dim3A_167, %broadcast_in_dim3A_169 : vector<66x65x128xi1>, vector<66x65x128xf32>
    %reduce_max3A_171 = arith.constant dense<0xFF800000> : vector<65x128xf32>
    %reduce_max3A_172 = vector.multi_reduction <maximumf>, %select_n3A_170, %reduce_max3A_171 [0] : vector<66x65x128xf32> to vector<65x128xf32>
    %slice3A_173 = vector.extract_strided_slice %reduce_sum3A_59 {offsets = [65, 0], sizes = [1, 128], strides = [1, 1]} : vector<66x128xf32> to vector<1x128xf32>
    %squeeze3A_174 = vector.shape_cast %slice3A_173 : vector<1x128xf32> to vector<128xf32>
    %broadcast_in_dim3A_175 = vector.shape_cast %squeeze3A_174 : vector<128xf32> to vector<1x1x128xf32>
    %broadcast_in_dim3A_176 = vector.shape_cast %reduce_sum3A_59 : vector<66x128xf32> to vector<66x1x128xf32>
    %broadcast_in_dim3A_177 = vector.shape_cast %broadcast_in_dim3A_175 : vector<1x1x128xf32> to vector<1x1x128xf32>
    %broadcast_in_dim3A_178 = vector.broadcast %broadcast_in_dim3A_177 : vector<1x1x128xf32> to vector<66x65x128xf32>
    %broadcast_in_dim3A_179 = vector.shape_cast %broadcast_in_dim3A_176 : vector<66x1x128xf32> to vector<66x1x128xf32>
    %broadcast_in_dim3A_180 = vector.broadcast %broadcast_in_dim3A_179 : vector<66x1x128xf32> to vector<66x65x128xf32>
    %select_n3A_181 = arith.select %ge3A_104, %broadcast_in_dim3A_178, %broadcast_in_dim3A_180 : vector<66x65x128xi1>, vector<66x65x128xf32>
    %reduce_min3A_182 = arith.constant dense<0x7F800000> : vector<65x128xf32>
    %reduce_min3A_183 = vector.multi_reduction <minimumf>, %select_n3A_181, %reduce_min3A_182 [0] : vector<66x65x128xf32> to vector<65x128xf32>
    %sub3A_184 = arith.subf %get3A_96, %reduce_max3A_172 : vector<65x128xf32>
    %sub3A_185 = arith.subf %reduce_min3A_183, %reduce_max3A_172 : vector<65x128xf32>
    %div3A_186 = arith.divf %sub3A_184, %sub3A_185 : vector<65x128xf32>
    %ne3A = arith.cmpf one, %div3A_186, %div3A_186 : vector<65x128xf32>
    %jit3A_187 = arith.constant 0.000000e+00 : f32
    %broadcast_in_dim3A_188 = vector.broadcast %jit3A_187 : f32 to vector<65x128xf32>
    %select_n3A_189 = arith.select %ne3A, %broadcast_in_dim3A_188, %div3A_186 : vector<65x128xi1>, vector<65x128xf32>
    %jit3A_190 = arith.constant 0.000000e+00 : f32
    %jit3A_191 = arith.constant 1.000000e+00 : f32
    %max3A_192 = vector.broadcast %jit3A_190 : f32 to vector<65x128xf32>
    %max3A_193 = arith.maximumf %max3A_192, %select_n3A_189 : vector<65x128xf32>
    %min3A = vector.broadcast %jit3A_191 : f32 to vector<65x128xf32>
    %min3A_194 = arith.minimumf %min3A, %max3A_193 : vector<65x128xf32>
    %sub3A_195 = arith.subf %get3A_96, %reduce_max3A_172 : vector<65x128xf32>
    %mul3A_196 = arith.mulf %reduce_sum3A_161, %min3A_194 : vector<65x128xf32>
    %add3A_197 = arith.addf %reduce_sum3A_150, %mul3A_196 : vector<65x128xf32>
    %sub3A_198 = arith.constant 1.000000e+00 : f32
    %sub3A_199 = vector.broadcast %sub3A_198 : f32 to vector<65x128xf32>
    %sub3A_200 = arith.subf %sub3A_199, %min3A_194 : vector<65x128xf32>
    %mul3A_201 = arith.mulf %reduce_sum3A_150, %sub3A_200 : vector<65x128xf32>
    %add3A_202 = arith.addf %add3A_197, %mul3A_201 : vector<65x128xf32>
    %mul3A_203 = arith.mulf %sub3A_195, %add3A_202 : vector<65x128xf32>
    %div3A_204 = arith.constant 2.000000e+00 : f32
    %div3A_205 = vector.broadcast %div3A_204 : f32 to vector<65x128xf32>
    %div3A_206 = arith.divf %mul3A_203, %div3A_205 : vector<65x128xf32>
    %add3A_207 = arith.addf %reduce_max3A_114, %div3A_206 : vector<65x128xf32>
    %slice3A_208 = vector.extract_strided_slice %add3A_207 {offsets = [1, 0], sizes = [64, 128], strides = [1, 1]} : vector<65x128xf32> to vector<64x128xf32>
    %slice3A_209 = vector.extract_strided_slice %add3A_207 {offsets = [0, 0], sizes = [64, 128], strides = [1, 1]} : vector<65x128xf32> to vector<64x128xf32>
    %sub3A_210 = arith.subf %slice3A_208, %slice3A_209 : vector<64x128xf32>
    %sub3A_211 = arith.subf %sub3A_210, %get3A_99 : vector<64x128xf32>
    %max3A_212 = arith.constant 0.000000e+00 : f32
    %max3A_213 = vector.broadcast %max3A_212 : f32 to vector<64x128xf32>
    %max3A_214 = arith.maximumf %sub3A_211, %max3A_213 : vector<64x128xf32>
    %integer_pow3A = arith.mulf %max3A_214, %max3A_214 : vector<64x128xf32>
    %add3A_215 = arith.constant 9.99999974E-6 : f32
    %add3A_216 = vector.broadcast %add3A_215 : f32 to vector<64x128xf32>
    %add3A_217 = arith.addf %get3A_99, %add3A_216 : vector<64x128xf32>
    %div3A_218 = arith.divf %integer_pow3A, %add3A_217 : vector<64x128xf32>
    %reduce_sum3A_219 = arith.constant dense<0.000000e+00> : vector<128xf32>
    %reduce_sum3A_220 = vector.multi_reduction <add>, %div3A_218, %reduce_sum3A_219 [0] : vector<64x128xf32> to vector<128xf32>
    %add3A_221 = arith.addf %broadcast_in_dim3A_93, %reduce_sum3A_220 : vector<128xf32>
    %get3A_222 = arith.constant 0 : index
    %get3A_223 = arith.constant 0 : index
    %get3A_224 = vector.load %arg5[%get3A_222, %get3A_223] : memref<65x128xf32, #tpu.memory_space<vmem>>, vector<65x128xf32>
    %get3A_225 = arith.constant 0 : index
    %get3A_226 = arith.constant 0 : index
    %get3A_227 = vector.load %arg6[%get3A_225, %get3A_226] : memref<64x128xf32, #tpu.memory_space<vmem>>, vector<64x128xf32>
    %broadcast_in_dim3A_228 = vector.shape_cast %get3A_224 : vector<65x128xf32> to vector<1x65x128xf32>
    %broadcast_in_dim3A_229 = vector.shape_cast %reduce_sum3A_59 : vector<66x128xf32> to vector<66x1x128xf32>
    %ge3A_230 = vector.broadcast %broadcast_in_dim3A_228 : vector<1x65x128xf32> to vector<66x65x128xf32>
    %ge3A_231 = vector.broadcast %broadcast_in_dim3A_229 : vector<66x1x128xf32> to vector<66x65x128xf32>
    %ge3A_232 = arith.cmpf oge, %ge3A_230, %ge3A_231 : vector<66x65x128xf32>
    %iota3A_233 = tpu.iota {dimensions = array<i32: 0>} : vector<66x65x128xi32>
    %convert_element_type3A_234 = arith.sitofp %iota3A_233 : vector<66x65x128xi32> to vector<66x65x128xf32>
    %broadcast_in_dim3A_235 = vector.shape_cast %concatenate3A_91 : vector<66x128xf32> to vector<66x1x128xf32>
    %slice3A_236 = vector.extract_strided_slice %concatenate3A_91 {offsets = [0, 0], sizes = [1, 128], strides = [1, 1]} : vector<66x128xf32> to vector<1x128xf32>
    %squeeze3A_237 = vector.shape_cast %slice3A_236 : vector<1x128xf32> to vector<128xf32>
    %broadcast_in_dim3A_238 = vector.shape_cast %squeeze3A_237 : vector<128xf32> to vector<1x1x128xf32>
    %broadcast_in_dim3A_239 = vector.shape_cast %broadcast_in_dim3A_235 : vector<66x1x128xf32> to vector<66x1x128xf32>
    %broadcast_in_dim3A_240 = vector.broadcast %broadcast_in_dim3A_239 : vector<66x1x128xf32> to vector<66x65x128xf32>
    %broadcast_in_dim3A_241 = vector.shape_cast %broadcast_in_dim3A_238 : vector<1x1x128xf32> to vector<1x1x128xf32>
    %broadcast_in_dim3A_242 = vector.broadcast %broadcast_in_dim3A_241 : vector<1x1x128xf32> to vector<66x65x128xf32>
    %select_n3A_243 = arith.select %ge3A_232, %broadcast_in_dim3A_240, %broadcast_in_dim3A_242 : vector<66x65x128xi1>, vector<66x65x128xf32>
    %reduce_max3A_244 = arith.constant dense<0xFF800000> : vector<65x128xf32>
    %reduce_max3A_245 = vector.multi_reduction <maximumf>, %select_n3A_243, %reduce_max3A_244 [0] : vector<66x65x128xf32> to vector<65x128xf32>
    %broadcast_in_dim3A_246 = vector.shape_cast %reduce_max3A_245 : vector<65x128xf32> to vector<1x65x128xf32>
    %eq3A_247 = vector.broadcast %broadcast_in_dim3A_246 : vector<1x65x128xf32> to vector<66x65x128xf32>
    %eq3A_248 = arith.cmpf oeq, %select_n3A_243, %eq3A_247 : vector<66x65x128xf32>
    %jit3A_249 = arith.constant 6.600000e+01 : f32
    %broadcast_in_dim3A_250 = vector.broadcast %jit3A_249 : f32 to vector<66x65x128xf32>
    %select_n3A_251 = arith.select %eq3A_248, %convert_element_type3A_234, %broadcast_in_dim3A_250 : vector<66x65x128xi1>, vector<66x65x128xf32>
    %reduce_min3A_252 = arith.constant dense<0x7F800000> : vector<65x128xf32>
    %reduce_min3A_253 = vector.multi_reduction <minimumf>, %select_n3A_251, %reduce_min3A_252 [0] : vector<66x65x128xf32> to vector<65x128xf32>
    %slice3A_254 = vector.extract_strided_slice %concatenate3A_91 {offsets = [65, 0], sizes = [1, 128], strides = [1, 1]} : vector<66x128xf32> to vector<1x128xf32>
    %squeeze3A_255 = vector.shape_cast %slice3A_254 : vector<1x128xf32> to vector<128xf32>
    %broadcast_in_dim3A_256 = vector.shape_cast %squeeze3A_255 : vector<128xf32> to vector<1x1x128xf32>
    %broadcast_in_dim3A_257 = vector.shape_cast %concatenate3A_91 : vector<66x128xf32> to vector<66x1x128xf32>
    %broadcast_in_dim3A_258 = vector.shape_cast %broadcast_in_dim3A_256 : vector<1x1x128xf32> to vector<1x1x128xf32>
    %broadcast_in_dim3A_259 = vector.broadcast %broadcast_in_dim3A_258 : vector<1x1x128xf32> to vector<66x65x128xf32>
    %broadcast_in_dim3A_260 = vector.shape_cast %broadcast_in_dim3A_257 : vector<66x1x128xf32> to vector<66x1x128xf32>
    %broadcast_in_dim3A_261 = vector.broadcast %broadcast_in_dim3A_260 : vector<66x1x128xf32> to vector<66x65x128xf32>
    %select_n3A_262 = arith.select %ge3A_232, %broadcast_in_dim3A_259, %broadcast_in_dim3A_261 : vector<66x65x128xi1>, vector<66x65x128xf32>
    %reduce_min3A_263 = arith.constant dense<0x7F800000> : vector<65x128xf32>
    %reduce_min3A_264 = vector.multi_reduction <minimumf>, %select_n3A_262, %reduce_min3A_263 [0] : vector<66x65x128xf32> to vector<65x128xf32>
    %broadcast_in_dim3A_265 = vector.shape_cast %reduce_min3A_264 : vector<65x128xf32> to vector<1x65x128xf32>
    %eq3A_266 = vector.broadcast %broadcast_in_dim3A_265 : vector<1x65x128xf32> to vector<66x65x128xf32>
    %eq3A_267 = arith.cmpf oeq, %select_n3A_262, %eq3A_266 : vector<66x65x128xf32>
    %jit3A_268 = arith.constant 6.600000e+01 : f32
    %broadcast_in_dim3A_269 = vector.broadcast %jit3A_268 : f32 to vector<66x65x128xf32>
    %select_n3A_270 = arith.select %eq3A_267, %convert_element_type3A_234, %broadcast_in_dim3A_269 : vector<66x65x128xi1>, vector<66x65x128xf32>
    %reduce_min3A_271 = arith.constant dense<0x7F800000> : vector<65x128xf32>
    %reduce_min3A_272 = vector.multi_reduction <minimumf>, %select_n3A_270, %reduce_min3A_271 [0] : vector<66x65x128xf32> to vector<65x128xf32>
    %broadcast_in_dim3A_273 = vector.shape_cast %reduce_min3A_253 : vector<65x128xf32> to vector<1x65x128xf32>
    %eq3A_274 = vector.broadcast %broadcast_in_dim3A_273 : vector<1x65x128xf32> to vector<66x65x128xf32>
    %eq3A_275 = arith.cmpf oeq, %eq3A_274, %convert_element_type3A_234 : vector<66x65x128xf32>
    %broadcast_in_dim3A_276 = vector.shape_cast %concatenate3A_81 : vector<66x128xf32> to vector<66x1x128xf32>
    %jit3A_277 = arith.constant 0.000000e+00 : f32
    %broadcast_in_dim3A_278 = vector.shape_cast %broadcast_in_dim3A_276 : vector<66x1x128xf32> to vector<66x1x128xf32>
    %broadcast_in_dim3A_279 = vector.broadcast %broadcast_in_dim3A_278 : vector<66x1x128xf32> to vector<66x65x128xf32>
    %broadcast_in_dim3A_280 = vector.broadcast %jit3A_277 : f32 to vector<66x65x128xf32>
    %select_n3A_281 = arith.select %eq3A_275, %broadcast_in_dim3A_279, %broadcast_in_dim3A_280 : vector<66x65x128xi1>, vector<66x65x128xf32>
    %reduce_sum3A_282 = arith.constant dense<0.000000e+00> : vector<65x128xf32>
    %reduce_sum3A_283 = vector.multi_reduction <add>, %select_n3A_281, %reduce_sum3A_282 [0] : vector<66x65x128xf32> to vector<65x128xf32>
    %broadcast_in_dim3A_284 = vector.shape_cast %reduce_min3A_272 : vector<65x128xf32> to vector<1x65x128xf32>
    %eq3A_285 = vector.broadcast %broadcast_in_dim3A_284 : vector<1x65x128xf32> to vector<66x65x128xf32>
    %eq3A_286 = arith.cmpf oeq, %eq3A_285, %convert_element_type3A_234 : vector<66x65x128xf32>
    %broadcast_in_dim3A_287 = vector.shape_cast %concatenate3A_81 : vector<66x128xf32> to vector<66x1x128xf32>
    %jit3A_288 = arith.constant 0.000000e+00 : f32
    %broadcast_in_dim3A_289 = vector.shape_cast %broadcast_in_dim3A_287 : vector<66x1x128xf32> to vector<66x1x128xf32>
    %broadcast_in_dim3A_290 = vector.broadcast %broadcast_in_dim3A_289 : vector<66x1x128xf32> to vector<66x65x128xf32>
    %broadcast_in_dim3A_291 = vector.broadcast %jit3A_288 : f32 to vector<66x65x128xf32>
    %select_n3A_292 = arith.select %eq3A_286, %broadcast_in_dim3A_290, %broadcast_in_dim3A_291 : vector<66x65x128xi1>, vector<66x65x128xf32>
    %reduce_sum3A_293 = arith.constant dense<0.000000e+00> : vector<65x128xf32>
    %reduce_sum3A_294 = vector.multi_reduction <add>, %select_n3A_292, %reduce_sum3A_293 [0] : vector<66x65x128xf32> to vector<65x128xf32>
    %broadcast_in_dim3A_295 = vector.shape_cast %reduce_sum3A_59 : vector<66x128xf32> to vector<66x1x128xf32>
    %slice3A_296 = vector.extract_strided_slice %reduce_sum3A_59 {offsets = [0, 0], sizes = [1, 128], strides = [1, 1]} : vector<66x128xf32> to vector<1x128xf32>
    %squeeze3A_297 = vector.shape_cast %slice3A_296 : vector<1x128xf32> to vector<128xf32>
    %broadcast_in_dim3A_298 = vector.shape_cast %squeeze3A_297 : vector<128xf32> to vector<1x1x128xf32>
    %broadcast_in_dim3A_299 = vector.shape_cast %broadcast_in_dim3A_295 : vector<66x1x128xf32> to vector<66x1x128xf32>
    %broadcast_in_dim3A_300 = vector.broadcast %broadcast_in_dim3A_299 : vector<66x1x128xf32> to vector<66x65x128xf32>
    %broadcast_in_dim3A_301 = vector.shape_cast %broadcast_in_dim3A_298 : vector<1x1x128xf32> to vector<1x1x128xf32>
    %broadcast_in_dim3A_302 = vector.broadcast %broadcast_in_dim3A_301 : vector<1x1x128xf32> to vector<66x65x128xf32>
    %select_n3A_303 = arith.select %ge3A_232, %broadcast_in_dim3A_300, %broadcast_in_dim3A_302 : vector<66x65x128xi1>, vector<66x65x128xf32>
    %reduce_max3A_304 = arith.constant dense<0xFF800000> : vector<65x128xf32>
    %reduce_max3A_305 = vector.multi_reduction <maximumf>, %select_n3A_303, %reduce_max3A_304 [0] : vector<66x65x128xf32> to vector<65x128xf32>
    %slice3A_306 = vector.extract_strided_slice %reduce_sum3A_59 {offsets = [65, 0], sizes = [1, 128], strides = [1, 1]} : vector<66x128xf32> to vector<1x128xf32>
    %squeeze3A_307 = vector.shape_cast %slice3A_306 : vector<1x128xf32> to vector<128xf32>
    %broadcast_in_dim3A_308 = vector.shape_cast %squeeze3A_307 : vector<128xf32> to vector<1x1x128xf32>
    %broadcast_in_dim3A_309 = vector.shape_cast %reduce_sum3A_59 : vector<66x128xf32> to vector<66x1x128xf32>
    %broadcast_in_dim3A_310 = vector.shape_cast %broadcast_in_dim3A_308 : vector<1x1x128xf32> to vector<1x1x128xf32>
    %broadcast_in_dim3A_311 = vector.broadcast %broadcast_in_dim3A_310 : vector<1x1x128xf32> to vector<66x65x128xf32>
    %broadcast_in_dim3A_312 = vector.shape_cast %broadcast_in_dim3A_309 : vector<66x1x128xf32> to vector<66x1x128xf32>
    %broadcast_in_dim3A_313 = vector.broadcast %broadcast_in_dim3A_312 : vector<66x1x128xf32> to vector<66x65x128xf32>
    %select_n3A_314 = arith.select %ge3A_232, %broadcast_in_dim3A_311, %broadcast_in_dim3A_313 : vector<66x65x128xi1>, vector<66x65x128xf32>
    %reduce_min3A_315 = arith.constant dense<0x7F800000> : vector<65x128xf32>
    %reduce_min3A_316 = vector.multi_reduction <minimumf>, %select_n3A_314, %reduce_min3A_315 [0] : vector<66x65x128xf32> to vector<65x128xf32>
    %sub3A_317 = arith.subf %get3A_224, %reduce_max3A_305 : vector<65x128xf32>
    %sub3A_318 = arith.subf %reduce_min3A_316, %reduce_max3A_305 : vector<65x128xf32>
    %div3A_319 = arith.divf %sub3A_317, %sub3A_318 : vector<65x128xf32>
    %ne3A_320 = arith.cmpf one, %div3A_319, %div3A_319 : vector<65x128xf32>
    %jit3A_321 = arith.constant 0.000000e+00 : f32
    %broadcast_in_dim3A_322 = vector.broadcast %jit3A_321 : f32 to vector<65x128xf32>
    %select_n3A_323 = arith.select %ne3A_320, %broadcast_in_dim3A_322, %div3A_319 : vector<65x128xi1>, vector<65x128xf32>
    %jit3A_324 = arith.constant 0.000000e+00 : f32
    %jit3A_325 = arith.constant 1.000000e+00 : f32
    %max3A_326 = vector.broadcast %jit3A_324 : f32 to vector<65x128xf32>
    %max3A_327 = arith.maximumf %max3A_326, %select_n3A_323 : vector<65x128xf32>
    %min3A_328 = vector.broadcast %jit3A_325 : f32 to vector<65x128xf32>
    %min3A_329 = arith.minimumf %min3A_328, %max3A_327 : vector<65x128xf32>
    %sub3A_330 = arith.subf %get3A_224, %reduce_max3A_305 : vector<65x128xf32>
    %mul3A_331 = arith.mulf %reduce_sum3A_294, %min3A_329 : vector<65x128xf32>
    %add3A_332 = arith.addf %reduce_sum3A_283, %mul3A_331 : vector<65x128xf32>
    %sub3A_333 = arith.constant 1.000000e+00 : f32
    %sub3A_334 = vector.broadcast %sub3A_333 : f32 to vector<65x128xf32>
    %sub3A_335 = arith.subf %sub3A_334, %min3A_329 : vector<65x128xf32>
    %mul3A_336 = arith.mulf %reduce_sum3A_283, %sub3A_335 : vector<65x128xf32>
    %add3A_337 = arith.addf %add3A_332, %mul3A_336 : vector<65x128xf32>
    %mul3A_338 = arith.mulf %sub3A_330, %add3A_337 : vector<65x128xf32>
    %div3A_339 = arith.constant 2.000000e+00 : f32
    %div3A_340 = vector.broadcast %div3A_339 : f32 to vector<65x128xf32>
    %div3A_341 = arith.divf %mul3A_338, %div3A_340 : vector<65x128xf32>
    %add3A_342 = arith.addf %reduce_max3A_245, %div3A_341 : vector<65x128xf32>
    %slice3A_343 = vector.extract_strided_slice %add3A_342 {offsets = [1, 0], sizes = [64, 128], strides = [1, 1]} : vector<65x128xf32> to vector<64x128xf32>
    %slice3A_344 = vector.extract_strided_slice %add3A_342 {offsets = [0, 0], sizes = [64, 128], strides = [1, 1]} : vector<65x128xf32> to vector<64x128xf32>
    %sub3A_345 = arith.subf %slice3A_343, %slice3A_344 : vector<64x128xf32>
    %sub3A_346 = arith.subf %sub3A_345, %get3A_227 : vector<64x128xf32>
    %max3A_347 = arith.constant 0.000000e+00 : f32
    %max3A_348 = vector.broadcast %max3A_347 : f32 to vector<64x128xf32>
    %max3A_349 = arith.maximumf %sub3A_346, %max3A_348 : vector<64x128xf32>
    %integer_pow3A_350 = arith.mulf %max3A_349, %max3A_349 : vector<64x128xf32>
    %add3A_351 = arith.constant 9.99999974E-6 : f32
    %add3A_352 = vector.broadcast %add3A_351 : f32 to vector<64x128xf32>
    %add3A_353 = arith.addf %get3A_227, %add3A_352 : vector<64x128xf32>
    %div3A_354 = arith.divf %integer_pow3A_350, %add3A_353 : vector<64x128xf32>
    %reduce_sum3A_355 = arith.constant dense<0.000000e+00> : vector<128xf32>
    %reduce_sum3A_356 = vector.multi_reduction <add>, %div3A_354, %reduce_sum3A_355 [0] : vector<64x128xf32> to vector<128xf32>
    %add3A_357 = arith.addf %add3A_221, %reduce_sum3A_356 : vector<128xf32>
    %slice3A_358 = vector.extract_strided_slice %get3A_3 {offsets = [1, 0], sizes = [32, 128], strides = [1, 1]} : vector<33x128xf32> to vector<32x128xf32>
    %slice3A_359 = vector.extract_strided_slice %get3A_3 {offsets = [0, 0], sizes = [32, 128], strides = [1, 1]} : vector<33x128xf32> to vector<32x128xf32>
    %add3A_360 = arith.addf %slice3A_358, %slice3A_359 : vector<32x128xf32>
    %div3A_361 = arith.constant 2.000000e+00 : f32
    %div3A_362 = vector.broadcast %div3A_361 : f32 to vector<32x128xf32>
    %div3A_363 = arith.divf %add3A_360, %div3A_362 : vector<32x128xf32>
    %broadcast_in_dim3A_364 = vector.shape_cast %div3A_363 : vector<32x128xf32> to vector<32x1x128xf32>
    %broadcast_in_dim3A_365 = vector.shape_cast %div3A_363 : vector<32x128xf32> to vector<1x32x128xf32>
    %sub3A_366 = vector.broadcast %broadcast_in_dim3A_364 : vector<32x1x128xf32> to vector<32x32x128xf32>
    %sub3A_367 = vector.broadcast %broadcast_in_dim3A_365 : vector<1x32x128xf32> to vector<32x32x128xf32>
    %sub3A_368 = arith.subf %sub3A_366, %sub3A_367 : vector<32x32x128xf32>
    %abs3A = math.absf %sub3A_368 : vector<32x32x128xf32>
    %broadcast_in_dim3A_369 = vector.shape_cast %get3A_6 : vector<32x128xf32> to vector<1x32x128xf32>
    %mul3A_370 = vector.broadcast %broadcast_in_dim3A_369 : vector<1x32x128xf32> to vector<32x32x128xf32>
    %mul3A_371 = arith.mulf %mul3A_370, %abs3A : vector<32x32x128xf32>
    %reduce_sum3A_372 = arith.constant dense<0.000000e+00> : vector<32x128xf32>
    %reduce_sum3A_373 = vector.multi_reduction <add>, %mul3A_371, %reduce_sum3A_372 [1] : vector<32x32x128xf32> to vector<32x128xf32>
    %mul3A_374 = arith.mulf %get3A_6, %reduce_sum3A_373 : vector<32x128xf32>
    %reduce_sum3A_375 = arith.constant dense<0.000000e+00> : vector<128xf32>
    %reduce_sum3A_376 = vector.multi_reduction <add>, %mul3A_374, %reduce_sum3A_375 [0] : vector<32x128xf32> to vector<128xf32>
    %integer_pow3A_377 = arith.mulf %get3A_6, %get3A_6 : vector<32x128xf32>
    %slice3A_378 = vector.extract_strided_slice %get3A_3 {offsets = [1, 0], sizes = [32, 128], strides = [1, 1]} : vector<33x128xf32> to vector<32x128xf32>
    %slice3A_379 = vector.extract_strided_slice %get3A_3 {offsets = [0, 0], sizes = [32, 128], strides = [1, 1]} : vector<33x128xf32> to vector<32x128xf32>
    %sub3A_380 = arith.subf %slice3A_378, %slice3A_379 : vector<32x128xf32>
    %mul3A_381 = arith.mulf %integer_pow3A_377, %sub3A_380 : vector<32x128xf32>
    %reduce_sum3A_382 = arith.constant dense<0.000000e+00> : vector<128xf32>
    %reduce_sum3A_383 = vector.multi_reduction <add>, %mul3A_381, %reduce_sum3A_382 [0] : vector<32x128xf32> to vector<128xf32>
    %div3A_384 = arith.constant 3.000000e+00 : f32
    %div3A_385 = vector.broadcast %div3A_384 : f32 to vector<128xf32>
    %div3A_386 = arith.divf %reduce_sum3A_383, %div3A_385 : vector<128xf32>
    %abs3A_387 = math.absf %reduce_sum3A_376 : vector<128xf32>
    %abs3A_388 = math.absf %div3A_386 : vector<128xf32>
    %add3A_389 = arith.addf %abs3A_387, %abs3A_388 : vector<128xf32>
    %get3A_390 = arith.constant 0 : index
    %get3A_391 = arith.constant 0 : index
    %get3A_392 = vector.load %arg7[%get3A_390, %get3A_391] : memref<3x128xf32, #tpu.memory_space<vmem>>, vector<3x128xf32>
    %get3A_393 = arith.constant 0 : index
    %get3A_394 = arith.constant 0 : index
    %get3A_395 = vector.load %arg8[%get3A_393, %get3A_394] : memref<3x128xf32, #tpu.memory_space<vmem>>, vector<3x128xf32>
    %sub3A_396 = arith.subf %get3A_392, %get3A_395 : vector<3x128xf32>
    %integer_pow3A_397 = arith.mulf %sub3A_396, %sub3A_396 : vector<3x128xf32>
    %reduce_sum3A_398 = arith.constant dense<0.000000e+00> : vector<128xf32>
    %reduce_sum3A_399 = vector.multi_reduction <add>, %integer_pow3A_397, %reduce_sum3A_398 [0] : vector<3x128xf32> to vector<128xf32>
    %broadcast_in_dim3A_400 = arith.constant 0.000000e+00 : f32
    %broadcast_in_dim3A_401 = vector.broadcast %broadcast_in_dim3A_400 : f32 to vector<5x128xf32>
    %get3A_402 = arith.constant 0 : index
    %get3A_403 = arith.constant 0 : index
    %get3A_404 = vector.load %arg9[%get3A_402, %get3A_403] : memref<8x128xf32, #tpu.memory_space<vmem>>, vector<8x128xf32>
    %broadcast_in_dim3A_405 = vector.shape_cast %reduce_sum3A_399 : vector<128xf32> to vector<1x128xf32>
    %broadcast_in_dim3A_406 = vector.shape_cast %add3A_357 : vector<128xf32> to vector<1x128xf32>
    %broadcast_in_dim3A_407 = vector.shape_cast %add3A_389 : vector<128xf32> to vector<1x128xf32>
    %concatenate3A_408 = tpu.concatenate %broadcast_in_dim3A_405, %broadcast_in_dim3A_406, %broadcast_in_dim3A_407, %broadcast_in_dim3A_401 in 0 : vector<1x128xf32>, vector<1x128xf32>, vector<1x128xf32>, vector<5x128xf32> -> vector<8x128xf32>
    %add3A_409 = arith.addf %get3A_404, %concatenate3A_408 : vector<8x128xf32>
    %swap3A = arith.constant 0 : index
    %swap3A_410 = arith.constant 0 : index
    %swap3A_411 = vector.load %arg9[%swap3A, %swap3A_410] : memref<8x128xf32, #tpu.memory_space<vmem>>, vector<8x128xf32>
    tpu.vector_store %arg9[%swap3A, %swap3A_410], %add3A_409 {strides = array<i32>} : memref<8x128xf32, #tpu.memory_space<vmem>>, vector<8x128xf32>,
    return
  }
  func.func @transform_0(%arg0: i32) -> (i32, i32) {
    %c0_i32 = arith.constant 0 : i32
    %c0_i32_0 = arith.constant 0 : i32
    return %c0_i32, %arg0 : i32, i32
  }
  func.func @transform_1(%arg0: i32) -> (i32, i32) {
    %c0_i32 = arith.constant 0 : i32
    %c0_i32_0 = arith.constant 0 : i32
    return %c0_i32, %arg0 : i32, i32
  }
  func.func @transform_2(%arg0: i32) -> (i32, i32) {
    %c0_i32 = arith.constant 0 : i32
    %c0_i32_0 = arith.constant 0 : i32
    return %c0_i32, %arg0 : i32, i32
  }
  func.func @transform_3(%arg0: i32) -> (i32, i32) {
    %c0_i32 = arith.constant 0 : i32
    %c0_i32_0 = arith.constant 0 : i32
    return %c0_i32, %arg0 : i32, i32
  }
  func.func @transform_4(%arg0: i32) -> (i32, i32) {
    %c0_i32 = arith.constant 0 : i32
    %c0_i32_0 = arith.constant 0 : i32
    return %c0_i32, %arg0 : i32, i32
  }
  func.func @transform_5(%arg0: i32) -> (i32, i32) {
    %c0_i32 = arith.constant 0 : i32
    %c0_i32_0 = arith.constant 0 : i32
    return %c0_i32, %arg0 : i32, i32
  }
  func.func @transform_6(%arg0: i32) -> (i32, i32) {
    %c0_i32 = arith.constant 0 : i32
    %c0_i32_0 = arith.constant 0 : i32
    return %c0_i32, %arg0 : i32, i32
  }
  func.func @transform_7(%arg0: i32) -> (i32, i32) {
    %c0_i32 = arith.constant 0 : i32
    %c0_i32_0 = arith.constant 0 : i32
    return %c0_i32, %arg0 : i32, i32
  }
  func.func @transform_8(%arg0: i32) -> (i32, i32) {
    %c0_i32 = arith.constant 0 : i32
    %c0_i32_0 = arith.constant 0 : i32
    %c0_i32_1 = arith.constant 0 : i32
    return %c0_i32, %c0_i32_0 : i32, i32
  }
}

</mosaic_0001>

<sc_bundles>
// kernel: kernel.5.cloned.1.call-start
scs
__scs_entry_jumppad:
0x0: {  	(pc) =	sbr.rel $0x88, $3  }
0x1: {  	(tag) =	ssettag $0x0;
	lr =	simm.s32 $0x1  }
0x2: {  	[smem:$0x3F95] =	sst lr;
	_ =	strace $0xD0000000  }
0x3: {  	_ = 	snop  }
0x4: {  	_ = 	snop  }
0x5: {  	_ = 	snop  }
0x6: {  	_ = 	snop  }
0x7: {  	_ = 	snop  }
__scs_overlays_trampoline_lowered:
0x8: {  	[smem:$0x3FA4] =	sst s0  }
0x9: {  	[smem:$0x3FA5] =	sst s1  }
0xa: {  	[smem:$0x3FA6] =	sst s2  }
0xb: {  	[smem:$0x3FA7] =	sst s3  }
0xc: {  	[smem:$0x3FA8] =	sst s4  }
0xd: {  	[smem:$0x3FA9] =	sst s5  }
0xe: {  	[smem:$0x3FAA] =	sst s6  }
0xf: {  	[smem:$0x3FAB] =	sst s7  }
0x10: {  	[smem:$0x3FAC] =	sst s8  }
0x11: {  	[smem:$0x3FAD] =	sst s9;
	s0 =	simm.s32 @!p0 $0x0  }
0x12: {  	s1 =	sld [smem:$0x3F93];
	s0 =	simm.s32 @p0 $0x1  }
0x13: {  	[smem:$0x3FAE] =	sst s0;
	s0 =	simm.s32 @!p1 $0x0  }
0x14: {  	s2 =	sld [smem:$0x3F92];
	s0 =	simm.s32 @p1 $0x1  }
0x15: {  	[smem:$0x3FAF] =	sst s0;
	s0 =	simm.s32 @!p2 $0x0  }
0x16: {  	s3 =	sld [smem:$0x3FDB];
	s0 =	simm.s32 @p2 $0x1  }
0x17: {  	s4 =	simm.s32 $0x1BF5;
	[smem:$0x3FB1] =	sst s0  }
0x18: {  	s0 =	sld [smem:$0x3F94];
	_ =	swait.ge [sflag:s4], $0x0  }
0x19: {  	s7 =	sld [smem:$0x3F95]  }
0x1a: {  	s8 =	sadd.s32 $0xFFFFE003, lr  }
0x1b: {  	s9 =	sadd.s32 $0xFFFFFEF7, lr;
	s5 =	simm.s32 $0xFFFFFFFF;
	p2 =	slt.u32 s8, $0xFFFFF086  }
0x1c: {  	p1 =	slt.u32 s9, $0xF7A;
	s5 =	simm.s32 @!p2 $0x0  }
0x1d: {  	s5 =	simm.s32 @p1 $0x1;
	p0 =	seq.s32 s7, s2  }
0x1e: {  	s7 =	smul.u32 @!p0 $0xF7A, s2;
	p2 =	seq.s32 @!p0 s5, $0x0  }
0x1f: {  	s9 =	smul.u32 $0xF7A, s1;
	s8 =	simm.s32 @!p0 $0x1BF5;
	p2 =	por !p2, p0  }
0x20: {  	[sflag:s8] =	ssyncset.s32 @!p0 $0xFFFFF086;
	s6 =	sadd.s32 @!p0 s3, s7;
	s7 =	simm.s32 @!p0 $0x108  }
0x21: {  	s3 =	sadd.s32 s3, s9;
	s6 =	sadd.s32 @!p0 $0x88, s6;
	s7 =	simm.s32 @p2 $0x1082  }
0x22: {  	[simem:s7], [sflag:s8] =	dma.local @!p0 [hbm:s6], $0xF7A  }
0x23: {  	s9 =	sor.u32 $0xD0000000, s2;
	s6 =	simm.s32 $0x108;
	_ =	swait.ge @!p0 [sflag:s8], $0x0  }
0x24: {  	s3 =	sadd.s32 $0x88, s3;
	s6 =	simm.s32 @!p1 $0x1082;
	[sflag:s4] =	ssyncset.s32 $0xFFFFF086  }
0x25: {  	[simem:s6], [sflag:s4] =	dma.local [hbm:s3], $0xF7A  }
0x26: {  	[smem:$0x3F95] =	sst s1;
	(tag) =	ssettag s2;
	_ =	strace s9  }
0x27: {  	s1 =	sld [smem:$0x3FA5]  }
0x28: {  	s2 =	sld [smem:$0x3FA6]  }
0x29: {  	s4 =	sld [smem:$0x3FA8]  }
0x2a: {  	p0 =	seq.s32 s5, $0x0;
	s5 =	sld [smem:$0x3FA9]  }
0x2b: {  	s6 =	sld [smem:$0x3FAA]  }
0x2c: {  	s7 =	sld [smem:$0x3FAB]  }
0x2d: {  	s3 =	simm.s32 $0x108;
	s8 =	sld [smem:$0x3FAC]  }
0x2e: {  	s3 =	simm.s32 @!p0 $0x1082;
	s9 =	sld [smem:$0x3FAD]  }
0x2f: {  	lr =	sadd.s32 s0, s3;
	s0 =	sld [smem:$0x3FA4]  }
0x30: {  	s3 =	sld [smem:$0x3FA7]  }
0x31: {  	[smem:$0x3FB0] =	sst s10  }
0x32: {  	s10 =	sld [smem:$0x3FAE];
	_ =	sdelay $0x3  }
0x33: {  	p0 =	seq.s32 s10, $0x1;
	s10 =	sld [smem:$0x3FB0];
	_ =	sdelay $0x3  }
0x34: {  	[smem:$0x3FB0] =	sst s10  }
0x35: {  	s10 =	sld [smem:$0x3FAF];
	_ =	sdelay $0x3  }
0x36: {  	p1 =	seq.s32 s10, $0x1;
	s10 =	sld [smem:$0x3FB0];
	_ =	sdelay $0x3  }
0x37: {  	[smem:$0x3FB0] =	sst s10  }
0x38: {  	s10 =	sld [smem:$0x3FB1]  }
0x39: {  	_ = 	snop;
	(pc) =	sbr.ind lr, $3  }
0x3a: {  	_ = 	snop  }
0x3b: {  	_ = 	snop  }
0x3c: {  	p2 =	seq.s32 s10, $0x1;
	s10 =	sld [smem:$0x3FB0]  }
0x3d: {  	_ =	shalt  }
0x3e: {  	_ =	shalt  }
0x3f: {  	_ =	shalt  }
0x40: {  	_ =	shalt  }
0x41: {  	_ =	shalt  }
0x42: {  	_ =	shalt  }
0x43: {  	_ =	shalt  }
0x44: {  	_ =	shalt  }
0x45: {  	_ =	shalt  }
0x46: {  	_ =	shalt  }
0x47: {  	_ =	shalt  }
0x48: {  	_ =	shalt  }
0x49: {  	_ =	shalt  }
0x4a: {  	_ =	shalt  }
0x4b: {  	_ =	shalt  }
0x4c: {  	_ =	shalt  }
0x4d: {  	_ =	shalt  }
0x4e: {  	_ =	shalt  }
0x4f: {  	_ =	shalt  }
0x50: {  	_ =	shalt  }
0x51: {  	_ =	shalt  }
0x52: {  	_ =	shalt  }
0x53: {  	_ =	shalt  }
0x54: {  	_ =	shalt  }
0x55: {  	_ =	shalt  }
0x56: {  	_ =	shalt  }
0x57: {  	_ =	shalt  }
0x58: {  	_ =	shalt  }
0x59: {  	_ =	shalt  }
0x5a: {  	_ =	shalt  }
0x5b: {  	_ =	shalt  }
0x5c: {  	_ =	shalt  }
0x5d: {  	_ =	shalt  }
0x5e: {  	_ =	shalt  }
0x5f: {  	_ =	shalt  }
0x60: {  	_ =	shalt  }
0x61: {  	_ =	shalt  }
0x62: {  	_ =	shalt  }
0x63: {  	_ =	shalt  }
0x64: {  	_ =	shalt  }
0x65: {  	_ =	shalt  }
0x66: {  	_ =	shalt  }
0x67: {  	_ =	shalt  }
0x68: {  	_ =	shalt  }
0x69: {  	_ =	shalt  }
0x6a: {  	_ =	shalt  }
0x6b: {  	_ =	shalt  }
0x6c: {  	_ =	shalt  }
0x6d: {  	_ =	shalt  }
0x6e: {  	_ =	shalt  }
0x6f: {  	_ =	shalt  }
0x70: {  	_ =	shalt  }
0x71: {  	_ =	shalt  }
0x72: {  	_ =	shalt  }
0x73: {  	_ =	shalt  }
0x74: {  	_ =	shalt  }
0x75: {  	_ =	shalt  }
0x76: {  	_ =	shalt  }
0x77: {  	_ =	shalt  }
0x78: {  	_ =	shalt  }
0x79: {  	_ =	shalt  }
0x7a: {  	_ =	shalt  }
0x7b: {  	_ =	shalt  }
0x7c: {  	_ =	shalt  }
0x7d: {  	_ =	shalt  }
0x7e: {  	_ =	shalt  }
0x7f: {  	_ =	shalt  }
0x80: {  	_ =	shalt  }
0x81: {  	_ =	shalt  }
0x82: {  	_ =	shalt  }
0x83: {  	_ =	shalt  }
0x84: {  	_ =	shalt  }
0x85: {  	_ =	shalt  }
0x86: {  	_ =	shalt  }
0x87: {  	_ =	shalt  }
.Lfunc_end0:
.L_simem_size_0:
called_computation_lowered:
.L_overlay_start_0:
0x88: {  	s2 =	sld [smem:$0x3FD9]  }
0x89: {  	s3 =	sld [smem:$0x3FFE];
	_ =	sdelay $0x1  }
0x8a: {  	s1 =	srdreg.scid  }
0x8b: {  	s0 =	sand.u32 $0x1, s1  }
0x8c: {  	s17 =	sshll.u32 s0, $0xA;
	s2 =	sadd.s32 s3, s2  }
0x8d: {  	s2 =	sadd.s32 s2, s17  }
0x8e: {  	[smem:$0x3FBC] =	sst s2  }
0x8f: {  	_ = 	snop  }
0x90: {  	s2 =	sld [smem:$0x3FC0]  }
0x91: {  	s18 =	sld [smem:$0x3FBE];
	(tm) =	ssettm $0x1  }
0x92: {  	s4 =	sld [smem:$0x3FFB];
	_ =	sdelay $0x3  }
0x93: {  	_ =	strace s4  }
0x94: {  	s4 =	sld [smem:$0x3FFC];
	_ =	sdelay $0x3  }
0x95: {  	_ =	strace s4  }
0x96: {  	s4 =	sld [smem:$0x3FFD];
	_ =	sdelay $0x3  }
0x97: {  	_ =	strace s4  }
0x98: {  	_ =	strace $0x8FFFFFFF  }
0x99: {  	s19 =	sld [smem:$0x3FDB];
	_ =	sdelay $0x1  }
0x9a: {  	s5 =	simm.s32 $_scs_section_size  }
0x9b: {  	s6 =	simm.s32 $_size__tile_overlayer_lowered;
	s7 =	simm.s32 $_tile_overlayer_lowered  }
0x9c: {  	s22 =	simm.s32 $0x1BFF;
	s21 =	sshll.u32 s7, $0x1;
	s4 =	sadd.s32 s5, s19  }
0x9d: {  	s8 =	simm.s32 $0x0;
	s20 =	sshll.u32 s6, $0x1;
	s6 =	sadd.s32 s21, s4  }
0x9e: {  	[timem:s8], [sflag:s22] =	dma.local [hbm:s6], s20  }
0x9f: {  	_ =	swait.ge [sflag:s22], s20  }
0xa0: {  	s5 =	ssub.s32 $0x0, s20;
	[sflag:s22] =	ssyncset.done $0x0  }
0xa1: {  	[sflag:s22] =	ssyncadd.s32 s5;
	_ =	sdelay $0x1  }
0xa2: {  	s23 =	simm.s32 $0x1B8B  }
0xa3: {  	_ =	swait.ge [sflag:s23], $0x1  }
0xa4: {  	[sflag:s23] =	ssyncset.done $0x0  }
0xa5: {  	s25 =	simm.s32 $0x1B8E;
	s24 =	sld [smem:$0x3FFE];
	[sflag:s23] =	ssyncadd.s32 $0xFFFFFFFF  }
0xa6: {  	s26 =	simm.s32 $execute0_lowered;
	[smem:$0x3FD2] =	sst s25  }
0xa7: {  	s6 =	sshll.u32 s26, $0x1;
	_ =	strace $0x80000046;
	[dreg:$0x1] =	wrdreg $0xFFFFFFFF  }
0xa8: {  	s28 =	simm.s32 $_size_execute0_lowered;
	s4 =	sadd.s32 s4, s6;
	[dreg:$0x0] =	wrdreg $0x0  }
0xa9: {  	s6 =	sshll.u32 s28, $0x1;
	[dreg:$0x2] =	wrdreg s4  }
0xaa: {  	[dreg:$0x3] =	wrdreg s6  }
0xab: {  	[dreg:$0x4] =	wrdreg $0xC0  }
0xac: {  	_ =	task [dreg:s8], $0x5FFFF  }
0xad: {  	[dreg:$0x1] =	wrdreg $0xFFFFFFFF  }
0xae: {  	[dreg:$0x0] =	wrdreg $0x60  }
0xaf: {  	[dreg:$0x2] =	wrdreg s24  }
0xb0: {  	[dreg:$0x3] =	wrdreg s2  }
0xb1: {  	[dreg:$0x4] =	wrdreg s18  }
0xb2: {  	[dreg:$0x5] =	wrdreg $0xF0000  }
0xb3: {  	[dreg:$0x6] =	wrdreg $0xF1000  }
0xb4: {  	[dreg:$0x7] =	wrdreg $0x9  }
0xb5: {  	_ =	task.clear_ibuf [dreg:s8], $0x8FFFF;
	_ =	strace $0x90000046  }
0xb6: {  	s29 =	simm.s32 $0x9;
	_ =	strace $0x80000048  }
0xb7: {  	_ =	swait.ge [sflag:s29], $0x1  }
0xb8: {  	[sflag:s29] =	ssyncadd.s32 $0xFFFFFFFF  }
0xb9: {  	_ =	strace $0x90000048  }
0xba: {  	_ =	sfence  }
0xbb: {  	s30 =	sld [smem:$0x0];
	_ =	sdelay $0x2  }
0xbc: {  	s31 =	sshll.u32 s1, $0xD;
	s1 =	sshrl.u32 s1, $0x2  }
0xbd: {  	s3 =	sand.u32 $0x4000, s31;
	s1 =	sadd.s32 s1, s30  }
0xbe: {  	s0 =	sor.u32 s3, s0;
	s1 =	sshll.u32 s1, $0x11  }
0xbf: {  	s0 =	sor.u32 s1, s0  }
0xc0: {  	s0 =	sadd.s32 $0x8F2B, s0  }
0xc1: {  	[sflag:s0] =	ssyncadd.remote.s32 $0x1  }
0xc2: {  	_ =	sfence.sel $0xFFFF  }
0xc3: {  	[dreg:$0x0] =	wrdreg $0xFFFFFFFF;
	(pc) =	sbr.abs _section_cstart, $3  }
0xc4: {  	[dreg:$0x1] =	wrdreg $0xFFFFFFFF  }
0xc5: {  	_ =	task.clear_ibuf [dreg:s8], $0x2FFFF;
	_ =	strace $0x9FFFFFFF  }
0xc6: {  	(tm) =	ssettm $0x7FFFFFFF  }
0xc7: {  	_ =	shalt  }
tec
execute0_lowered:
.L_overlay_start_1:
0x0: {  	(tag) =	ssettag $0x1  }
0x1: {  	s0 =	srdreg.scid  }
0x2: {  	s3 =	sand.u32 $0x1, s0  }
0x3: {  	s2 =	rddreg [dreg:$0x0];
	s0 =	stileid.u32;
	s1 =	ssub.s32 $0x2, s3  }
0x4: {  	s7 =	sshll.u32 s3, $0x11;
	s8 =	sshll.u32 s0, $0xD;
	s6 =	sshrl.u32 s1, $0x1  }
0x5: {  	s4 =	rddreg [dreg:$0x1];
	s1 =	ssub.s32 s1, s6;
	s6 =	sor.u32 s8, s7  }
0x6: {  	s5 =	sadd.s32 $0xC2200, s2;
	s7 =	sadd.s32 s4, s6  }
0x7: {  	s9 =	sadd.s32 $0x82200, s2;
	s14 =	sadd.s32 s5, s6;
	[dreg:$0x6] =	wrdreg s7  }
0x8: {  	s8 =	sor.u32 $0x800, s6;
	s24 =	sadd.s32 s9, s6;
	[dreg:$0x7] =	wrdreg s14  }
0x9: {  	s10 =	sadd.s32 s4, s8;
	[dreg:$0x16] =	wrdreg s24  }
0xa: {  	s13 =	sor.u32 $0x1800, s6;
	s17 =	sadd.s32 s5, s8;
	[dreg:$0xa] =	wrdreg s10  }
0xb: {  	s19 =	sadd.s32 s4, s13;
	[dreg:$0xb] =	wrdreg s17  }
0xc: {  	s22 =	sadd.s32 s5, s13;
	[dreg:$0x10] =	wrdreg s19  }
0xd: {  	s7 =	sor.u32 $0x400, s6;
	s26 =	sadd.s32 s9, s8;
	[dreg:$0x14] =	wrdreg s22  }
0xe: {  	s15 =	sadd.s32 s4, s7;
	[dreg:$0x18] =	wrdreg s26  }
0xf: {  	s16 =	sadd.s32 s5, s7;
	[dreg:$0x8] =	wrdreg s15  }
0x10: {  	s10 =	sor.u32 $0xC00, s6;
	s25 =	sadd.s32 s9, s7;
	[dreg:$0x9] =	wrdreg s16  }
0x11: {  	s11 =	sadd.s32 s4, s10;
	[dreg:$0x17] =	wrdreg s25  }
0x12: {  	s17 =	sor.u32 $0x1C00, s6;
	s18 =	sadd.s32 s5, s10;
	[dreg:$0xc] =	wrdreg s11  }
0x13: {  	s23 =	sadd.s32 s5, s17;
	[dreg:$0xd] =	wrdreg s18  }
0x14: {  	s16 =	sadd.s32 s9, s13;
	[dreg:$0x15] =	wrdreg s23  }
0x15: {  	s11 =	sor.u32 $0x1000, s6;
	[dreg:$0x1c] =	wrdreg s16;
	s18 =	sadd.s32 s9, s17  }
0x16: {  	s12 =	sadd.s32 s4, s11;
	[dreg:$0x1d] =	wrdreg s18  }
0x17: {  	s20 =	sadd.s32 s5, s11;
	[dreg:$0xe] =	wrdreg s12;
	s12 =	sor.u32 $0x1400, s6  }
0x18: {  	[dreg:$0x12] =	wrdreg s20;
	s14 =	sadd.s32 s4, s12  }
0x19: {  	s4 =	sadd.s32 s4, s17;
	[dreg:$0xf] =	wrdreg s14  }
0x1a: {  	s21 =	sadd.s32 s5, s12;
	[dreg:$0x11] =	wrdreg s4  }
0x1b: {  	s5 =	sadd.s32 s9, s10;
	[dreg:$0x13] =	wrdreg s21  }
0x1c: {  	s15 =	sadd.s32 s9, s12;
	[dreg:$0x19] =	wrdreg s5  }
0x1d: {  	[dreg:$0x1b] =	wrdreg s15  }
0x1e: {  	s14 =	sadd.s32 s9, s11;
	s4 =	rddreg [dreg:$0x2]  }
0x1f: {  	s5 =	sadd.s32 $0x42200, s2;
	[dreg:$0x1a] =	wrdreg s14;
	s19 =	sadd.s32 s4, s6  }
0x20: {  	s9 =	sadd.s32 $0x2200, s2;
	s20 =	sadd.s32 s5, s6;
	[dreg:$0x1e] =	wrdreg s19  }
0x21: {  	s6 =	sadd.s32 s9, s6;
	[dreg:$0x1f] =	wrdreg s20  }
0x22: {  	s21 =	sadd.s32 s4, s7;
	[smem:$0x7EB] =	sst s6  }
0x23: {  	s22 =	sadd.s32 s5, s7;
	[smem:$0x7EC] =	sst s21  }
0x24: {  	s23 =	sadd.s32 s9, s7;
	[smem:$0x7ED] =	sst s22  }
0x25: {  	s24 =	sadd.s32 s4, s8;
	[smem:$0x7EE] =	sst s23  }
0x26: {  	s25 =	sadd.s32 s5, s8;
	[smem:$0x7EF] =	sst s24  }
0x27: {  	s26 =	sadd.s32 s9, s8;
	[smem:$0x7F0] =	sst s25  }
0x28: {  	s7 =	sadd.s32 s4, s10;
	[smem:$0x7F1] =	sst s26  }
0x29: {  	s28 =	simm.s32 $0x1;
	s8 =	sadd.s32 s5, s10;
	[smem:$0x7F2] =	sst s7  }
0x2a: {  	s29 =	simm.s32 $0x3;
	s14 =	sadd.s32 s9, s10;
	[smem:$0x7F3] =	sst s8  }
0x2b: {  	s30 =	simm.s32 $0x5;
	s15 =	sadd.s32 s4, s11;
	[smem:$0x7F4] =	sst s14  }
0x2c: {  	s31 =	simm.s32 $0x2000;
	s16 =	sadd.s32 s5, s11;
	[smem:$0x7F5] =	sst s15  }
0x2d: {  	s3 =	sshll.u32 s3, $0x4;
	s18 =	sadd.s32 s9, s11;
	[smem:$0x7F6] =	sst s16  }
0x2e: {  	p0 =	sne.s32 s0, $0x0;
	s0 =	simm.s32 $0x6000;
	[smem:$0x7F7] =	sst s18  }
0x2f: {  	s19 =	sadd.s32 s4, s12;
	s20 =	sadd.s32 s5, s12;
	s18 =	rddreg [dreg:$0x3]  }
0x30: {  	s21 =	sadd.s32 s9, s12;
	s22 =	sadd.s32 s4, s13;
	[smem:$0x7F8] =	sst s19  }
0x31: {  	s23 =	sadd.s32 s5, s13;
	s24 =	sadd.s32 s9, s13;
	[smem:$0x7F9] =	sst s20  }
0x32: {  	s14 =	sadd.s32 s4, s17;
	s15 =	simm.s32 $0x0;
	[smem:$0x7FA] =	sst s21  }
0x33: {  	s16 =	sadd.s32 s5, s17;
	s25 =	sadd.s32 $0x102200, s2;
	[smem:$0x7FB] =	sst s22  }
0x34: {  	s17 =	sadd.s32 s9, s17;
	s2 =	sadd.s32 $0x102A00, s2;
	[smem:$0x7FC] =	sst s23  }
0x35: {  	s26 =	sor.u32 $0x400, s3;
	s4 =	simm.s32 $0x2;
	[smem:$0x7FD] =	sst s24  }
0x36: {  	s5 =	simm.s32 $0x4;
	s6 =	simm.s32 $0x6;
	[smem:$0x7FF] =	sst s15  }
0x37: {  	s19 =	sadd.s32 s25, s3;
	s20 =	sadd.s32 s2, s3;
	s21 =	sadd.s32 s25, s26  }
0x38: {  	s22 =	rddreg [dreg:$0x4];
	s23 =	sadd.s32 s2, s26;
	s24 =	smax.u32 s1, $0x1  }
0x39: {  	s25 =	simm.s32 $0x4000;
	s26 =	simm.s32 $0x8000;
	s1 =	simm.s32 $0xA000  }
0x3a: {  	v0 =	vimm.f32 $1.000000000e+00;
	v1 =	vimm.f32 $0.0e+00;
	s2 =	simm.s32 $0x7;
	s3 =	simm.s32 $0xC000;
	_ =	strace $0x80000047  }
.LBB2_1:
0x3b: {  	s7 =	simm.s32 $0x0  }
.LBB2_2:
0x3c: {  	p1 =	sne.s32 s7, $0x7FC0  }
.Ltmp0:
0x3d: {  	_ = 	snop;
	(pc) =	sbr.rel @p1 .LBB2_2-.Ltmp0, $3  }
0x3e: {  	_ =	sdelay $0x1  }
0x3f: {  	s8 =	sshra.s32 s7, $0x2  }
0x40: {  	s7 =	sadd.s32 $0x40, s7;
	[tilespmem:s8+$0xC000] =	vst v0  }
0x41: {  	s7 =	simm.s32 $0x40;
	s8 =	simm.s32 $0x0  }
.LBB2_4:
0x42: {  	p1 =	sne.s32 s7, $0x3FC0;
	[tilespmem:s8+$0xE000] =	vst v1;
	s8 =	smov.u32 s7;
	s7 =	sadd.s32 $0x40, s7  }
.Ltmp1:
0x43: {  	(pc) =	sbr.rel @p1 .LBB2_4-.Ltmp1, $2  }
0x44: {  	_ =	sdelay $0x2  }
0x45: {  	s8 =	sshra.s32 s8, $0x2  }
0x46: {  	[tilespmem:s8+$0xE000] =	vst v1;
	s7 =	simm.s32 @!p0 $0xE000;
	s8 =	simm.s32 @!p0 $0x7  }
0x47: {  	[spmem:s18] =	stream.linear.scatter @!p0 [tilespmem:s7], [sflag:$0x7], $0x1000, $0x38;
	[tilespmem:$0xF200] =	vst v63  }
0x48: {  	_ =	swait.ge @!p0 [sflag:s8], $0x1000  }
0x49: {  	[sflag:s8] =	ssyncset.done @!p0 $0x0  }
0x4a: {  	[sflag:s8] =	ssyncadd.s32 @!p0 $0xFFFFF000  }
0x4b: {  	[spmem:s22] =	stream.linear.scatter @!p0 [tilespmem:s7], [sflag:$0x7], $0x1000, $0x38;
	[tilespmem:$0xF200] =	vst v63  }
0x4c: {  	_ =	swait.ge @!p0 [sflag:s8], $0x1000  }
0x4d: {  	[sflag:s8] =	ssyncset.done @!p0 $0x0  }
0x4e: {  	[sflag:s8] =	ssyncadd.s32 @!p0 $0xFFFFF000  }
0x4f: {  	[bflag:$0x0] =	sbarrier.arrive $0xFFFF  }
0x50: {  	s7 =	simm.s32 $0x0;
	s13 =	rddreg [dreg:$0x6]  }
0x51: {  	[tilespmem:s7], [sflag:$0x1] =	stream.linear.gather [hbm4b:s13+s7], $0x2000, $0x38;
	[tilespmem:$0xF200] =	vst v63  }
0x52: {  	s9 =	rddreg [dreg:$0x7]  }
0x53: {  	[tilespmem:s25], [sflag:$0x3] =	stream.linear.gather [hbm4b:s9+s7], $0x2000, $0x38;
	[tilespmem:$0xF200] =	vst v63  }
0x54: {  	s10 =	rddreg [dreg:$0x16]  }
0x55: {  	[tilespmem:s26], [sflag:$0x5] =	stream.linear.gather [hbm4b:s10+s7], $0x2000, $0x38;
	[tilespmem:$0xF200] =	vst v63  }
0x56: {  	_ =	swait.ge [sflag:s28], $0x2000  }
0x57: {  	[sflag:s28] =	ssyncset.done $0x0  }
0x58: {  	[sflag:s28] =	ssyncadd.s32 $0xFFFFE000  }
0x59: {  	_ =	swait.ge [sflag:s29], $0x2000  }
0x5a: {  	[sflag:s29] =	ssyncset.done $0x0  }
0x5b: {  	[sflag:s29] =	ssyncadd.s32 $0xFFFFE000  }
0x5c: {  	_ =	swait.ge [sflag:s30], $0x2000  }
0x5d: {  	[sflag:s30] =	ssyncset.done $0x0  }
0x5e: {  	s11 =	rddreg [dreg:$0x8];
	[sflag:s30] =	ssyncadd.s32 $0xFFFFE000  }
0x5f: {  	[tilespmem:s31], [sflag:$0x2] =	stream.linear.gather [hbm4b:s11+s7], $0x2000, $0x38;
	[tilespmem:$0xF200] =	vst v63  }
0x60: {  	s12 =	rddreg [dreg:$0x9]  }
0x61: {  	[tilespmem:s0], [sflag:$0x4] =	stream.linear.gather [hbm4b:s12+s7], $0x2000, $0x38;
	[tilespmem:$0xF200] =	vst v63  }
0x62: {  	s13 =	rddreg [dreg:$0x17]  }
0x63: {  	[tilespmem:s1], [sflag:$0x6] =	stream.linear.gather [hbm4b:s13+s7], $0x2000, $0x38;
	[tilespmem:$0xF200] =	vst v63  }
0x64: {  	s7 =	simm.s32 $0x0  }
0x65: {  	s8 =	simm.s32 $0x40;
	v2 =	vld [tilespmem:s7+$0x8000]  }
.LBB2_6:
0x66: {  	p1 =	sne.s32 s8, $0x7FC0;
	v3 =	vld [tilespmem:s7+$0x4000];
	_ =	sdelay $0x4  }
.Ltmp2:
0x67: {  	v2 =	vmul.f32 v2, v2;
	v3 =	vmul.f32 v3, v3;
	(pc) =	sbr.rel @p1 .LBB2_6-.Ltmp2, $4  }
0x68: {  	_ = 	snop  }
0x69: {  	v3 =	vadd.f32 v2, v3  }
0x6a: {  	s9 =	sshra.s32 s8, $0x2  }
0x6b: {  	s8 =	sadd.s32 $0x40, s8;
	v2 =	vld [tilespmem:s9+$0x8000];
	[tilespmem:s7+$0x4000] =	vst v3;
	s7 =	smov.u32 s9  }
0x6c: {  	v3 =	vld [tilespmem:s7+$0x4000];
	_ =	sdelay $0x4  }
0x6d: {  	v2 =	vmul.f32 v2, v2;
	v3 =	vmul.f32 v3, v3;
	_ =	sdelay $0x1  }
0x6e: {  	v2 =	vadd.f32 v2, v3;
	_ =	sdelay $0x1  }
0x6f: {  	s11 =	simm.s32 $0x0;
	[tilespmem:s7+$0x4000] =	vst v2  }
0x70: {  	[spmem:s18] =	stream.indirect.scatter.add.f32 [tilespmem:s25], [sflag:$0x7], $0x1, s11, s31, $0xb8;
	[tilespmem:$0xF200] =	vst v63  }
0x71: {  	_ =	swait.ge [sflag:s2], $0x2000  }
0x72: {  	[sflag:s2] =	ssyncset.done $0x0  }
0x73: {  	[sflag:s2] =	ssyncadd.s32 $0xFFFFE000  }
0x74: {  	[spmem:s22] =	stream.indirect.scatter.add.f32 [tilespmem:s3], [sflag:$0x7], $0x1, s11, s31, $0xb8;
	[tilespmem:$0xF200] =	vst v63  }
0x75: {  	_ =	swait.ge [sflag:s2], $0x2000  }
0x76: {  	[sflag:s2] =	ssyncset.done $0x0  }
0x77: {  	[sflag:s2] =	ssyncadd.s32 $0xFFFFE000  }
0x78: {  	_ =	swait.ge [sflag:s4], $0x2000  }
0x79: {  	[sflag:s4] =	ssyncset.done $0x0  }
0x7a: {  	[sflag:s4] =	ssyncadd.s32 $0xFFFFE000  }
0x7b: {  	_ =	swait.ge [sflag:s5], $0x2000  }
0x7c: {  	[sflag:s5] =	ssyncset.done $0x0  }
0x7d: {  	[sflag:s5] =	ssyncadd.s32 $0xFFFFE000  }
0x7e: {  	_ =	swait.ge [sflag:s6], $0x2000  }
0x7f: {  	[sflag:s6] =	ssyncset.done $0x0  }
0x80: {  	s8 =	rddreg [dreg:$0xa];
	[sflag:s6] =	ssyncadd.s32 $0xFFFFE000  }
0x81: {  	[tilespmem:s11], [sflag:$0x1] =	stream.linear.gather [hbm4b:s8+s11], $0x2000, $0x38;
	[tilespmem:$0xF200] =	vst v63  }
0x82: {  	s12 =	rddreg [dreg:$0xb]  }
0x83: {  	[tilespmem:s25], [sflag:$0x3] =	stream.linear.gather [hbm4b:s12+s11], $0x2000, $0x38;
	[tilespmem:$0xF200] =	vst v63  }
0x84: {  	s7 =	simm.s32 $0x0;
	s13 =	rddreg [dreg:$0x18]  }
0x85: {  	[tilespmem:s26], [sflag:$0x5] =	stream.linear.gather [hbm4b:s13+s11], $0x2000, $0x38;
	[tilespmem:$0xF200] =	vst v63  }
0x86: {  	s8 =	simm.s32 $0x40;
	v2 =	vld [tilespmem:s7+$0xA000]  }
.LBB2_8:
0x87: {  	p1 =	sne.s32 s8, $0x7FC0;
	v3 =	vld [tilespmem:s7+$0x6000];
	_ =	sdelay $0x4  }
.Ltmp3:
0x88: {  	v2 =	vmul.f32 v2, v2;
	v3 =	vmul.f32 v3, v3;
	(pc) =	sbr.rel @p1 .LBB2_8-.Ltmp3, $4  }
0x89: {  	_ = 	snop  }
0x8a: {  	v3 =	vadd.f32 v2, v3  }
0x8b: {  	s9 =	sshra.s32 s8, $0x2  }
0x8c: {  	s8 =	sadd.s32 $0x40, s8;
	v2 =	vld [tilespmem:s9+$0xA000];
	[tilespmem:s7+$0x6000] =	vst v3;
	s7 =	smov.u32 s9  }
0x8d: {  	v3 =	vld [tilespmem:s7+$0x6000];
	_ =	sdelay $0x4  }
0x8e: {  	v2 =	vmul.f32 v2, v2;
	v3 =	vmul.f32 v3, v3;
	_ =	sdelay $0x1  }
0x8f: {  	v2 =	vadd.f32 v2, v3;
	_ =	sdelay $0x1  }
0x90: {  	[tilespmem:s7+$0x6000] =	vst v2  }
0x91: {  	[spmem:s18] =	stream.indirect.scatter.add.f32 [tilespmem:s0], [sflag:$0x7], $0x1, s31, s31, $0xb8;
	[tilespmem:$0xF200] =	vst v63  }
0x92: {  	_ =	swait.ge [sflag:s2], $0x2000  }
0x93: {  	[sflag:s2] =	ssyncset.done $0x0  }
0x94: {  	[sflag:s2] =	ssyncadd.s32 $0xFFFFE000  }
0x95: {  	[spmem:s22] =	stream.indirect.scatter.add.f32 [tilespmem:s3], [sflag:$0x7], $0x1, s31, s31, $0xb8;
	[tilespmem:$0xF200] =	vst v63  }
0x96: {  	_ =	swait.ge [sflag:s2], $0x2000  }
0x97: {  	[sflag:s2] =	ssyncset.done $0x0  }
0x98: {  	[sflag:s2] =	ssyncadd.s32 $0xFFFFE000  }
0x99: {  	_ =	swait.ge [sflag:s28], $0x2000  }
0x9a: {  	[sflag:s28] =	ssyncset.done $0x0  }
0x9b: {  	[sflag:s28] =	ssyncadd.s32 $0xFFFFE000  }
0x9c: {  	_ =	swait.ge [sflag:s29], $0x2000  }
0x9d: {  	[sflag:s29] =	ssyncset.done $0x0  }
0x9e: {  	[sflag:s29] =	ssyncadd.s32 $0xFFFFE000  }
0x9f: {  	_ =	swait.ge [sflag:s30], $0x2000  }
0xa0: {  	[sflag:s30] =	ssyncset.done $0x0  }
0xa1: {  	s11 =	simm.s32 $0x0;
	s8 =	rddreg [dreg:$0xc];
	[sflag:s30] =	ssyncadd.s32 $0xFFFFE000  }
0xa2: {  	[tilespmem:s31], [sflag:$0x2] =	stream.linear.gather [hbm4b:s8+s11], $0x2000, $0x38;
	[tilespmem:$0xF200] =	vst v63  }
0xa3: {  	s12 =	rddreg [dreg:$0xd]  }
0xa4: {  	[tilespmem:s0], [sflag:$0x4] =	stream.linear.gather [hbm4b:s12+s11], $0x2000, $0x38;
	[tilespmem:$0xF200] =	vst v63  }
0xa5: {  	s7 =	simm.s32 $0x0;
	s13 =	rddreg [dreg:$0x19]  }
0xa6: {  	[tilespmem:s1], [sflag:$0x6] =	stream.linear.gather [hbm4b:s13+s11], $0x2000, $0x38;
	[tilespmem:$0xF200] =	vst v63  }
0xa7: {  	s8 =	simm.s32 $0x40;
	v2 =	vld [tilespmem:s7+$0x8000]  }
.LBB2_10:
0xa8: {  	p1 =	sne.s32 s8, $0x7FC0;
	v3 =	vld [tilespmem:s7+$0x4000];
	_ =	sdelay $0x4  }
.Ltmp4:
0xa9: {  	v2 =	vmul.f32 v2, v2;
	v3 =	vmul.f32 v3, v3;
	(pc) =	sbr.rel @p1 .LBB2_10-.Ltmp4, $4  }
0xaa: {  	_ = 	snop  }
0xab: {  	v3 =	vadd.f32 v2, v3  }
0xac: {  	s9 =	sshra.s32 s8, $0x2  }
0xad: {  	s8 =	sadd.s32 $0x40, s8;
	v2 =	vld [tilespmem:s9+$0x8000];
	[tilespmem:s7+$0x4000] =	vst v3;
	s7 =	smov.u32 s9  }
0xae: {  	v3 =	vld [tilespmem:s7+$0x4000];
	_ =	sdelay $0x4  }
0xaf: {  	v2 =	vmul.f32 v2, v2;
	v3 =	vmul.f32 v3, v3;
	_ =	sdelay $0x1  }
0xb0: {  	v2 =	vadd.f32 v2, v3;
	_ =	sdelay $0x1  }
0xb1: {  	s11 =	simm.s32 $0x0;
	[tilespmem:s7+$0x4000] =	vst v2  }
0xb2: {  	[spmem:s18] =	stream.indirect.scatter.add.f32 [tilespmem:s25], [sflag:$0x7], $0x1, s11, s31, $0xb8;
	[tilespmem:$0xF200] =	vst v63  }
0xb3: {  	_ =	swait.ge [sflag:s2], $0x2000  }
0xb4: {  	[sflag:s2] =	ssyncset.done $0x0  }
0xb5: {  	[sflag:s2] =	ssyncadd.s32 $0xFFFFE000  }
0xb6: {  	[spmem:s22] =	stream.indirect.scatter.add.f32 [tilespmem:s3], [sflag:$0x7], $0x1, s11, s31, $0xb8;
	[tilespmem:$0xF200] =	vst v63  }
0xb7: {  	_ =	swait.ge [sflag:s2], $0x2000  }
0xb8: {  	[sflag:s2] =	ssyncset.done $0x0  }
0xb9: {  	[sflag:s2] =	ssyncadd.s32 $0xFFFFE000  }
0xba: {  	_ =	swait.ge [sflag:s4], $0x2000  }
0xbb: {  	[sflag:s4] =	ssyncset.done $0x0  }
0xbc: {  	[sflag:s4] =	ssyncadd.s32 $0xFFFFE000  }
0xbd: {  	_ =	swait.ge [sflag:s5], $0x2000  }
0xbe: {  	[sflag:s5] =	ssyncset.done $0x0  }
0xbf: {  	[sflag:s5] =	ssyncadd.s32 $0xFFFFE000  }
0xc0: {  	_ =	swait.ge [sflag:s6], $0x2000  }
0xc1: {  	[sflag:s6] =	ssyncset.done $0x0  }
0xc2: {  	s8 =	rddreg [dreg:$0xe];
	[sflag:s6] =	ssyncadd.s32 $0xFFFFE000  }
0xc3: {  	[tilespmem:s11], [sflag:$0x1] =	stream.linear.gather [hbm4b:s8+s11], $0x2000, $0x38;
	[tilespmem:$0xF200] =	vst v63  }
0xc4: {  	s12 =	rddreg [dreg:$0x12]  }
0xc5: {  	[tilespmem:s25], [sflag:$0x3] =	stream.linear.gather [hbm4b:s12+s11], $0x2000, $0x38;
	[tilespmem:$0xF200] =	vst v63  }
0xc6: {  	s7 =	simm.s32 $0x0;
	s13 =	rddreg [dreg:$0x1a]  }
0xc7: {  	[tilespmem:s26], [sflag:$0x5] =	stream.linear.gather [hbm4b:s13+s11], $0x2000, $0x38;
	[tilespmem:$0xF200] =	vst v63  }
0xc8: {  	s8 =	simm.s32 $0x40;
	v2 =	vld [tilespmem:s7+$0xA000]  }
.LBB2_12:
0xc9: {  	p1 =	sne.s32 s8, $0x7FC0;
	v3 =	vld [tilespmem:s7+$0x6000];
	_ =	sdelay $0x4  }
.Ltmp5:
0xca: {  	v2 =	vmul.f32 v2, v2;
	v3 =	vmul.f32 v3, v3;
	(pc) =	sbr.rel @p1 .LBB2_12-.Ltmp5, $4  }
0xcb: {  	_ = 	snop  }
0xcc: {  	v3 =	vadd.f32 v2, v3  }
0xcd: {  	s9 =	sshra.s32 s8, $0x2  }
0xce: {  	s8 =	sadd.s32 $0x40, s8;
	v2 =	vld [tilespmem:s9+$0xA000];
	[tilespmem:s7+$0x6000] =	vst v3;
	s7 =	smov.u32 s9  }
0xcf: {  	v3 =	vld [tilespmem:s7+$0x6000];
	_ =	sdelay $0x4  }
0xd0: {  	v2 =	vmul.f32 v2, v2;
	v3 =	vmul.f32 v3, v3;
	_ =	sdelay $0x1  }
0xd1: {  	v2 =	vadd.f32 v2, v3;
	_ =	sdelay $0x1  }
0xd2: {  	[tilespmem:s7+$0x6000] =	vst v2  }
0xd3: {  	[spmem:s18] =	stream.indirect.scatter.add.f32 [tilespmem:s0], [sflag:$0x7], $0x1, s31, s31, $0xb8;
	[tilespmem:$0xF200] =	vst v63  }
0xd4: {  	_ =	swait.ge [sflag:s2], $0x2000  }
0xd5: {  	[sflag:s2] =	ssyncset.done $0x0  }
0xd6: {  	[sflag:s2] =	ssyncadd.s32 $0xFFFFE000  }
0xd7: {  	[spmem:s22] =	stream.indirect.scatter.add.f32 [tilespmem:s3], [sflag:$0x7], $0x1, s31, s31, $0xb8;
	[tilespmem:$0xF200] =	vst v63  }
0xd8: {  	_ =	swait.ge [sflag:s2], $0x2000  }
0xd9: {  	[sflag:s2] =	ssyncset.done $0x0  }
0xda: {  	[sflag:s2] =	ssyncadd.s32 $0xFFFFE000  }
0xdb: {  	_ =	swait.ge [sflag:s28], $0x2000  }
0xdc: {  	[sflag:s28] =	ssyncset.done $0x0  }
0xdd: {  	[sflag:s28] =	ssyncadd.s32 $0xFFFFE000  }
0xde: {  	_ =	swait.ge [sflag:s29], $0x2000  }
0xdf: {  	[sflag:s29] =	ssyncset.done $0x0  }
0xe0: {  	[sflag:s29] =	ssyncadd.s32 $0xFFFFE000  }
0xe1: {  	_ =	swait.ge [sflag:s30], $0x2000  }
0xe2: {  	[sflag:s30] =	ssyncset.done $0x0  }
0xe3: {  	s11 =	simm.s32 $0x0;
	s8 =	rddreg [dreg:$0xf];
	[sflag:s30] =	ssyncadd.s32 $0xFFFFE000  }
0xe4: {  	[tilespmem:s31], [sflag:$0x2] =	stream.linear.gather [hbm4b:s8+s11], $0x2000, $0x38;
	[tilespmem:$0xF200] =	vst v63  }
0xe5: {  	s12 =	rddreg [dreg:$0x13]  }
0xe6: {  	[tilespmem:s0], [sflag:$0x4] =	stream.linear.gather [hbm4b:s12+s11], $0x2000, $0x38;
	[tilespmem:$0xF200] =	vst v63  }
0xe7: {  	s7 =	simm.s32 $0x0;
	s13 =	rddreg [dreg:$0x1b]  }
0xe8: {  	[tilespmem:s1], [sflag:$0x6] =	stream.linear.gather [hbm4b:s13+s11], $0x2000, $0x38;
	[tilespmem:$0xF200] =	vst v63  }
0xe9: {  	s8 =	simm.s32 $0x40;
	v2 =	vld [tilespmem:s7+$0x8000]  }
.LBB2_14:
0xea: {  	p1 =	sne.s32 s8, $0x7FC0;
	v3 =	vld [tilespmem:s7+$0x4000];
	_ =	sdelay $0x4  }
.Ltmp6:
0xeb: {  	v2 =	vmul.f32 v2, v2;
	v3 =	vmul.f32 v3, v3;
	(pc) =	sbr.rel @p1 .LBB2_14-.Ltmp6, $4  }
0xec: {  	_ = 	snop  }
0xed: {  	v3 =	vadd.f32 v2, v3  }
0xee: {  	s9 =	sshra.s32 s8, $0x2  }
0xef: {  	s8 =	sadd.s32 $0x40, s8;
	v2 =	vld [tilespmem:s9+$0x8000];
	[tilespmem:s7+$0x4000] =	vst v3;
	s7 =	smov.u32 s9  }
0xf0: {  	v3 =	vld [tilespmem:s7+$0x4000];
	_ =	sdelay $0x4  }
0xf1: {  	v2 =	vmul.f32 v2, v2;
	v3 =	vmul.f32 v3, v3;
	_ =	sdelay $0x1  }
0xf2: {  	v2 =	vadd.f32 v2, v3;
	_ =	sdelay $0x1  }
0xf3: {  	s11 =	simm.s32 $0x0;
	[tilespmem:s7+$0x4000] =	vst v2  }
0xf4: {  	[spmem:s18] =	stream.indirect.scatter.add.f32 [tilespmem:s25], [sflag:$0x7], $0x1, s11, s31, $0xb8;
	[tilespmem:$0xF200] =	vst v63  }
0xf5: {  	_ =	swait.ge [sflag:s2], $0x2000  }
0xf6: {  	[sflag:s2] =	ssyncset.done $0x0  }
0xf7: {  	[sflag:s2] =	ssyncadd.s32 $0xFFFFE000  }
0xf8: {  	[spmem:s22] =	stream.indirect.scatter.add.f32 [tilespmem:s3], [sflag:$0x7], $0x1, s11, s31, $0xb8;
	[tilespmem:$0xF200] =	vst v63  }
0xf9: {  	_ =	swait.ge [sflag:s2], $0x2000  }
0xfa: {  	[sflag:s2] =	ssyncset.done $0x0  }
0xfb: {  	[sflag:s2] =	ssyncadd.s32 $0xFFFFE000  }
0xfc: {  	_ =	swait.ge [sflag:s4], $0x2000  }
0xfd: {  	[sflag:s4] =	ssyncset.done $0x0  }
0xfe: {  	[sflag:s4] =	ssyncadd.s32 $0xFFFFE000  }
0xff: {  	_ =	swait.ge [sflag:s5], $0x2000  }
0x100: {  	[sflag:s5] =	ssyncset.done $0x0  }
0x101: {  	[sflag:s5] =	ssyncadd.s32 $0xFFFFE000  }
0x102: {  	_ =	swait.ge [sflag:s6], $0x2000  }
0x103: {  	[sflag:s6] =	ssyncset.done $0x0  }
0x104: {  	s8 =	rddreg [dreg:$0x10];
	[sflag:s6] =	ssyncadd.s32 $0xFFFFE000  }
0x105: {  	[tilespmem:s11], [sflag:$0x1] =	stream.linear.gather [hbm4b:s8+s11], $0x2000, $0x38;
	[tilespmem:$0xF200] =	vst v63  }
0x106: {  	s12 =	rddreg [dreg:$0x14]  }
0x107: {  	[tilespmem:s25], [sflag:$0x3] =	stream.linear.gather [hbm4b:s12+s11], $0x2000, $0x38;
	[tilespmem:$0xF200] =	vst v63  }
0x108: {  	s7 =	simm.s32 $0x0;
	s13 =	rddreg [dreg:$0x1c]  }
0x109: {  	[tilespmem:s26], [sflag:$0x5] =	stream.linear.gather [hbm4b:s13+s11], $0x2000, $0x38;
	[tilespmem:$0xF200] =	vst v63  }
0x10a: {  	s8 =	simm.s32 $0x40;
	v2 =	vld [tilespmem:s7+$0xA000]  }
.LBB2_16:
0x10b: {  	p1 =	sne.s32 s8, $0x7FC0;
	v3 =	vld [tilespmem:s7+$0x6000];
	_ =	sdelay $0x4  }
.Ltmp7:
0x10c: {  	v2 =	vmul.f32 v2, v2;
	v3 =	vmul.f32 v3, v3;
	(pc) =	sbr.rel @p1 .LBB2_16-.Ltmp7, $4  }
0x10d: {  	_ = 	snop  }
0x10e: {  	v3 =	vadd.f32 v2, v3  }
0x10f: {  	s9 =	sshra.s32 s8, $0x2  }
0x110: {  	s8 =	sadd.s32 $0x40, s8;
	v2 =	vld [tilespmem:s9+$0xA000];
	[tilespmem:s7+$0x6000] =	vst v3;
	s7 =	smov.u32 s9  }
0x111: {  	v3 =	vld [tilespmem:s7+$0x6000];
	_ =	sdelay $0x4  }
0x112: {  	v2 =	vmul.f32 v2, v2;
	v3 =	vmul.f32 v3, v3;
	_ =	sdelay $0x1  }
0x113: {  	v2 =	vadd.f32 v2, v3;
	_ =	sdelay $0x1  }
0x114: {  	[tilespmem:s7+$0x6000] =	vst v2  }
0x115: {  	[spmem:s18] =	stream.indirect.scatter.add.f32 [tilespmem:s0], [sflag:$0x7], $0x1, s31, s31, $0xb8;
	[tilespmem:$0xF200] =	vst v63  }
0x116: {  	_ =	swait.ge [sflag:s2], $0x2000  }
0x117: {  	[sflag:s2] =	ssyncset.done $0x0  }
0x118: {  	[sflag:s2] =	ssyncadd.s32 $0xFFFFE000  }
0x119: {  	[spmem:s22] =	stream.indirect.scatter.add.f32 [tilespmem:s3], [sflag:$0x7], $0x1, s31, s31, $0xb8;
	[tilespmem:$0xF200] =	vst v63  }
0x11a: {  	_ =	swait.ge [sflag:s2], $0x2000  }
0x11b: {  	[sflag:s2] =	ssyncset.done $0x0  }
0x11c: {  	[sflag:s2] =	ssyncadd.s32 $0xFFFFE000  }
0x11d: {  	_ =	swait.ge [sflag:s28], $0x2000  }
0x11e: {  	[sflag:s28] =	ssyncset.done $0x0  }
0x11f: {  	[sflag:s28] =	ssyncadd.s32 $0xFFFFE000  }
0x120: {  	_ =	swait.ge [sflag:s29], $0x2000  }
0x121: {  	[sflag:s29] =	ssyncset.done $0x0  }
0x122: {  	[sflag:s29] =	ssyncadd.s32 $0xFFFFE000  }
0x123: {  	_ =	swait.ge [sflag:s30], $0x2000  }
0x124: {  	[sflag:s30] =	ssyncset.done $0x0  }
0x125: {  	s11 =	simm.s32 $0x0;
	s8 =	rddreg [dreg:$0x11];
	[sflag:s30] =	ssyncadd.s32 $0xFFFFE000  }
0x126: {  	[tilespmem:s31], [sflag:$0x2] =	stream.linear.gather [hbm4b:s8+s11], $0x2000, $0x38;
	[tilespmem:$0xF200] =	vst v63  }
0x127: {  	s12 =	rddreg [dreg:$0x15]  }
0x128: {  	[tilespmem:s0], [sflag:$0x4] =	stream.linear.gather [hbm4b:s12+s11], $0x2000, $0x38;
	[tilespmem:$0xF200] =	vst v63  }
0x129: {  	s7 =	simm.s32 $0x0;
	s13 =	rddreg [dreg:$0x1d]  }
0x12a: {  	[tilespmem:s1], [sflag:$0x6] =	stream.linear.gather [hbm4b:s13+s11], $0x2000, $0x38;
	[tilespmem:$0xF200] =	vst v63  }
0x12b: {  	s8 =	simm.s32 $0x40;
	v2 =	vld [tilespmem:s7+$0x8000]  }
.LBB2_18:
0x12c: {  	p1 =	sne.s32 s8, $0x7FC0;
	v3 =	vld [tilespmem:s7+$0x4000];
	_ =	sdelay $0x4  }
.Ltmp8:
0x12d: {  	v2 =	vmul.f32 v2, v2;
	v3 =	vmul.f32 v3, v3;
	(pc) =	sbr.rel @p1 .LBB2_18-.Ltmp8, $4  }
0x12e: {  	_ = 	snop  }
0x12f: {  	v3 =	vadd.f32 v2, v3  }
0x130: {  	s9 =	sshra.s32 s8, $0x2  }
0x131: {  	s8 =	sadd.s32 $0x40, s8;
	v2 =	vld [tilespmem:s9+$0x8000];
	[tilespmem:s7+$0x4000] =	vst v3;
	s7 =	smov.u32 s9  }
0x132: {  	v3 =	vld [tilespmem:s7+$0x4000];
	_ =	sdelay $0x4  }
0x133: {  	v2 =	vmul.f32 v2, v2;
	v3 =	vmul.f32 v3, v3;
	_ =	sdelay $0x1  }
0x134: {  	v2 =	vadd.f32 v2, v3;
	_ =	sdelay $0x1  }
0x135: {  	s13 =	simm.s32 $0x0;
	[tilespmem:s7+$0x4000] =	vst v2  }
0x136: {  	[spmem:s18] =	stream.indirect.scatter.add.f32 [tilespmem:s25], [sflag:$0x7], $0x1, s13, s31, $0xb8;
	[tilespmem:$0xF200] =	vst v63  }
0x137: {  	_ =	swait.ge [sflag:s2], $0x2000  }
0x138: {  	[sflag:s2] =	ssyncset.done $0x0  }
0x139: {  	[sflag:s2] =	ssyncadd.s32 $0xFFFFE000  }
0x13a: {  	[spmem:s22] =	stream.indirect.scatter.add.f32 [tilespmem:s3], [sflag:$0x7], $0x1, s13, s31, $0xb8;
	[tilespmem:$0xF200] =	vst v63  }
0x13b: {  	_ =	swait.ge [sflag:s2], $0x2000  }
0x13c: {  	[sflag:s2] =	ssyncset.done $0x0  }
0x13d: {  	[sflag:s2] =	ssyncadd.s32 $0xFFFFE000  }
0x13e: {  	_ =	swait.ge [sflag:s4], $0x2000  }
0x13f: {  	[sflag:s4] =	ssyncset.done $0x0  }
0x140: {  	[sflag:s4] =	ssyncadd.s32 $0xFFFFE000  }
0x141: {  	_ =	swait.ge [sflag:s5], $0x2000  }
0x142: {  	[sflag:s5] =	ssyncset.done $0x0  }
0x143: {  	[sflag:s5] =	ssyncadd.s32 $0xFFFFE000  }
0x144: {  	_ =	swait.ge [sflag:s6], $0x2000  }
0x145: {  	[sflag:s6] =	ssyncset.done $0x0  }
0x146: {  	s7 =	simm.s32 $0x0;
	[sflag:s6] =	ssyncadd.s32 $0xFFFFE000  }
0x147: {  	s8 =	simm.s32 $0x40;
	v2 =	vld [tilespmem:s7+$0xA000]  }
.LBB2_20:
0x148: {  	p1 =	sne.s32 s8, $0x7FC0;
	v3 =	vld [tilespmem:s7+$0x6000];
	_ =	sdelay $0x4  }
.Ltmp9:
0x149: {  	v2 =	vmul.f32 v2, v2;
	v3 =	vmul.f32 v3, v3;
	(pc) =	sbr.rel @p1 .LBB2_20-.Ltmp9, $4  }
0x14a: {  	_ = 	snop  }
0x14b: {  	v3 =	vadd.f32 v2, v3  }
0x14c: {  	s9 =	sshra.s32 s8, $0x2  }
0x14d: {  	s8 =	sadd.s32 $0x40, s8;
	v2 =	vld [tilespmem:s9+$0xA000];
	[tilespmem:s7+$0x6000] =	vst v3;
	s7 =	smov.u32 s9  }
0x14e: {  	v3 =	vld [tilespmem:s7+$0x6000];
	_ =	sdelay $0x4  }
0x14f: {  	v2 =	vmul.f32 v2, v2;
	v3 =	vmul.f32 v3, v3;
	_ =	sdelay $0x1  }
0x150: {  	v2 =	vadd.f32 v2, v3;
	_ =	sdelay $0x1  }
0x151: {  	[tilespmem:s7+$0x6000] =	vst v2  }
0x152: {  	[spmem:s18] =	stream.indirect.scatter.add.f32 [tilespmem:s0], [sflag:$0x7], $0x1, s31, s31, $0xb8;
	[tilespmem:$0xF200] =	vst v63  }
0x153: {  	_ =	swait.ge [sflag:s2], $0x2000  }
0x154: {  	[sflag:s2] =	ssyncset.done $0x0  }
0x155: {  	[sflag:s2] =	ssyncadd.s32 $0xFFFFE000  }
0x156: {  	[spmem:s22] =	stream.indirect.scatter.add.f32 [tilespmem:s3], [sflag:$0x7], $0x1, s31, s31, $0xb8;
	[tilespmem:$0xF200] =	vst v63  }
0x157: {  	_ =	swait.ge [sflag:s2], $0x2000  }
0x158: {  	[sflag:s2] =	ssyncset.done $0x0  }
0x159: {  	s9 =	simm.s32 @!p0 $0x1;
	s10 =	simm.s32 @!p0 $0x20;
	[sflag:s2] =	ssyncadd.s32 $0xFFFFE000  }
0x15a: {  	s11 =	simm.s32 @!p0 $0x10;
	s12 =	simm.s32 @!p0 $0x1C07;
	[bflag:$0x0] =	sbarrier.arrive $0xFFFF  }
0x15b: {  	s13 =	simm.s32 @!p0 $0x7;
	s7 =	sshrl.u32 @!p0 s18, $0x3;
	[bflag:$0x0] =	sbarrier.arrive @p0 $0xFFFF  }
0x15c: {  	[hbm:s19@s10], [sflag:s12] =	dma.strided @!p0 [spmem:s7@s11], $0x200, s9, $0x10   }
0x15d: {  	_ =	swait.ge @!p0 [sflag:s13], $0x200  }
0x15e: {  	[sflag:s13] =	ssyncset.done @!p0 $0x0  }
0x15f: {  	s8 =	sshrl.u32 @!p0 s22, $0x3;
	[sflag:s13] =	ssyncadd.s32 @!p0 $0xFFFFFE00  }
0x160: {  	[hbm:s20@s10], [sflag:s12] =	dma.strided @!p0 [spmem:s8@s11], $0x200, s9, $0x10   }
0x161: {  	_ =	swait.ge @!p0 [sflag:s13], $0x200  }
0x162: {  	[sflag:s13] =	ssyncset.done @!p0 $0x0  }
0x163: {  	[sflag:s13] =	ssyncadd.s32 @!p0 $0xFFFFFE00  }
0x164: {  	s9 =	simm.s32 @!p0 $0xE000;
	[bflag:$0x0] =	sbarrier.arrive @!p0 $0xFFFF  }
0x165: {  	[spmem:s18] =	stream.linear.scatter @!p0 [tilespmem:s9], [sflag:$0x7], $0x1000, $0x38;
	[tilespmem:$0xF200] =	vst v63  }
0x166: {  	_ =	swait.ge @!p0 [sflag:s13], $0x1000  }
0x167: {  	[sflag:s13] =	ssyncset.done @!p0 $0x0  }
0x168: {  	[sflag:s13] =	ssyncadd.s32 @!p0 $0xFFFFF000  }
0x169: {  	[spmem:s22] =	stream.linear.scatter @!p0 [tilespmem:s9], [sflag:$0x7], $0x1000, $0x38;
	[tilespmem:$0xF200] =	vst v63  }
0x16a: {  	_ =	swait.ge @!p0 [sflag:s13], $0x1000  }
0x16b: {  	[sflag:s13] =	ssyncset.done @!p0 $0x0  }
0x16c: {  	[sflag:s13] =	ssyncadd.s32 @!p0 $0xFFFFF000  }
0x16d: {  	[bflag:$0x0] =	sbarrier.arrive $0xFFFF  }
0x16e: {  	s11 =	rddreg [dreg:$0x1e]  }
0x16f: {  	s9 =	simm.s32 $0x0;
	s12 =	rddreg [dreg:$0x1f]  }
0x170: {  	[tilespmem:s9], [sflag:$0x1] =	stream.linear.gather [hbm4b:s11+s9], $0x2000, $0x38;
	[tilespmem:$0xF200] =	vst v63  }
0x171: {  	s13 =	sld [smem:$0x7EB]  }
0x172: {  	[tilespmem:s25], [sflag:$0x3] =	stream.linear.gather [hbm4b:s12+s9], $0x2000, $0x38;
	[tilespmem:$0xF200] =	vst v63  }
0x173: {  	_ = 	snop  }
0x174: {  	[tilespmem:s26], [sflag:$0x5] =	stream.linear.gather [hbm4b:s13+s9], $0x2000, $0x38;
	[tilespmem:$0xF200] =	vst v63  }
0x175: {  	_ =	swait.ge [sflag:s28], $0x2000  }
0x176: {  	[sflag:s28] =	ssyncset.done $0x0  }
0x177: {  	[sflag:s28] =	ssyncadd.s32 $0xFFFFE000  }
0x178: {  	_ =	swait.ge [sflag:s29], $0x2000  }
0x179: {  	[sflag:s29] =	ssyncset.done $0x0  }
0x17a: {  	[sflag:s29] =	ssyncadd.s32 $0xFFFFE000  }
0x17b: {  	_ =	swait.ge [sflag:s30], $0x2000  }
0x17c: {  	s11 =	sld [smem:$0x7EC]  }
0x17d: {  	[sflag:s30] =	ssyncset.done $0x0  }
0x17e: {  	s12 =	sld [smem:$0x7ED];
	[sflag:s30] =	ssyncadd.s32 $0xFFFFE000  }
0x17f: {  	[tilespmem:s31], [sflag:$0x2] =	stream.linear.gather [hbm4b:s11+s9], $0x2000, $0x38;
	[tilespmem:$0xF200] =	vst v63  }
0x180: {  	s13 =	sld [smem:$0x7EE]  }
0x181: {  	[tilespmem:s0], [sflag:$0x4] =	stream.linear.gather [hbm4b:s12+s9], $0x2000, $0x38;
	[tilespmem:$0xF200] =	vst v63  }
0x182: {  	_ = 	snop  }
0x183: {  	[tilespmem:s1], [sflag:$0x6] =	stream.linear.gather [hbm4b:s13+s9], $0x2000, $0x38;
	[tilespmem:$0xF200] =	vst v63  }
0x184: {  	s9 =	simm.s32 $0x0  }
0x185: {  	s10 =	simm.s32 $0x40;
	v2 =	vld [tilespmem:s9+$0x8000]  }
.LBB2_22:
0x186: {  	p1 =	sne.s32 s10, $0x7FC0;
	v3 =	vld [tilespmem:s9+$0x4000];
	_ =	sdelay $0x4  }
.Ltmp10:
0x187: {  	v2 =	vmul.f32 v2, v2;
	v3 =	vmul.f32 v3, v3;
	(pc) =	sbr.rel @p1 .LBB2_22-.Ltmp10, $4  }
0x188: {  	_ = 	snop  }
0x189: {  	v3 =	vadd.f32 v2, v3  }
0x18a: {  	s11 =	sshra.s32 s10, $0x2  }
0x18b: {  	s10 =	sadd.s32 $0x40, s10;
	v2 =	vld [tilespmem:s11+$0x8000];
	[tilespmem:s9+$0x4000] =	vst v3;
	s9 =	smov.u32 s11  }
0x18c: {  	v3 =	vld [tilespmem:s9+$0x4000];
	_ =	sdelay $0x4  }
0x18d: {  	v2 =	vmul.f32 v2, v2;
	v3 =	vmul.f32 v3, v3;
	_ =	sdelay $0x1  }
0x18e: {  	v2 =	vadd.f32 v2, v3;
	_ =	sdelay $0x1  }
0x18f: {  	s11 =	simm.s32 $0x0;
	[tilespmem:s9+$0x4000] =	vst v2  }
0x190: {  	[spmem:s18] =	stream.indirect.scatter.add.f32 [tilespmem:s25], [sflag:$0x7], $0x1, s11, s31, $0xb8;
	[tilespmem:$0xF200] =	vst v63  }
0x191: {  	_ =	swait.ge [sflag:s2], $0x2000  }
0x192: {  	[sflag:s2] =	ssyncset.done $0x0  }
0x193: {  	[sflag:s2] =	ssyncadd.s32 $0xFFFFE000  }
0x194: {  	[spmem:s22] =	stream.indirect.scatter.add.f32 [tilespmem:s3], [sflag:$0x7], $0x1, s11, s31, $0xb8;
	[tilespmem:$0xF200] =	vst v63  }
0x195: {  	_ =	swait.ge [sflag:s2], $0x2000  }
0x196: {  	[sflag:s2] =	ssyncset.done $0x0  }
0x197: {  	[sflag:s2] =	ssyncadd.s32 $0xFFFFE000  }
0x198: {  	_ =	swait.ge [sflag:s4], $0x2000  }
0x199: {  	[sflag:s4] =	ssyncset.done $0x0  }
0x19a: {  	[sflag:s4] =	ssyncadd.s32 $0xFFFFE000  }
0x19b: {  	_ =	swait.ge [sflag:s5], $0x2000  }
0x19c: {  	[sflag:s5] =	ssyncset.done $0x0  }
0x19d: {  	[sflag:s5] =	ssyncadd.s32 $0xFFFFE000  }
0x19e: {  	_ =	swait.ge [sflag:s6], $0x2000  }
0x19f: {  	s10 =	sld [smem:$0x7EF]  }
0x1a0: {  	[sflag:s6] =	ssyncset.done $0x0  }
0x1a1: {  	s12 =	sld [smem:$0x7F0];
	[sflag:s6] =	ssyncadd.s32 $0xFFFFE000  }
0x1a2: {  	[tilespmem:s11], [sflag:$0x1] =	stream.linear.gather [hbm4b:s10+s11], $0x2000, $0x38;
	[tilespmem:$0xF200] =	vst v63  }
0x1a3: {  	s13 =	sld [smem:$0x7F1]  }
0x1a4: {  	[tilespmem:s25], [sflag:$0x3] =	stream.linear.gather [hbm4b:s12+s11], $0x2000, $0x38;
	[tilespmem:$0xF200] =	vst v63  }
0x1a5: {  	s9 =	simm.s32 $0x0  }
0x1a6: {  	[tilespmem:s26], [sflag:$0x5] =	stream.linear.gather [hbm4b:s13+s11], $0x2000, $0x38;
	[tilespmem:$0xF200] =	vst v63  }
0x1a7: {  	s10 =	simm.s32 $0x40;
	v2 =	vld [tilespmem:s9+$0xA000]  }
.LBB2_24:
0x1a8: {  	p1 =	sne.s32 s10, $0x7FC0;
	v3 =	vld [tilespmem:s9+$0x6000];
	_ =	sdelay $0x4  }
.Ltmp11:
0x1a9: {  	v2 =	vmul.f32 v2, v2;
	v3 =	vmul.f32 v3, v3;
	(pc) =	sbr.rel @p1 .LBB2_24-.Ltmp11, $4  }
0x1aa: {  	_ = 	snop  }
0x1ab: {  	v3 =	vadd.f32 v2, v3  }
0x1ac: {  	s11 =	sshra.s32 s10, $0x2  }
0x1ad: {  	s10 =	sadd.s32 $0x40, s10;
	v2 =	vld [tilespmem:s11+$0xA000];
	[tilespmem:s9+$0x6000] =	vst v3;
	s9 =	smov.u32 s11  }
0x1ae: {  	v3 =	vld [tilespmem:s9+$0x6000];
	_ =	sdelay $0x4  }
0x1af: {  	v2 =	vmul.f32 v2, v2;
	v3 =	vmul.f32 v3, v3;
	_ =	sdelay $0x1  }
0x1b0: {  	v2 =	vadd.f32 v2, v3;
	_ =	sdelay $0x1  }
0x1b1: {  	[tilespmem:s9+$0x6000] =	vst v2  }
0x1b2: {  	[spmem:s18] =	stream.indirect.scatter.add.f32 [tilespmem:s0], [sflag:$0x7], $0x1, s31, s31, $0xb8;
	[tilespmem:$0xF200] =	vst v63  }
0x1b3: {  	_ =	swait.ge [sflag:s2], $0x2000  }
0x1b4: {  	[sflag:s2] =	ssyncset.done $0x0  }
0x1b5: {  	[sflag:s2] =	ssyncadd.s32 $0xFFFFE000  }
0x1b6: {  	[spmem:s22] =	stream.indirect.scatter.add.f32 [tilespmem:s3], [sflag:$0x7], $0x1, s31, s31, $0xb8;
	[tilespmem:$0xF200] =	vst v63  }
0x1b7: {  	_ =	swait.ge [sflag:s2], $0x2000  }
0x1b8: {  	[sflag:s2] =	ssyncset.done $0x0  }
0x1b9: {  	[sflag:s2] =	ssyncadd.s32 $0xFFFFE000  }
0x1ba: {  	_ =	swait.ge [sflag:s28], $0x2000  }
0x1bb: {  	[sflag:s28] =	ssyncset.done $0x0  }
0x1bc: {  	[sflag:s28] =	ssyncadd.s32 $0xFFFFE000  }
0x1bd: {  	_ =	swait.ge [sflag:s29], $0x2000  }
0x1be: {  	[sflag:s29] =	ssyncset.done $0x0  }
0x1bf: {  	[sflag:s29] =	ssyncadd.s32 $0xFFFFE000  }
0x1c0: {  	_ =	swait.ge [sflag:s30], $0x2000  }
0x1c1: {  	s10 =	sld [smem:$0x7F2]  }
0x1c2: {  	[sflag:s30] =	ssyncset.done $0x0  }
0x1c3: {  	s11 =	simm.s32 $0x0;
	s12 =	sld [smem:$0x7F3];
	[sflag:s30] =	ssyncadd.s32 $0xFFFFE000  }
0x1c4: {  	[tilespmem:s31], [sflag:$0x2] =	stream.linear.gather [hbm4b:s10+s11], $0x2000, $0x38;
	[tilespmem:$0xF200] =	vst v63  }
0x1c5: {  	s13 =	sld [smem:$0x7F4]  }
0x1c6: {  	[tilespmem:s0], [sflag:$0x4] =	stream.linear.gather [hbm4b:s12+s11], $0x2000, $0x38;
	[tilespmem:$0xF200] =	vst v63  }
0x1c7: {  	s9 =	simm.s32 $0x0  }
0x1c8: {  	[tilespmem:s1], [sflag:$0x6] =	stream.linear.gather [hbm4b:s13+s11], $0x2000, $0x38;
	[tilespmem:$0xF200] =	vst v63  }
0x1c9: {  	s10 =	simm.s32 $0x40;
	v2 =	vld [tilespmem:s9+$0x8000]  }
.LBB2_26:
0x1ca: {  	p1 =	sne.s32 s10, $0x7FC0;
	v3 =	vld [tilespmem:s9+$0x4000];
	_ =	sdelay $0x4  }
.Ltmp12:
0x1cb: {  	v2 =	vmul.f32 v2, v2;
	v3 =	vmul.f32 v3, v3;
	(pc) =	sbr.rel @p1 .LBB2_26-.Ltmp12, $4  }
0x1cc: {  	_ = 	snop  }
0x1cd: {  	v3 =	vadd.f32 v2, v3  }
0x1ce: {  	s11 =	sshra.s32 s10, $0x2  }
0x1cf: {  	s10 =	sadd.s32 $0x40, s10;
	v2 =	vld [tilespmem:s11+$0x8000];
	[tilespmem:s9+$0x4000] =	vst v3;
	s9 =	smov.u32 s11  }
0x1d0: {  	v3 =	vld [tilespmem:s9+$0x4000];
	_ =	sdelay $0x4  }
0x1d1: {  	v2 =	vmul.f32 v2, v2;
	v3 =	vmul.f32 v3, v3;
	_ =	sdelay $0x1  }
0x1d2: {  	v2 =	vadd.f32 v2, v3;
	_ =	sdelay $0x1  }
0x1d3: {  	s11 =	simm.s32 $0x0;
	[tilespmem:s9+$0x4000] =	vst v2  }
0x1d4: {  	[spmem:s18] =	stream.indirect.scatter.add.f32 [tilespmem:s25], [sflag:$0x7], $0x1, s11, s31, $0xb8;
	[tilespmem:$0xF200] =	vst v63  }
0x1d5: {  	_ =	swait.ge [sflag:s2], $0x2000  }
0x1d6: {  	[sflag:s2] =	ssyncset.done $0x0  }
0x1d7: {  	[sflag:s2] =	ssyncadd.s32 $0xFFFFE000  }
0x1d8: {  	[spmem:s22] =	stream.indirect.scatter.add.f32 [tilespmem:s3], [sflag:$0x7], $0x1, s11, s31, $0xb8;
	[tilespmem:$0xF200] =	vst v63  }
0x1d9: {  	_ =	swait.ge [sflag:s2], $0x2000  }
0x1da: {  	[sflag:s2] =	ssyncset.done $0x0  }
0x1db: {  	[sflag:s2] =	ssyncadd.s32 $0xFFFFE000  }
0x1dc: {  	_ =	swait.ge [sflag:s4], $0x2000  }
0x1dd: {  	[sflag:s4] =	ssyncset.done $0x0  }
0x1de: {  	[sflag:s4] =	ssyncadd.s32 $0xFFFFE000  }
0x1df: {  	_ =	swait.ge [sflag:s5], $0x2000  }
0x1e0: {  	[sflag:s5] =	ssyncset.done $0x0  }
0x1e1: {  	[sflag:s5] =	ssyncadd.s32 $0xFFFFE000  }
0x1e2: {  	_ =	swait.ge [sflag:s6], $0x2000  }
0x1e3: {  	s10 =	sld [smem:$0x7F5]  }
0x1e4: {  	[sflag:s6] =	ssyncset.done $0x0  }
0x1e5: {  	s12 =	sld [smem:$0x7F6];
	[sflag:s6] =	ssyncadd.s32 $0xFFFFE000  }
0x1e6: {  	[tilespmem:s11], [sflag:$0x1] =	stream.linear.gather [hbm4b:s10+s11], $0x2000, $0x38;
	[tilespmem:$0xF200] =	vst v63  }
0x1e7: {  	s13 =	sld [smem:$0x7F7]  }
0x1e8: {  	[tilespmem:s25], [sflag:$0x3] =	stream.linear.gather [hbm4b:s12+s11], $0x2000, $0x38;
	[tilespmem:$0xF200] =	vst v63  }
0x1e9: {  	s9 =	simm.s32 $0x0  }
0x1ea: {  	[tilespmem:s26], [sflag:$0x5] =	stream.linear.gather [hbm4b:s13+s11], $0x2000, $0x38;
	[tilespmem:$0xF200] =	vst v63  }
0x1eb: {  	s10 =	simm.s32 $0x40;
	v2 =	vld [tilespmem:s9+$0xA000]  }
.LBB2_28:
0x1ec: {  	p1 =	sne.s32 s10, $0x7FC0;
	v3 =	vld [tilespmem:s9+$0x6000];
	_ =	sdelay $0x4  }
.Ltmp13:
0x1ed: {  	v2 =	vmul.f32 v2, v2;
	v3 =	vmul.f32 v3, v3;
	(pc) =	sbr.rel @p1 .LBB2_28-.Ltmp13, $4  }
0x1ee: {  	_ = 	snop  }
0x1ef: {  	v3 =	vadd.f32 v2, v3  }
0x1f0: {  	s11 =	sshra.s32 s10, $0x2  }
0x1f1: {  	s10 =	sadd.s32 $0x40, s10;
	v2 =	vld [tilespmem:s11+$0xA000];
	[tilespmem:s9+$0x6000] =	vst v3;
	s9 =	smov.u32 s11  }
0x1f2: {  	v3 =	vld [tilespmem:s9+$0x6000];
	_ =	sdelay $0x4  }
0x1f3: {  	v2 =	vmul.f32 v2, v2;
	v3 =	vmul.f32 v3, v3;
	_ =	sdelay $0x1  }
0x1f4: {  	v2 =	vadd.f32 v2, v3;
	_ =	sdelay $0x1  }
0x1f5: {  	[tilespmem:s9+$0x6000] =	vst v2  }
0x1f6: {  	[spmem:s18] =	stream.indirect.scatter.add.f32 [tilespmem:s0], [sflag:$0x7], $0x1, s31, s31, $0xb8;
	[tilespmem:$0xF200] =	vst v63  }
0x1f7: {  	_ =	swait.ge [sflag:s2], $0x2000  }
0x1f8: {  	[sflag:s2] =	ssyncset.done $0x0  }
0x1f9: {  	[sflag:s2] =	ssyncadd.s32 $0xFFFFE000  }
0x1fa: {  	[spmem:s22] =	stream.indirect.scatter.add.f32 [tilespmem:s3], [sflag:$0x7], $0x1, s31, s31, $0xb8;
	[tilespmem:$0xF200] =	vst v63  }
0x1fb: {  	_ =	swait.ge [sflag:s2], $0x2000  }
0x1fc: {  	[sflag:s2] =	ssyncset.done $0x0  }
0x1fd: {  	[sflag:s2] =	ssyncadd.s32 $0xFFFFE000  }
0x1fe: {  	_ =	swait.ge [sflag:s28], $0x2000  }
0x1ff: {  	[sflag:s28] =	ssyncset.done $0x0  }
0x200: {  	[sflag:s28] =	ssyncadd.s32 $0xFFFFE000  }
0x201: {  	_ =	swait.ge [sflag:s29], $0x2000  }
0x202: {  	[sflag:s29] =	ssyncset.done $0x0  }
0x203: {  	[sflag:s29] =	ssyncadd.s32 $0xFFFFE000  }
0x204: {  	_ =	swait.ge [sflag:s30], $0x2000  }
0x205: {  	s10 =	sld [smem:$0x7F8]  }
0x206: {  	[sflag:s30] =	ssyncset.done $0x0  }
0x207: {  	s11 =	simm.s32 $0x0;
	s12 =	sld [smem:$0x7F9];
	[sflag:s30] =	ssyncadd.s32 $0xFFFFE000  }
0x208: {  	[tilespmem:s31], [sflag:$0x2] =	stream.linear.gather [hbm4b:s10+s11], $0x2000, $0x38;
	[tilespmem:$0xF200] =	vst v63  }
0x209: {  	s13 =	sld [smem:$0x7FA]  }
0x20a: {  	[tilespmem:s0], [sflag:$0x4] =	stream.linear.gather [hbm4b:s12+s11], $0x2000, $0x38;
	[tilespmem:$0xF200] =	vst v63  }
0x20b: {  	s9 =	simm.s32 $0x0  }
0x20c: {  	[tilespmem:s1], [sflag:$0x6] =	stream.linear.gather [hbm4b:s13+s11], $0x2000, $0x38;
	[tilespmem:$0xF200] =	vst v63  }
0x20d: {  	s10 =	simm.s32 $0x40;
	v2 =	vld [tilespmem:s9+$0x8000]  }
.LBB2_30:
0x20e: {  	p1 =	sne.s32 s10, $0x7FC0;
	v3 =	vld [tilespmem:s9+$0x4000];
	_ =	sdelay $0x4  }
.Ltmp14:
0x20f: {  	v2 =	vmul.f32 v2, v2;
	v3 =	vmul.f32 v3, v3;
	(pc) =	sbr.rel @p1 .LBB2_30-.Ltmp14, $4  }
0x210: {  	_ = 	snop  }
0x211: {  	v3 =	vadd.f32 v2, v3  }
0x212: {  	s11 =	sshra.s32 s10, $0x2  }
0x213: {  	s10 =	sadd.s32 $0x40, s10;
	v2 =	vld [tilespmem:s11+$0x8000];
	[tilespmem:s9+$0x4000] =	vst v3;
	s9 =	smov.u32 s11  }
0x214: {  	v3 =	vld [tilespmem:s9+$0x4000];
	_ =	sdelay $0x4  }
0x215: {  	v2 =	vmul.f32 v2, v2;
	v3 =	vmul.f32 v3, v3;
	_ =	sdelay $0x1  }
0x216: {  	v2 =	vadd.f32 v2, v3;
	_ =	sdelay $0x1  }
0x217: {  	s11 =	simm.s32 $0x0;
	[tilespmem:s9+$0x4000] =	vst v2  }
0x218: {  	[spmem:s18] =	stream.indirect.scatter.add.f32 [tilespmem:s25], [sflag:$0x7], $0x1, s11, s31, $0xb8;
	[tilespmem:$0xF200] =	vst v63  }
0x219: {  	_ =	swait.ge [sflag:s2], $0x2000  }
0x21a: {  	[sflag:s2] =	ssyncset.done $0x0  }
0x21b: {  	[sflag:s2] =	ssyncadd.s32 $0xFFFFE000  }
0x21c: {  	[spmem:s22] =	stream.indirect.scatter.add.f32 [tilespmem:s3], [sflag:$0x7], $0x1, s11, s31, $0xb8;
	[tilespmem:$0xF200] =	vst v63  }
0x21d: {  	_ =	swait.ge [sflag:s2], $0x2000  }
0x21e: {  	[sflag:s2] =	ssyncset.done $0x0  }
0x21f: {  	[sflag:s2] =	ssyncadd.s32 $0xFFFFE000  }
0x220: {  	_ =	swait.ge [sflag:s4], $0x2000  }
0x221: {  	[sflag:s4] =	ssyncset.done $0x0  }
0x222: {  	[sflag:s4] =	ssyncadd.s32 $0xFFFFE000  }
0x223: {  	_ =	swait.ge [sflag:s5], $0x2000  }
0x224: {  	[sflag:s5] =	ssyncset.done $0x0  }
0x225: {  	[sflag:s5] =	ssyncadd.s32 $0xFFFFE000  }
0x226: {  	_ =	swait.ge [sflag:s6], $0x2000  }
0x227: {  	s10 =	sld [smem:$0x7FB]  }
0x228: {  	[sflag:s6] =	ssyncset.done $0x0  }
0x229: {  	s12 =	sld [smem:$0x7FC];
	[sflag:s6] =	ssyncadd.s32 $0xFFFFE000  }
0x22a: {  	[tilespmem:s11], [sflag:$0x1] =	stream.linear.gather [hbm4b:s10+s11], $0x2000, $0x38;
	[tilespmem:$0xF200] =	vst v63  }
0x22b: {  	s13 =	sld [smem:$0x7FD]  }
0x22c: {  	[tilespmem:s25], [sflag:$0x3] =	stream.linear.gather [hbm4b:s12+s11], $0x2000, $0x38;
	[tilespmem:$0xF200] =	vst v63  }
0x22d: {  	s9 =	simm.s32 $0x0  }
0x22e: {  	[tilespmem:s26], [sflag:$0x5] =	stream.linear.gather [hbm4b:s13+s11], $0x2000, $0x38;
	[tilespmem:$0xF200] =	vst v63  }
0x22f: {  	s10 =	simm.s32 $0x40;
	v2 =	vld [tilespmem:s9+$0xA000]  }
.LBB2_32:
0x230: {  	p1 =	sne.s32 s10, $0x7FC0;
	v3 =	vld [tilespmem:s9+$0x6000];
	_ =	sdelay $0x4  }
.Ltmp15:
0x231: {  	v2 =	vmul.f32 v2, v2;
	v3 =	vmul.f32 v3, v3;
	(pc) =	sbr.rel @p1 .LBB2_32-.Ltmp15, $4  }
0x232: {  	_ = 	snop  }
0x233: {  	v3 =	vadd.f32 v2, v3  }
0x234: {  	s11 =	sshra.s32 s10, $0x2  }
0x235: {  	s10 =	sadd.s32 $0x40, s10;
	v2 =	vld [tilespmem:s11+$0xA000];
	[tilespmem:s9+$0x6000] =	vst v3;
	s9 =	smov.u32 s11  }
0x236: {  	v3 =	vld [tilespmem:s9+$0x6000];
	_ =	sdelay $0x4  }
0x237: {  	v2 =	vmul.f32 v2, v2;
	v3 =	vmul.f32 v3, v3;
	_ =	sdelay $0x1  }
0x238: {  	v2 =	vadd.f32 v2, v3;
	_ =	sdelay $0x1  }
0x239: {  	[tilespmem:s9+$0x6000] =	vst v2  }
0x23a: {  	[spmem:s18] =	stream.indirect.scatter.add.f32 [tilespmem:s0], [sflag:$0x7], $0x1, s31, s31, $0xb8;
	[tilespmem:$0xF200] =	vst v63  }
0x23b: {  	_ =	swait.ge [sflag:s2], $0x2000  }
0x23c: {  	[sflag:s2] =	ssyncset.done $0x0  }
0x23d: {  	[sflag:s2] =	ssyncadd.s32 $0xFFFFE000  }
0x23e: {  	[spmem:s22] =	stream.indirect.scatter.add.f32 [tilespmem:s3], [sflag:$0x7], $0x1, s31, s31, $0xb8;
	[tilespmem:$0xF200] =	vst v63  }
0x23f: {  	_ =	swait.ge [sflag:s2], $0x2000  }
0x240: {  	[sflag:s2] =	ssyncset.done $0x0  }
0x241: {  	[sflag:s2] =	ssyncadd.s32 $0xFFFFE000  }
0x242: {  	_ =	swait.ge [sflag:s28], $0x2000  }
0x243: {  	[sflag:s28] =	ssyncset.done $0x0  }
0x244: {  	[sflag:s28] =	ssyncadd.s32 $0xFFFFE000  }
0x245: {  	_ =	swait.ge [sflag:s29], $0x2000  }
0x246: {  	[sflag:s29] =	ssyncset.done $0x0  }
0x247: {  	[sflag:s29] =	ssyncadd.s32 $0xFFFFE000  }
0x248: {  	_ =	swait.ge [sflag:s30], $0x2000  }
0x249: {  	[sflag:s30] =	ssyncset.done $0x0  }
0x24a: {  	s13 =	simm.s32 $0x0;
	[sflag:s30] =	ssyncadd.s32 $0xFFFFE000  }
0x24b: {  	[tilespmem:s31], [sflag:$0x2] =	stream.linear.gather [hbm4b:s14+s13], $0x2000, $0x38;
	[tilespmem:$0xF200] =	vst v63  }
0x24c: {  	_ = 	snop  }
0x24d: {  	[tilespmem:s0], [sflag:$0x4] =	stream.linear.gather [hbm4b:s16+s13], $0x2000, $0x38;
	[tilespmem:$0xF200] =	vst v63  }
0x24e: {  	s9 =	simm.s32 $0x0  }
0x24f: {  	[tilespmem:s1], [sflag:$0x6] =	stream.linear.gather [hbm4b:s17+s13], $0x2000, $0x38;
	[tilespmem:$0xF200] =	vst v63  }
0x250: {  	s10 =	simm.s32 $0x40;
	v2 =	vld [tilespmem:s9+$0x8000]  }
.LBB2_34:
0x251: {  	p1 =	sne.s32 s10, $0x7FC0;
	v3 =	vld [tilespmem:s9+$0x4000];
	_ =	sdelay $0x4  }
.Ltmp16:
0x252: {  	v2 =	vmul.f32 v2, v2;
	v3 =	vmul.f32 v3, v3;
	(pc) =	sbr.rel @p1 .LBB2_34-.Ltmp16, $4  }
0x253: {  	_ = 	snop  }
0x254: {  	v3 =	vadd.f32 v2, v3  }
0x255: {  	s11 =	sshra.s32 s10, $0x2  }
0x256: {  	s10 =	sadd.s32 $0x40, s10;
	v2 =	vld [tilespmem:s11+$0x8000];
	[tilespmem:s9+$0x4000] =	vst v3;
	s9 =	smov.u32 s11  }
0x257: {  	v3 =	vld [tilespmem:s9+$0x4000];
	_ =	sdelay $0x4  }
0x258: {  	v2 =	vmul.f32 v2, v2;
	v3 =	vmul.f32 v3, v3;
	_ =	sdelay $0x1  }
0x259: {  	v2 =	vadd.f32 v2, v3;
	_ =	sdelay $0x1  }
0x25a: {  	s13 =	simm.s32 $0x0;
	[tilespmem:s9+$0x4000] =	vst v2  }
0x25b: {  	[spmem:s18] =	stream.indirect.scatter.add.f32 [tilespmem:s25], [sflag:$0x7], $0x1, s13, s31, $0xb8;
	[tilespmem:$0xF200] =	vst v63  }
0x25c: {  	_ =	swait.ge [sflag:s2], $0x2000  }
0x25d: {  	[sflag:s2] =	ssyncset.done $0x0  }
0x25e: {  	[sflag:s2] =	ssyncadd.s32 $0xFFFFE000  }
0x25f: {  	[spmem:s22] =	stream.indirect.scatter.add.f32 [tilespmem:s3], [sflag:$0x7], $0x1, s13, s31, $0xb8;
	[tilespmem:$0xF200] =	vst v63  }
0x260: {  	_ =	swait.ge [sflag:s2], $0x2000  }
0x261: {  	[sflag:s2] =	ssyncset.done $0x0  }
0x262: {  	[sflag:s2] =	ssyncadd.s32 $0xFFFFE000  }
0x263: {  	_ =	swait.ge [sflag:s4], $0x2000  }
0x264: {  	[sflag:s4] =	ssyncset.done $0x0  }
0x265: {  	[sflag:s4] =	ssyncadd.s32 $0xFFFFE000  }
0x266: {  	_ =	swait.ge [sflag:s5], $0x2000  }
0x267: {  	[sflag:s5] =	ssyncset.done $0x0  }
0x268: {  	[sflag:s5] =	ssyncadd.s32 $0xFFFFE000  }
0x269: {  	_ =	swait.ge [sflag:s6], $0x2000  }
0x26a: {  	[sflag:s6] =	ssyncset.done $0x0  }
0x26b: {  	s9 =	simm.s32 $0x0;
	[sflag:s6] =	ssyncadd.s32 $0xFFFFE000  }
0x26c: {  	s10 =	simm.s32 $0x40;
	v2 =	vld [tilespmem:s9+$0xA000]  }
.LBB2_36:
0x26d: {  	p1 =	sne.s32 s10, $0x7FC0;
	v3 =	vld [tilespmem:s9+$0x6000];
	_ =	sdelay $0x4  }
.Ltmp17:
0x26e: {  	v2 =	vmul.f32 v2, v2;
	v3 =	vmul.f32 v3, v3;
	(pc) =	sbr.rel @p1 .LBB2_36-.Ltmp17, $4  }
0x26f: {  	_ = 	snop  }
0x270: {  	v3 =	vadd.f32 v2, v3  }
0x271: {  	s11 =	sshra.s32 s10, $0x2  }
0x272: {  	s10 =	sadd.s32 $0x40, s10;
	v2 =	vld [tilespmem:s11+$0xA000];
	[tilespmem:s9+$0x6000] =	vst v3;
	s9 =	smov.u32 s11  }
0x273: {  	v3 =	vld [tilespmem:s9+$0x6000];
	_ =	sdelay $0x4  }
0x274: {  	v2 =	vmul.f32 v2, v2;
	v3 =	vmul.f32 v3, v3;
	_ =	sdelay $0x1  }
0x275: {  	v2 =	vadd.f32 v2, v3;
	_ =	sdelay $0x1  }
0x276: {  	[tilespmem:s9+$0x6000] =	vst v2  }
0x277: {  	[spmem:s18] =	stream.indirect.scatter.add.f32 [tilespmem:s0], [sflag:$0x7], $0x1, s31, s31, $0xb8;
	[tilespmem:$0xF200] =	vst v63  }
0x278: {  	_ =	swait.ge [sflag:s2], $0x2000  }
0x279: {  	[sflag:s2] =	ssyncset.done $0x0  }
0x27a: {  	[sflag:s2] =	ssyncadd.s32 $0xFFFFE000  }
0x27b: {  	[spmem:s22] =	stream.indirect.scatter.add.f32 [tilespmem:s3], [sflag:$0x7], $0x1, s31, s31, $0xb8;
	[tilespmem:$0xF200] =	vst v63  }
0x27c: {  	_ =	swait.ge [sflag:s2], $0x2000  }
0x27d: {  	[sflag:s2] =	ssyncset.done $0x0  }
0x27e: {  	s10 =	simm.s32 @!p0 $0x20;
	s11 =	simm.s32 @!p0 $0x10;
	[sflag:s2] =	ssyncadd.s32 $0xFFFFE000  }
0x27f: {  	s12 =	simm.s32 @!p0 $0x1C07;
	s9 =	simm.s32 @!p0 $0x1;
	[bflag:$0x0] =	sbarrier.arrive $0xFFFF  }
0x280: {  	[hbm:s21@s10], [sflag:s12] =	dma.strided @!p0 [spmem:s7@s11], $0x200, s9, $0x10   }
0x281: {  	s7 =	simm.s32 @!p0 $0x7  }
0x282: {  	_ =	swait.ge @!p0 [sflag:s7], $0x200  }
0x283: {  	s15 =	sadd.s32 $0x1, s15;
	[sflag:s7] =	ssyncset.done @!p0 $0x0  }
0x284: {  	p1 =	sne.s32 s15, s24;
	[sflag:s7] =	ssyncadd.s32 @!p0 $0xFFFFFE00  }
0x285: {  	[hbm:s23@s10], [sflag:s12] =	dma.strided @!p0 [spmem:s8@s11], $0x200, s9, $0x10   }
.Ltmp18:
0x286: {  	_ =	swait.ge @!p0 [sflag:s7], $0x200;
	(pc) =	sbr.rel @p1 .LBB2_1-.Ltmp18, $3  }
0x287: {  	[sflag:s7] =	ssyncset.done @!p0 $0x0  }
0x288: {  	[sflag:s7] =	ssyncadd.s32 @!p0 $0xFFFFFE00  }
0x289: {  	[bflag:$0x0] =	sbarrier.arrive $0xFFFF;
	_ =	sdelay $0x1  }
0x28a: {  	_ =	sfence.sel $0x180000  }
0x28b: {  	[bflag:$0x0] =	sbarrier.arrive $0xFFFF  }
0x28c: {  	_ =	strace $0x90000047  }
0x28d: {  	[bflag:$0x2] =	sbarrier.arrive $0xFFFF  }
0x28e: {  	s0 =	rddreg [dreg:$0x5]  }
0x28f: {  	s0 =	sadd.s32 @!p0 $0x100000, s0  }
0x290: {  	[sflag:s0] =	ssyncadd.tile.s32 @!p0 $0x1;
	_ =	shalt  }
.Lfunc_end2:
_tile_overlayer_lowered:
.L_overlay_start_2:
0x291: {  	(tag) =	ssettag $0x2  }
0x292: {  	s0 =	rddreg [dreg:$0x0];
	s2 =	stileid.u32  }
0x293: {  	s1 =	rddreg [dreg:$0x1];
	p0 =	sne.s32 s2, $0x0  }
0x294: {  	s3 =	rddreg [dreg:$0x2];
	[bflag:$0x3] =	sbarrier.arrive $0xFFFF;
	s2 =	simm.s32 @!p0 $0x1C07  }
0x295: {  	[timem:s3], [sflag:s2] =	dma.local @!p0 [hbm:s0], s1  }
0x296: {  	s0 =	simm.s32 @!p0 $0x7  }
0x297: {  	_ =	swait.ge @!p0 [sflag:s0], s1  }
0x298: {  	s1 =	ssub.s32 @!p0 $0x0, s1;
	[sflag:s0] =	ssyncset.done @!p0 $0x0  }
0x299: {  	[sflag:s0] =	ssyncadd.s32 @!p0 s1  }
0x29a: {  	[bflag:$0x3] =	sbarrier.arrive $0xFFFF  }
0x29b: {  	_ =	shalt  }

</sc_bundles>
